<compile_context>
chip_gen: v7x
topology: tpu7x:2x2x1
jax: 0.10.2.dev20260603
libtpu: 0.0.44.dev20260713+nightly
codegen_flags: <defaults>
</compile_context>

<pallas_src>
import functools

import numpy as np

import jax
import jax.numpy as jnp
from jax import lax
from jax.experimental import pallas as pl
from jax.experimental.pallas import tpu as pltpu
from jax.experimental.pallas import tpu_sc as plsc

_SC_CORES = 2
_SC_TILES = 16
_EDGE_CHUNK = 125
_NBUF = 2


def _sc_agg(x, src_idx, dst_idx, F_out, feat_split):
    n_rows = x.shape[0] // (2 if feat_split else 1)
    n_chunks, K = src_idx.shape[-2:]
    assert K == _EDGE_CHUNK and n_chunks % _NBUF == 0
    rows_per_tile = (n_rows // _SC_TILES + 7) // 8 * 8
    n_pad = rows_per_tile * _SC_TILES

    mesh = plsc.VectorSubcoreMesh(core_axis_name="c", subcore_axis_name="s",
                                  num_cores=_SC_CORES, num_subcores=_SC_TILES)

    @functools.partial(
        pl.kernel,
        mesh=mesh,
        compiler_params=pltpu.CompilerParams(use_tc_tiling_on_sc=False),
        out_type=jax.ShapeDtypeStruct((_SC_CORES, n_pad, F_out), jnp.float32),
        scratch_types=[
            pltpu.VMEM((n_chunks, K), jnp.int32),
            pltpu.VMEM((n_chunks, K), jnp.int32),
            pltpu.VMEM((_NBUF, K, F_out), jnp.float32),
            pltpu.VMEM_SHARED((n_pad, F_out), jnp.float32),
            pltpu.SemaphoreType.DMA,
            pltpu.SemaphoreType.DMA,
        ],
    )
    def agg_kernel(x_hbm, src_hbm, dst_hbm, zero_hbm, out_hbm,
                   src_v, dst_v, rows_v, acc_sh, sem0, sem1):
        cid = lax.axis_index("c")
        sid = lax.axis_index("s")
        sems = (sem0, sem1)
        if feat_split:
            pltpu.sync_copy(src_hbm.at[cid, sid], src_v)
            pltpu.sync_copy(dst_hbm.at[sid], dst_v)
        else:
            wid = cid * _SC_TILES + sid
            pltpu.sync_copy(src_hbm.at[wid], src_v)
            pltpu.sync_copy(dst_hbm.at[wid], dst_v)
        pltpu.sync_copy(zero_hbm, acc_sh.at[pl.ds(sid * rows_per_tile, rows_per_tile)])
        plsc.subcore_barrier()

        for b in range(_NBUF):
            pltpu.async_copy(x_hbm.at[src_v.at[b]], rows_v.at[b], sems[b])

        def body(g, carry):
            for b in range(_NBUF):
                j = g * _NBUF + b
                pltpu.make_async_copy(x_hbm.at[src_v.at[j]], rows_v.at[b],
                                      sems[b]).wait()
                pltpu.sync_copy(rows_v.at[b], acc_sh.at[dst_v.at[j]], add=True)

                @pl.when(j + _NBUF < n_chunks)
                def _issue_next():
                    pltpu.async_copy(x_hbm.at[src_v.at[j + _NBUF]],
                                     rows_v.at[b], sems[b])
            return carry

        lax.fori_loop(0, n_chunks // _NBUF, body, 0)
        plsc.subcore_barrier()
        pltpu.sync_copy(acc_sh.at[pl.ds(sid * rows_per_tile, rows_per_tile)],
                        out_hbm.at[cid, pl.ds(sid * rows_per_tile, rows_per_tile)])

    zeros = jnp.zeros((rows_per_tile, F_out), jnp.float32)
    return agg_kernel(x, src_idx, dst_idx, zeros)


def _sigmoid(v):
    return 1.0 / (1.0 + jnp.exp(-v))


def _relu(v):
    return jnp.maximum(v, 0.0)


def _expm1(v):
    vp = jnp.where(v > 0, 0.0, v)
    small = vp * (1.0 + vp * (0.5 + vp * (1.0 / 6.0)))
    return jnp.where(vp > -0.01, small, jnp.exp(vp) - 1.0)


def _elu(v):
    return jnp.where(v > 0, v, _expm1(v))


def _selu(v):
    alpha = 1.6732632423543772
    scale = 1.0507009873554805
    return scale * jnp.where(v > 0, v, alpha * _expm1(v))


def _gelu(v):
    sqrt_half = np.sqrt(0.5).astype(np.float32)
    return 0.5 * v * (1.0 + lax.erf(v * sqrt_half))


_ACTS = {"sigmoid": _sigmoid, "relu": _relu, "elu": _elu, "selu": _selu,
         "gelu": _gelu, "none": lambda v: v}


def _mlp_rows(inputs, layers, bn=None, post_act=None, block_rows=1000):
    N = inputs[0].shape[0]
    assert N % block_rows == 0
    grid = N // block_rows
    out_dim = layers[-1][0].shape[1]
    acts = [a for (_, _, a) in layers]

    def body(*refs):
        n_in = len(inputs)
        h = refs[0][...]
        for r in refs[1:n_in]:
            v = r[...]
            if v.ndim == 3 and v.shape[2] == h.shape[1]:
                h = h + (v[0] + v[1])
            elif v.ndim == 3:
                h = h + jnp.concatenate([v[0], v[1]], axis=-1)
            else:
                h = h + v
        for li in range(len(layers)):
            wt = refs[n_in + 2 * li][...]
            b = refs[n_in + 2 * li + 1][...]
            h = jnp.dot(h, wt, preferred_element_type=jnp.float32) + b
            h = _ACTS[acts[li]](h)
        if bn is not None:
            g_ref, be_ref, m_ref, v_ref = refs[n_in + 2 * len(layers):
                                               n_in + 2 * len(layers) + 4]
            h = (h - m_ref[...]) / jnp.sqrt(v_ref[...] + 1e-5) * g_ref[...] + be_ref[...]
            h = _ACTS[post_act](h)
        refs[-1][...] = h

    in_specs = [
        pl.BlockSpec((2, block_rows, a.shape[2]), lambda i: (0, i, 0))
        if a.ndim == 3 else
        pl.BlockSpec((block_rows, a.shape[1]), lambda i: (i, 0))
        for a in inputs
    ]
    operands = list(inputs)
    for (wt, b, _) in layers:
        operands.append(wt)
        operands.append(b.reshape(1, -1))
        in_specs.append(pl.BlockSpec(wt.shape, lambda i: (0, 0)))
        in_specs.append(pl.BlockSpec((1, b.shape[0]), lambda i: (0, 0)))
    if bn is not None:
        for name in ("gamma", "beta", "mean", "var"):
            operands.append(bn[name].reshape(1, -1))
            in_specs.append(pl.BlockSpec((1, bn[name].shape[0]), lambda i: (0, 0)))

    return pl.pallas_call(
        body,
        grid=(grid,),
        in_specs=in_specs,
        out_specs=pl.BlockSpec((block_rows, out_dim), lambda i: (i, 0)),
        out_shape=jax.ShapeDtypeStruct((N, out_dim), jnp.float32),
    )(*operands)


def _pool_and_head(x1, x2, x3, batch3d, head_layers, n_graphs, block_rows=1000):
    N, F = x1.shape
    assert N % block_rows == 0
    grid = N // block_rows

    def kbody(x1_ref, x2_ref, x3_ref, b_ref, *refs,
              _nl=len(head_layers)):
        w_refs = refs[:2 * _nl]
        o_ref = refs[2 * _nl]
        p1, p2, p3 = refs[2 * _nl + 1:2 * _nl + 4]
        i = pl.program_id(0)

        @pl.when(i == 0)
        def _init():
            p1[...] = jnp.zeros_like(p1)
            p2[...] = jnp.zeros_like(p2)
            p3[...] = jnp.zeros_like(p3)

        seg = b_ref[0, 0, :]
        onehot = (seg[None, :] == lax.broadcasted_iota(
            jnp.int32, (n_graphs, block_rows), 0)).astype(jnp.float32)
        hp = lax.Precision.HIGHEST
        p1[...] += jnp.dot(onehot, x1_ref[...], precision=hp,
                           preferred_element_type=jnp.float32)
        p2[...] += jnp.dot(onehot, x2_ref[...], precision=hp,
                           preferred_element_type=jnp.float32)
        p3[...] += jnp.dot(onehot, x3_ref[...], precision=hp,
                           preferred_element_type=jnp.float32)

        @pl.when(i == grid - 1)
        def _head():
            h = jnp.concatenate([p1[...], p2[...], p3[...]], axis=-1)
            for li in range(_nl):
                wt = w_refs[2 * li][...]
                b = w_refs[2 * li + 1][...]
                h = jnp.dot(h, wt, preferred_element_type=jnp.float32) + b
                h = _ACTS[head_layers[li][2]](h)
            o_ref[...] = h

    in_specs = [
        pl.BlockSpec((block_rows, F), lambda i: (i, 0)),
        pl.BlockSpec((block_rows, F), lambda i: (i, 0)),
        pl.BlockSpec((block_rows, F), lambda i: (i, 0)),
        pl.BlockSpec((1, 1, block_rows), lambda i: (i, 0, 0)),
    ]
    operands = [x1, x2, x3, batch3d]
    for (wt, b, _) in head_layers:
        operands.append(wt)
        operands.append(b.reshape(1, -1))
        in_specs.append(pl.BlockSpec(wt.shape, lambda i: (0, 0)))
        in_specs.append(pl.BlockSpec((1, b.shape[0]), lambda i: (0, 0)))

    return pl.pallas_call(
        kbody,
        grid=(grid,),
        in_specs=in_specs,
        out_specs=pl.BlockSpec((n_graphs, 1), lambda i: (0, 0)),
        out_shape=jax.ShapeDtypeStruct((n_graphs, 1), jnp.float32),
        scratch_shapes=[
            pltpu.VMEM((n_graphs, F), jnp.float32),
            pltpu.VMEM((n_graphs, F), jnp.float32),
            pltpu.VMEM((n_graphs, F), jnp.float32),
        ],
    )(*operands)


def _lin_t(p):
    return p["W"].T, p["b"]


def _mlp_layers(mlp):
    wt_il, b_il = _lin_t(mlp["il"])
    wt_1, b_1 = _lin_t(mlp["hl1"])
    wt_2, b_2 = _lin_t(mlp["hl2"])
    wt_3, b_3 = _lin_t(mlp["hl3"])
    wt_ol, b_ol = _lin_t(mlp["ol"])
    return [
        (wt_il, b_il, "sigmoid"),
        (wt_1, b_1, "relu"),
        (wt_2, b_2, "elu"),
        (wt_3, b_3, "selu"),
        (wt_ol, b_ol, "none"),
    ]


def kernel(x, edge_index, batch, params):
    p = params
    n_workers = _SC_CORES * _SC_TILES
    E = edge_index.shape[1]
    N = x.shape[0]
    D = x.shape[1]
    n_graphs = 128
    K = _EDGE_CHUNK
    src = edge_index[0].astype(jnp.int32)
    dst = edge_index[1].astype(jnp.int32)
    src3 = src.reshape(n_workers, E // n_workers // K, K)
    dst3 = dst.reshape(n_workers, E // n_workers // K, K)
    src4 = jnp.stack([src, src + N]).reshape(2, _SC_TILES, E // _SC_TILES // K, K)
    dst16 = dst.reshape(_SC_TILES, E // _SC_TILES // K, K)
    batch3d = batch.astype(jnp.int32).reshape(N // 1000, 1, 1000)

    w1t, b1 = _lin_t(p["lin1_pre"])
    w2t, b2 = _lin_t(p["lin2_pre"])
    h = _mlp_rows([x], [(w1t, b1, "sigmoid"), (w2t, b2, "relu")])

    h_halves = jnp.concatenate([h[:, :D // 2], h[:, D // 2:]], axis=0)
    a1 = _sc_agg(h_halves, src4, dst16, D // 2, feat_split=True)
    x1 = _mlp_rows([h, a1], _mlp_layers(p["mlp1"]), bn=p["bn1"],
                   post_act="sigmoid")

    a2 = _sc_agg(x1, src3, dst3, x1.shape[1], feat_split=False)
    x2 = _mlp_rows([x1, a2], _mlp_layers(p["mlp2"]), bn=p["bn2"],
                   post_act="relu")

    a3 = _sc_agg(x2, src3, dst3, x2.shape[1], feat_split=False)
    x3 = _mlp_rows([x2, a3], _mlp_layers(p["mlp3"]), bn=p["bn3"],
                   post_act="relu")

    head = []
    for name, act in (("il", "sigmoid"), ("hl1", "relu"), ("hl2", "elu"),
                      ("hl3", "selu"), ("hl4", "gelu"), ("ol", "none")):
        wt, b = _lin_t(p[name])
        head.append((wt, b, act))

    return _pool_and_head(x1, x2, x3, batch3d, head, n_graphs)

# --- scband reference (transcript-rebuilt; emitter-appended) ---
"""Pipeline reference for scband-gnn-gin-30915174597111 (READ-ONLY COPY).

The authoritative reference and input builder live on the scoring server;
editing this copy changes nothing except your own understanding.
"""

import jax, jax.numpy as jnp
import numpy as np

N = 10000
E = 320000
D = 128
OUT = 32
G = 128

def _lin(key, out_f, in_f):
    k1, k2 = jax.random.split(key)
    return {'W': jax.random.normal(k1, (out_f, in_f), jnp.float32) * 0.02,
            'b': jnp.zeros((out_f,), jnp.float32)}

def _mlp(key, in_f, out_f):
    ks = jax.random.split(key, 5)
    return {'il': _lin(ks[0], 512, in_f),
            'hl1': _lin(ks[1], 256, 512),
            'hl2': _lin(ks[2], 64, 256),
            'hl3': _lin(ks[3], 64, 64),
            'ol': _lin(ks[4], out_f, 64)}

def _bn(dim):
    return {'gamma': jnp.ones((dim,), jnp.float32),
            'beta': jnp.zeros((dim,), jnp.float32),
            'mean': jnp.zeros((dim,), jnp.float32),
            'var': jnp.ones((dim,), jnp.float32)}

def setup_inputs(seed: int = 0):
    key = jax.random.key(seed)
    ks = jax.random.split(key, 16)
    x = jax.random.normal(ks[0], (N, D), jnp.float32)
    edge_index = jax.random.randint(ks[1], (2, E), 0, N, jnp.int64) if jax.config.jax_enable_x64 else jax.random.randint(ks[1], (2, E), 0, N, jnp.int32)
    batch = jnp.sort(jax.random.randint(ks[2], (N,), 0, G, jnp.int32))
    params = {
        'lin1_pre': _lin(ks[3], 512, D),
        'lin2_pre': _lin(ks[4], D, 512),
        'mlp1': _mlp(ks[5], D, OUT),
        'mlp2': _mlp(ks[6], OUT, OUT),
        'mlp3': _mlp(ks[7], OUT, OUT),
        'bn1': _bn(OUT), 'bn2': _bn(OUT), 'bn3': _bn(OUT),
        'il': _lin(ks[8], 512, 3 * OUT),
        'hl1': _lin(ks[9], 256, 512),
        'hl2': _lin(ks[10], 64, 256),
        'hl3': _lin(ks[11], 16, 64),
        'hl4': _lin(ks[12], 16, 16),
        'ol': _lin(ks[13], 1, 16),
    }
    return {'x': x, 'edge_index': edge_index, 'batch': batch, 'params': params}

def _apply_lin(p, x):
    return x @ p['W'].T + p['b']

def _apply_mlp(p, x):
    h = jax.nn.sigmoid(_apply_lin(p['il'], x))
    h = jax.nn.relu(_apply_lin(p['hl1'], h))
    h = jax.nn.elu(_apply_lin(p['hl2'], h))
    h = jax.nn.selu(_apply_lin(p['hl3'], h))
    return _apply_lin(p['ol'], h)

def _apply_bn(p, x):
    return (x - p['mean']) / jnp.sqrt(p['var'] + 1e-5) * p['gamma'] + p['beta']

def _gin_conv(p_mlp, x, edge_index, eps=0.0):
    src = edge_index[0]
    dst = edge_index[1]
    agg = jnp.zeros_like(x).at[dst].add(x[src])
    return _apply_mlp(p_mlp, (1.0 + eps) * x + agg)

def reference(x, edge_index, batch, params):
    h = jax.nn.sigmoid(_apply_lin(params['lin1_pre'], x))
    h = jax.nn.relu(_apply_lin(params['lin2_pre'], h))
    x1 = jax.nn.sigmoid(_apply_bn(params['bn1'], _gin_conv(params['mlp1'], h, edge_index)))
    x2 = jax.nn.relu(_apply_bn(params['bn2'], _gin_conv(params['mlp2'], x1, edge_index)))
    x3 = jax.nn.relu(_apply_bn(params['bn3'], _gin_conv(params['mlp3'], x2, edge_index)))
    cat = jnp.concatenate([x1, x2, x3], axis=-1)
    pooled = jax.ops.segment_sum(cat, batch, num_segments=G)
    out = jax.nn.sigmoid(_apply_lin(params['il'], pooled))
    out = jax.nn.relu(_apply_lin(params['hl1'], out))
    out = jax.nn.elu(_apply_lin(params['hl2'], out))
    out = jax.nn.selu(_apply_lin(params['hl3'], out))
    out = jax.nn.gelu(_apply_lin(params['hl4'], out), approximate=False)
    out = _apply_lin(params['ol'], out)
    return out

if __name__ == "__main__":
    import jax
    _d = setup_inputs()
    print(jax.jit(kernel)(*tuple(_d.values())))

</pallas_src>

<mosaic_0001>
#map = affine_map<(d0, d1) -> (0, 0)>
#map1 = affine_map<(d0, d1) -> (0, 0, 0)>
module attributes {stable_mosaic.version = 14 : i64} {
  func.func @agg_kernel(%arg0: i32, %arg1: i32, %arg2: memref<10000x32xf32, #tpu.memory_space<hbm>>, %arg3: memref<32x80x125xi32, #tpu.memory_space<hbm>>, %arg4: memref<32x80x125xi32, #tpu.memory_space<hbm>>, %arg5: memref<632x32xf32, #tpu.memory_space<hbm>>, %arg6: memref<2x10112x32xf32, #tpu.memory_space<hbm>>, %arg7: memref<80x125xi32, #tpu.memory_space<vmem>>, %arg8: memref<80x125xi32, #tpu.memory_space<vmem>>, %arg9: memref<2x125x32xf32, #tpu.memory_space<vmem>>, %arg10: memref<10112x32xf32, #tpu.memory_space<vmem_shared>>, %arg11: memref<!tpu.dma_semaphore, #tpu.memory_space<semaphore_mem>>, %arg12: memref<!tpu.dma_semaphore, #tpu.memory_space<semaphore_mem>>) attributes {dimension_semantics = [#tpu.dimension_semantics<core_parallel>, #tpu.dimension_semantics<subcore_parallel>], iteration_bounds = array<i64: 2, 16>, scalar_prefetch = 0 : i64, scratch_operands = 6 : i64, tpu.core_type = #tpu.core_type<sc_vector_subcore>, window_params = [{transform_indices = #map}, {transform_indices = #map1}, {transform_indices = #map1}, {transform_indices = #map}, {transform_indices = #map1}]} {
    %mul3A = arith.constant 16 : i32
    %mul3A_0 = arith.muli %arg0, %mul3A : i32
    %add3A = arith.addi %mul3A_0, %arg1 : i32
    "tpu.region"() ({
      %run_scoped3A = tpu.sem_alloc : memref<!tpu.dma_semaphore, #tpu.memory_space<semaphore_mem>>
      %dma_start3A_36 = arith.constant 0 : i32
      %dma_start3A_37 = arith.constant 0 : i32
      %dma_start3A_38 = tpu.memref_slice %arg3[%add3A, %dma_start3A_36, %dma_start3A_37] : memref<32x80x125xi32, #tpu.memory_space<hbm>> -> memref<1x80x125xi32, #tpu.memory_space<hbm>>
      %dma_start3A_39 = tpu.memref_squeeze %dma_start3A_38 : memref<1x80x125xi32, #tpu.memory_space<hbm>> -> memref<80x125xi32, #tpu.memory_space<hbm>>
      %dma_start3A_40 = arith.constant 0 : i32
      %dma_start3A_41 = arith.constant 0 : i32
      %dma_start3A_42 = tpu.memref_slice %arg3[%add3A, %dma_start3A_40, %dma_start3A_41] : memref<32x80x125xi32, #tpu.memory_space<hbm>> -> memref<1x80x125xi32, #tpu.memory_space<hbm>>
      %dma_start3A_43 = tpu.memref_squeeze %dma_start3A_42 : memref<1x80x125xi32, #tpu.memory_space<hbm>> -> memref<80x125xi32, #tpu.memory_space<hbm>>
      tpu.enqueue_dma source(%dma_start3A_43 : memref<80x125xi32, #tpu.memory_space<hbm>>) target(%arg7 : memref<80x125xi32, #tpu.memory_space<vmem>>) target_semaphore(%run_scoped3A : memref<!tpu.dma_semaphore, #tpu.memory_space<semaphore_mem>>)
      %dma_wait3A = arith.constant 0 : i32
      %dma_wait3A_44 = arith.constant 0 : i32
      %dma_wait3A_45 = tpu.memref_slice %arg3[%add3A, %dma_wait3A, %dma_wait3A_44] : memref<32x80x125xi32, #tpu.memory_space<hbm>> -> memref<1x80x125xi32, #tpu.memory_space<hbm>>
      %dma_wait3A_46 = tpu.memref_squeeze %dma_wait3A_45 : memref<1x80x125xi32, #tpu.memory_space<hbm>> -> memref<80x125xi32, #tpu.memory_space<hbm>>
      %dma_wait3A_47 = arith.constant 0 : i32
      %dma_wait3A_48 = arith.constant 0 : i32
      %dma_wait3A_49 = tpu.memref_slice %arg3[%add3A, %dma_wait3A_47, %dma_wait3A_48] : memref<32x80x125xi32, #tpu.memory_space<hbm>> -> memref<1x80x125xi32, #tpu.memory_space<hbm>>
      %dma_wait3A_50 = tpu.memref_squeeze %dma_wait3A_49 : memref<1x80x125xi32, #tpu.memory_space<hbm>> -> memref<80x125xi32, #tpu.memory_space<hbm>>
      tpu.wait_dma2 semaphore(%run_scoped3A : memref<!tpu.dma_semaphore, #tpu.memory_space<semaphore_mem>>) src(%dma_wait3A_50 : memref<80x125xi32, #tpu.memory_space<hbm>>) dst(%arg7 : memref<80x125xi32, #tpu.memory_space<vmem>>)
      tpu.yield
    }) : () -> ()
    "tpu.region"() ({
      %run_scoped3A = tpu.sem_alloc : memref<!tpu.dma_semaphore, #tpu.memory_space<semaphore_mem>>
      %dma_start3A_36 = arith.constant 0 : i32
      %dma_start3A_37 = arith.constant 0 : i32
      %dma_start3A_38 = tpu.memref_slice %arg4[%add3A, %dma_start3A_36, %dma_start3A_37] : memref<32x80x125xi32, #tpu.memory_space<hbm>> -> memref<1x80x125xi32, #tpu.memory_space<hbm>>
      %dma_start3A_39 = tpu.memref_squeeze %dma_start3A_38 : memref<1x80x125xi32, #tpu.memory_space<hbm>> -> memref<80x125xi32, #tpu.memory_space<hbm>>
      %dma_start3A_40 = arith.constant 0 : i32
      %dma_start3A_41 = arith.constant 0 : i32
      %dma_start3A_42 = tpu.memref_slice %arg4[%add3A, %dma_start3A_40, %dma_start3A_41] : memref<32x80x125xi32, #tpu.memory_space<hbm>> -> memref<1x80x125xi32, #tpu.memory_space<hbm>>
      %dma_start3A_43 = tpu.memref_squeeze %dma_start3A_42 : memref<1x80x125xi32, #tpu.memory_space<hbm>> -> memref<80x125xi32, #tpu.memory_space<hbm>>
      tpu.enqueue_dma source(%dma_start3A_43 : memref<80x125xi32, #tpu.memory_space<hbm>>) target(%arg8 : memref<80x125xi32, #tpu.memory_space<vmem>>) target_semaphore(%run_scoped3A : memref<!tpu.dma_semaphore, #tpu.memory_space<semaphore_mem>>)
      %dma_wait3A = arith.constant 0 : i32
      %dma_wait3A_44 = arith.constant 0 : i32
      %dma_wait3A_45 = tpu.memref_slice %arg4[%add3A, %dma_wait3A, %dma_wait3A_44] : memref<32x80x125xi32, #tpu.memory_space<hbm>> -> memref<1x80x125xi32, #tpu.memory_space<hbm>>
      %dma_wait3A_46 = tpu.memref_squeeze %dma_wait3A_45 : memref<1x80x125xi32, #tpu.memory_space<hbm>> -> memref<80x125xi32, #tpu.memory_space<hbm>>
      %dma_wait3A_47 = arith.constant 0 : i32
      %dma_wait3A_48 = arith.constant 0 : i32
      %dma_wait3A_49 = tpu.memref_slice %arg4[%add3A, %dma_wait3A_47, %dma_wait3A_48] : memref<32x80x125xi32, #tpu.memory_space<hbm>> -> memref<1x80x125xi32, #tpu.memory_space<hbm>>
      %dma_wait3A_50 = tpu.memref_squeeze %dma_wait3A_49 : memref<1x80x125xi32, #tpu.memory_space<hbm>> -> memref<80x125xi32, #tpu.memory_space<hbm>>
      tpu.wait_dma2 semaphore(%run_scoped3A : memref<!tpu.dma_semaphore, #tpu.memory_space<semaphore_mem>>) src(%dma_wait3A_50 : memref<80x125xi32, #tpu.memory_space<hbm>>) dst(%arg8 : memref<80x125xi32, #tpu.memory_space<vmem>>)
      tpu.yield
    }) : () -> ()
    %mul3A_1 = arith.constant 632 : i32
    %mul3A_2 = arith.muli %arg1, %mul3A_1 : i32
    "tpu.region"() ({
      %run_scoped3A = tpu.sem_alloc : memref<!tpu.dma_semaphore, #tpu.memory_space<semaphore_mem>>
      %dma_start3A_36 = arith.constant 0 : i32
      %dma_start3A_37 = tpu.memref_slice %arg10[%mul3A_2, %dma_start3A_36] : memref<10112x32xf32, #tpu.memory_space<vmem_shared>> -> memref<632x32xf32, #tpu.memory_space<vmem_shared>>
      tpu.enqueue_dma source(%arg5 : memref<632x32xf32, #tpu.memory_space<hbm>>) target(%dma_start3A_37 : memref<632x32xf32, #tpu.memory_space<vmem_shared>>) target_semaphore(%run_scoped3A : memref<!tpu.dma_semaphore, #tpu.memory_space<semaphore_mem>>)
      %dma_wait3A = arith.constant 0 : i32
      %dma_wait3A_38 = tpu.memref_slice %arg10[%mul3A_2, %dma_wait3A] : memref<10112x32xf32, #tpu.memory_space<vmem_shared>> -> memref<632x32xf32, #tpu.memory_space<vmem_shared>>
      tpu.wait_dma2 semaphore(%run_scoped3A : memref<!tpu.dma_semaphore, #tpu.memory_space<semaphore_mem>>) src(%arg5 : memref<632x32xf32, #tpu.memory_space<hbm>>) dst(%dma_wait3A_38 : memref<632x32xf32, #tpu.memory_space<vmem_shared>>)
      tpu.yield
    }) : () -> ()
    %barrier3A = arith.constant 0 : index
    tpu.barrier barrier_id(%barrier3A)
    %dma_start3A = arith.constant 0 : i32
    %dma_start3A_3 = arith.constant 0 : i32
    %dma_start3A_4 = arith.constant 0 : i32
    %dma_start3A_5 = arith.constant 0 : i32
    %dma_start3A_6 = tpu.memref_slice %arg9[%dma_start3A_3, %dma_start3A_4, %dma_start3A_5] : memref<2x125x32xf32, #tpu.memory_space<vmem>> -> memref<1x125x32xf32, #tpu.memory_space<vmem>>
    %dma_start3A_7 = tpu.memref_squeeze %dma_start3A_6 : memref<1x125x32xf32, #tpu.memory_space<vmem>> -> memref<125x32xf32, #tpu.memory_space<vmem>>
    %dma_start3A_8 = arith.constant 0 : i32
    %dma_start3A_9 = tpu.memref_slice %arg7[%dma_start3A, %dma_start3A_8] : memref<80x125xi32, #tpu.memory_space<vmem>> -> memref<1x125xi32, #tpu.memory_space<vmem>>
    %dma_start3A_10 = tpu.memref_squeeze %dma_start3A_9 : memref<1x125xi32, #tpu.memory_space<vmem>> -> memref<125xi32, #tpu.memory_space<vmem>>
    %dma_start3A_11 = arith.constant 0 : i32
    %dma_start3A_12 = arith.constant 0 : i32
    %dma_start3A_13 = tpu.memref_slice %arg2[%dma_start3A_11, %dma_start3A_12] : memref<10000x32xf32, #tpu.memory_space<hbm>> -> memref<10000x32xf32, #tpu.memory_space<hbm>>
    tpu.enqueue_indirect_dma source(%dma_start3A_13 : memref<10000x32xf32, #tpu.memory_space<hbm>>) target(%dma_start3A_7 : memref<125x32xf32, #tpu.memory_space<vmem>>) offsets(%dma_start3A_10 : memref<125xi32, #tpu.memory_space<vmem>>) semaphore(%arg11 : memref<!tpu.dma_semaphore, #tpu.memory_space<semaphore_mem>>)
    %dma_start3A_14 = arith.constant 1 : i32
    %dma_start3A_15 = arith.constant 1 : i32
    %dma_start3A_16 = arith.constant 0 : i32
    %dma_start3A_17 = arith.constant 0 : i32
    %dma_start3A_18 = tpu.memref_slice %arg9[%dma_start3A_15, %dma_start3A_16, %dma_start3A_17] : memref<2x125x32xf32, #tpu.memory_space<vmem>> -> memref<1x125x32xf32, #tpu.memory_space<vmem>>
    %dma_start3A_19 = tpu.memref_squeeze %dma_start3A_18 : memref<1x125x32xf32, #tpu.memory_space<vmem>> -> memref<125x32xf32, #tpu.memory_space<vmem>>
    %dma_start3A_20 = arith.constant 0 : i32
    %dma_start3A_21 = tpu.memref_slice %arg7[%dma_start3A_14, %dma_start3A_20] : memref<80x125xi32, #tpu.memory_space<vmem>> -> memref<1x125xi32, #tpu.memory_space<vmem>>
    %dma_start3A_22 = tpu.memref_squeeze %dma_start3A_21 : memref<1x125xi32, #tpu.memory_space<vmem>> -> memref<125xi32, #tpu.memory_space<vmem>>
    %dma_start3A_23 = arith.constant 0 : i32
    %dma_start3A_24 = arith.constant 0 : i32
    %dma_start3A_25 = tpu.memref_slice %arg2[%dma_start3A_23, %dma_start3A_24] : memref<10000x32xf32, #tpu.memory_space<hbm>> -> memref<10000x32xf32, #tpu.memory_space<hbm>>
    tpu.enqueue_indirect_dma source(%dma_start3A_25 : memref<10000x32xf32, #tpu.memory_space<hbm>>) target(%dma_start3A_19 : memref<125x32xf32, #tpu.memory_space<vmem>>) offsets(%dma_start3A_22 : memref<125xi32, #tpu.memory_space<vmem>>) semaphore(%arg12 : memref<!tpu.dma_semaphore, #tpu.memory_space<semaphore_mem>>)
    %scan3A = arith.constant 0 : i32
    %scan3A_26 = arith.constant 0 : i32
    %scan3A_27 = arith.constant 40 : i32
    %scan3A_28 = arith.addi %scan3A_26, %scan3A_27 : i32
    %scan3A_29 = arith.constant 1 : i32
    scf.for %scan3A_36 = %scan3A_26 to %scan3A_28 step %scan3A_29  : i32 {
      %mul3A_37 = arith.constant 2 : i32
      %mul3A_38 = arith.muli %scan3A_36, %mul3A_37 : i32
      %add3A_39 = arith.constant 0 : i32
      %add3A_40 = arith.addi %mul3A_38, %add3A_39 : i32
      %dma_wait3A = arith.constant 0 : i32
      %dma_wait3A_41 = arith.constant 0 : i32
      %dma_wait3A_42 = arith.constant 0 : i32
      %dma_wait3A_43 = tpu.memref_slice %arg9[%dma_wait3A, %dma_wait3A_41, %dma_wait3A_42] : memref<2x125x32xf32, #tpu.memory_space<vmem>> -> memref<1x125x32xf32, #tpu.memory_space<vmem>>
      %dma_wait3A_44 = tpu.memref_squeeze %dma_wait3A_43 : memref<1x125x32xf32, #tpu.memory_space<vmem>> -> memref<125x32xf32, #tpu.memory_space<vmem>>
      %dma_wait3A_45 = arith.constant 0 : i32
      %dma_wait3A_46 = tpu.memref_slice %arg7[%add3A_40, %dma_wait3A_45] : memref<80x125xi32, #tpu.memory_space<vmem>> -> memref<1x125xi32, #tpu.memory_space<vmem>>
      %dma_wait3A_47 = tpu.memref_squeeze %dma_wait3A_46 : memref<1x125xi32, #tpu.memory_space<vmem>> -> memref<125xi32, #tpu.memory_space<vmem>>
      %dma_wait3A_48 = arith.constant 0 : i32
      %dma_wait3A_49 = arith.constant 0 : i32
      %dma_wait3A_50 = tpu.memref_slice %arg2[%dma_wait3A_48, %dma_wait3A_49] : memref<10000x32xf32, #tpu.memory_space<hbm>> -> memref<10000x32xf32, #tpu.memory_space<hbm>>
      tpu.wait_indirect_dma semaphore(%arg11 : memref<!tpu.dma_semaphore, #tpu.memory_space<semaphore_mem>>) src(%dma_wait3A_50 : memref<10000x32xf32, #tpu.memory_space<hbm>>) dst(%dma_wait3A_44 : memref<125x32xf32, #tpu.memory_space<vmem>>)
      %run_scoped3A = arith.constant 0 : i32
      "tpu.region"() ({
        %run_scoped3A_78 = tpu.sem_alloc : memref<!tpu.dma_semaphore, #tpu.memory_space<semaphore_mem>>
        %dma_start3A_79 = arith.constant 0 : i32
        %dma_start3A_80 = arith.constant 0 : i32
        %dma_start3A_81 = tpu.memref_slice %arg9[%run_scoped3A, %dma_start3A_79, %dma_start3A_80] : memref<2x125x32xf32, #tpu.memory_space<vmem>> -> memref<1x125x32xf32, #tpu.memory_space<vmem>>
        %dma_start3A_82 = tpu.memref_squeeze %dma_start3A_81 : memref<1x125x32xf32, #tpu.memory_space<vmem>> -> memref<125x32xf32, #tpu.memory_space<vmem>>
        %dma_start3A_83 = arith.constant 0 : i32
        %dma_start3A_84 = tpu.memref_slice %arg8[%add3A_40, %dma_start3A_83] : memref<80x125xi32, #tpu.memory_space<vmem>> -> memref<1x125xi32, #tpu.memory_space<vmem>>
        %dma_start3A_85 = tpu.memref_squeeze %dma_start3A_84 : memref<1x125xi32, #tpu.memory_space<vmem>> -> memref<125xi32, #tpu.memory_space<vmem>>
        %dma_start3A_86 = arith.constant 0 : i32
        %dma_start3A_87 = arith.constant 0 : i32
        %dma_start3A_88 = tpu.memref_slice %arg10[%dma_start3A_86, %dma_start3A_87] : memref<10112x32xf32, #tpu.memory_space<vmem_shared>> -> memref<10112x32xf32, #tpu.memory_space<vmem_shared>>
        tpu.enqueue_indirect_dma source(%dma_start3A_82 : memref<125x32xf32, #tpu.memory_space<vmem>>) target(%dma_start3A_88 : memref<10112x32xf32, #tpu.memory_space<vmem_shared>>) offsets(%dma_start3A_85 : memref<125xi32, #tpu.memory_space<vmem>>) semaphore(%run_scoped3A_78 : memref<!tpu.dma_semaphore, #tpu.memory_space<semaphore_mem>>) {add = true}
        %dma_wait3A_89 = arith.constant 0 : i32
        %dma_wait3A_90 = arith.constant 0 : i32
        %dma_wait3A_91 = tpu.memref_slice %arg9[%run_scoped3A, %dma_wait3A_89, %dma_wait3A_90] : memref<2x125x32xf32, #tpu.memory_space<vmem>> -> memref<1x125x32xf32, #tpu.memory_space<vmem>>
        %dma_wait3A_92 = tpu.memref_squeeze %dma_wait3A_91 : memref<1x125x32xf32, #tpu.memory_space<vmem>> -> memref<125x32xf32, #tpu.memory_space<vmem>>
        %dma_wait3A_93 = arith.constant 0 : i32
        %dma_wait3A_94 = tpu.memref_slice %arg8[%add3A_40, %dma_wait3A_93] : memref<80x125xi32, #tpu.memory_space<vmem>> -> memref<1x125xi32, #tpu.memory_space<vmem>>
        %dma_wait3A_95 = tpu.memref_squeeze %dma_wait3A_94 : memref<1x125xi32, #tpu.memory_space<vmem>> -> memref<125xi32, #tpu.memory_space<vmem>>
        %dma_wait3A_96 = arith.constant 0 : i32
        %dma_wait3A_97 = arith.constant 0 : i32
        %dma_wait3A_98 = tpu.memref_slice %arg10[%dma_wait3A_96, %dma_wait3A_97] : memref<10112x32xf32, #tpu.memory_space<vmem_shared>> -> memref<10112x32xf32, #tpu.memory_space<vmem_shared>>
        tpu.wait_indirect_dma semaphore(%run_scoped3A_78 : memref<!tpu.dma_semaphore, #tpu.memory_space<semaphore_mem>>) src(%dma_wait3A_92 : memref<125x32xf32, #tpu.memory_space<vmem>>) dst(%dma_wait3A_98 : memref<10112x32xf32, #tpu.memory_space<vmem_shared>>)
        tpu.yield
      }) : () -> ()
      %add3A_51 = arith.constant 2 : i32
      %add3A_52 = arith.addi %add3A_40, %add3A_51 : i32
      %lt3A = arith.constant 80 : i32
      %lt3A_53 = arith.cmpi slt, %add3A_52, %lt3A : i32
      %convert_element_type3A = arith.extui %lt3A_53 : i1 to i32
      %cond3A = arith.constant 0 : i32
      %cond3A_54 = arith.cmpi ne, %convert_element_type3A, %cond3A : i32
      scf.if %cond3A_54 {
        %add3A_78 = arith.constant 2 : i32
        %add3A_79 = arith.addi %add3A_40, %add3A_78 : i32
        %dma_start3A_80 = arith.constant 0 : i32
        %dma_start3A_81 = arith.constant 0 : i32
        %dma_start3A_82 = arith.constant 0 : i32
        %dma_start3A_83 = tpu.memref_slice %arg9[%dma_start3A_80, %dma_start3A_81, %dma_start3A_82] : memref<2x125x32xf32, #tpu.memory_space<vmem>> -> memref<1x125x32xf32, #tpu.memory_space<vmem>>
        %dma_start3A_84 = tpu.memref_squeeze %dma_start3A_83 : memref<1x125x32xf32, #tpu.memory_space<vmem>> -> memref<125x32xf32, #tpu.memory_space<vmem>>
        %dma_start3A_85 = arith.constant 0 : i32
        %dma_start3A_86 = tpu.memref_slice %arg7[%add3A_79, %dma_start3A_85] : memref<80x125xi32, #tpu.memory_space<vmem>> -> memref<1x125xi32, #tpu.memory_space<vmem>>
        %dma_start3A_87 = tpu.memref_squeeze %dma_start3A_86 : memref<1x125xi32, #tpu.memory_space<vmem>> -> memref<125xi32, #tpu.memory_space<vmem>>
        %dma_start3A_88 = arith.constant 0 : i32
        %dma_start3A_89 = arith.constant 0 : i32
        %dma_start3A_90 = tpu.memref_slice %arg2[%dma_start3A_88, %dma_start3A_89] : memref<10000x32xf32, #tpu.memory_space<hbm>> -> memref<10000x32xf32, #tpu.memory_space<hbm>>
        tpu.enqueue_indirect_dma source(%dma_start3A_90 : memref<10000x32xf32, #tpu.memory_space<hbm>>) target(%dma_start3A_84 : memref<125x32xf32, #tpu.memory_space<vmem>>) offsets(%dma_start3A_87 : memref<125xi32, #tpu.memory_space<vmem>>) semaphore(%arg11 : memref<!tpu.dma_semaphore, #tpu.memory_space<semaphore_mem>>)
      } else {
      }
      %mul3A_55 = arith.constant 2 : i32
      %mul3A_56 = arith.muli %scan3A_36, %mul3A_55 : i32
      %add3A_57 = arith.constant 1 : i32
      %add3A_58 = arith.addi %mul3A_56, %add3A_57 : i32
      %dma_wait3A_59 = arith.constant 1 : i32
      %dma_wait3A_60 = arith.constant 0 : i32
      %dma_wait3A_61 = arith.constant 0 : i32
      %dma_wait3A_62 = tpu.memref_slice %arg9[%dma_wait3A_59, %dma_wait3A_60, %dma_wait3A_61] : memref<2x125x32xf32, #tpu.memory_space<vmem>> -> memref<1x125x32xf32, #tpu.memory_space<vmem>>
      %dma_wait3A_63 = tpu.memref_squeeze %dma_wait3A_62 : memref<1x125x32xf32, #tpu.memory_space<vmem>> -> memref<125x32xf32, #tpu.memory_space<vmem>>
      %dma_wait3A_64 = arith.constant 0 : i32
      %dma_wait3A_65 = tpu.memref_slice %arg7[%add3A_58, %dma_wait3A_64] : memref<80x125xi32, #tpu.memory_space<vmem>> -> memref<1x125xi32, #tpu.memory_space<vmem>>
      %dma_wait3A_66 = tpu.memref_squeeze %dma_wait3A_65 : memref<1x125xi32, #tpu.memory_space<vmem>> -> memref<125xi32, #tpu.memory_space<vmem>>
      %dma_wait3A_67 = arith.constant 0 : i32
      %dma_wait3A_68 = arith.constant 0 : i32
      %dma_wait3A_69 = tpu.memref_slice %arg2[%dma_wait3A_67, %dma_wait3A_68] : memref<10000x32xf32, #tpu.memory_space<hbm>> -> memref<10000x32xf32, #tpu.memory_space<hbm>>
      tpu.wait_indirect_dma semaphore(%arg12 : memref<!tpu.dma_semaphore, #tpu.memory_space<semaphore_mem>>) src(%dma_wait3A_69 : memref<10000x32xf32, #tpu.memory_space<hbm>>) dst(%dma_wait3A_63 : memref<125x32xf32, #tpu.memory_space<vmem>>)
      %run_scoped3A_70 = arith.constant 1 : i32
      "tpu.region"() ({
        %run_scoped3A_78 = tpu.sem_alloc : memref<!tpu.dma_semaphore, #tpu.memory_space<semaphore_mem>>
        %dma_start3A_79 = arith.constant 0 : i32
        %dma_start3A_80 = arith.constant 0 : i32
        %dma_start3A_81 = tpu.memref_slice %arg9[%run_scoped3A_70, %dma_start3A_79, %dma_start3A_80] : memref<2x125x32xf32, #tpu.memory_space<vmem>> -> memref<1x125x32xf32, #tpu.memory_space<vmem>>
        %dma_start3A_82 = tpu.memref_squeeze %dma_start3A_81 : memref<1x125x32xf32, #tpu.memory_space<vmem>> -> memref<125x32xf32, #tpu.memory_space<vmem>>
        %dma_start3A_83 = arith.constant 0 : i32
        %dma_start3A_84 = tpu.memref_slice %arg8[%add3A_58, %dma_start3A_83] : memref<80x125xi32, #tpu.memory_space<vmem>> -> memref<1x125xi32, #tpu.memory_space<vmem>>
        %dma_start3A_85 = tpu.memref_squeeze %dma_start3A_84 : memref<1x125xi32, #tpu.memory_space<vmem>> -> memref<125xi32, #tpu.memory_space<vmem>>
        %dma_start3A_86 = arith.constant 0 : i32
        %dma_start3A_87 = arith.constant 0 : i32
        %dma_start3A_88 = tpu.memref_slice %arg10[%dma_start3A_86, %dma_start3A_87] : memref<10112x32xf32, #tpu.memory_space<vmem_shared>> -> memref<10112x32xf32, #tpu.memory_space<vmem_shared>>
        tpu.enqueue_indirect_dma source(%dma_start3A_82 : memref<125x32xf32, #tpu.memory_space<vmem>>) target(%dma_start3A_88 : memref<10112x32xf32, #tpu.memory_space<vmem_shared>>) offsets(%dma_start3A_85 : memref<125xi32, #tpu.memory_space<vmem>>) semaphore(%run_scoped3A_78 : memref<!tpu.dma_semaphore, #tpu.memory_space<semaphore_mem>>) {add = true}
        %dma_wait3A_89 = arith.constant 0 : i32
        %dma_wait3A_90 = arith.constant 0 : i32
        %dma_wait3A_91 = tpu.memref_slice %arg9[%run_scoped3A_70, %dma_wait3A_89, %dma_wait3A_90] : memref<2x125x32xf32, #tpu.memory_space<vmem>> -> memref<1x125x32xf32, #tpu.memory_space<vmem>>
        %dma_wait3A_92 = tpu.memref_squeeze %dma_wait3A_91 : memref<1x125x32xf32, #tpu.memory_space<vmem>> -> memref<125x32xf32, #tpu.memory_space<vmem>>
        %dma_wait3A_93 = arith.constant 0 : i32
        %dma_wait3A_94 = tpu.memref_slice %arg8[%add3A_58, %dma_wait3A_93] : memref<80x125xi32, #tpu.memory_space<vmem>> -> memref<1x125xi32, #tpu.memory_space<vmem>>
        %dma_wait3A_95 = tpu.memref_squeeze %dma_wait3A_94 : memref<1x125xi32, #tpu.memory_space<vmem>> -> memref<125xi32, #tpu.memory_space<vmem>>
        %dma_wait3A_96 = arith.constant 0 : i32
        %dma_wait3A_97 = arith.constant 0 : i32
        %dma_wait3A_98 = tpu.memref_slice %arg10[%dma_wait3A_96, %dma_wait3A_97] : memref<10112x32xf32, #tpu.memory_space<vmem_shared>> -> memref<10112x32xf32, #tpu.memory_space<vmem_shared>>
        tpu.wait_indirect_dma semaphore(%run_scoped3A_78 : memref<!tpu.dma_semaphore, #tpu.memory_space<semaphore_mem>>) src(%dma_wait3A_92 : memref<125x32xf32, #tpu.memory_space<vmem>>) dst(%dma_wait3A_98 : memref<10112x32xf32, #tpu.memory_space<vmem_shared>>)
        tpu.yield
      }) : () -> ()
      %add3A_71 = arith.constant 2 : i32
      %add3A_72 = arith.addi %add3A_58, %add3A_71 : i32
      %lt3A_73 = arith.constant 80 : i32
      %lt3A_74 = arith.cmpi slt, %add3A_72, %lt3A_73 : i32
      %convert_element_type3A_75 = arith.extui %lt3A_74 : i1 to i32
      %cond3A_76 = arith.constant 0 : i32
      %cond3A_77 = arith.cmpi ne, %convert_element_type3A_75, %cond3A_76 : i32
      scf.if %cond3A_77 {
        %add3A_78 = arith.constant 2 : i32
        %add3A_79 = arith.addi %add3A_58, %add3A_78 : i32
        %dma_start3A_80 = arith.constant 1 : i32
        %dma_start3A_81 = arith.constant 0 : i32
        %dma_start3A_82 = arith.constant 0 : i32
        %dma_start3A_83 = tpu.memref_slice %arg9[%dma_start3A_80, %dma_start3A_81, %dma_start3A_82] : memref<2x125x32xf32, #tpu.memory_space<vmem>> -> memref<1x125x32xf32, #tpu.memory_space<vmem>>
        %dma_start3A_84 = tpu.memref_squeeze %dma_start3A_83 : memref<1x125x32xf32, #tpu.memory_space<vmem>> -> memref<125x32xf32, #tpu.memory_space<vmem>>
        %dma_start3A_85 = arith.constant 0 : i32
        %dma_start3A_86 = tpu.memref_slice %arg7[%add3A_79, %dma_start3A_85] : memref<80x125xi32, #tpu.memory_space<vmem>> -> memref<1x125xi32, #tpu.memory_space<vmem>>
        %dma_start3A_87 = tpu.memref_squeeze %dma_start3A_86 : memref<1x125xi32, #tpu.memory_space<vmem>> -> memref<125xi32, #tpu.memory_space<vmem>>
        %dma_start3A_88 = arith.constant 0 : i32
        %dma_start3A_89 = arith.constant 0 : i32
        %dma_start3A_90 = tpu.memref_slice %arg2[%dma_start3A_88, %dma_start3A_89] : memref<10000x32xf32, #tpu.memory_space<hbm>> -> memref<10000x32xf32, #tpu.memory_space<hbm>>
        tpu.enqueue_indirect_dma source(%dma_start3A_90 : memref<10000x32xf32, #tpu.memory_space<hbm>>) target(%dma_start3A_84 : memref<125x32xf32, #tpu.memory_space<vmem>>) offsets(%dma_start3A_87 : memref<125xi32, #tpu.memory_space<vmem>>) semaphore(%arg12 : memref<!tpu.dma_semaphore, #tpu.memory_space<semaphore_mem>>)
      } else {
      }
    }
    %scan3A_30 = arith.constant 40 : i32
    %barrier3A_31 = arith.constant 0 : index
    tpu.barrier barrier_id(%barrier3A_31)
    %mul3A_32 = arith.constant 632 : i32
    %mul3A_33 = arith.muli %arg1, %mul3A_32 : i32
    %mul3A_34 = arith.constant 632 : i32
    %mul3A_35 = arith.muli %arg1, %mul3A_34 : i32
    "tpu.region"() ({
      %run_scoped3A = tpu.sem_alloc : memref<!tpu.dma_semaphore, #tpu.memory_space<semaphore_mem>>
      %dma_start3A_36 = arith.constant 0 : i32
      %dma_start3A_37 = tpu.memref_slice %arg6[%arg0, %mul3A_35, %dma_start3A_36] : memref<2x10112x32xf32, #tpu.memory_space<hbm>> -> memref<1x632x32xf32, #tpu.memory_space<hbm>>
      %dma_start3A_38 = tpu.memref_squeeze %dma_start3A_37 : memref<1x632x32xf32, #tpu.memory_space<hbm>> -> memref<632x32xf32, #tpu.memory_space<hbm>>
      %dma_start3A_39 = arith.constant 0 : i32
      %dma_start3A_40 = tpu.memref_slice %arg10[%mul3A_33, %dma_start3A_39] : memref<10112x32xf32, #tpu.memory_space<vmem_shared>> -> memref<632x32xf32, #tpu.memory_space<vmem_shared>>
      tpu.enqueue_dma source(%dma_start3A_40 : memref<632x32xf32, #tpu.memory_space<vmem_shared>>) target(%dma_start3A_38 : memref<632x32xf32, #tpu.memory_space<hbm>>) target_semaphore(%run_scoped3A : memref<!tpu.dma_semaphore, #tpu.memory_space<semaphore_mem>>)
      %dma_wait3A = arith.constant 0 : i32
      %dma_wait3A_41 = tpu.memref_slice %arg6[%arg0, %mul3A_35, %dma_wait3A] : memref<2x10112x32xf32, #tpu.memory_space<hbm>> -> memref<1x632x32xf32, #tpu.memory_space<hbm>>
      %dma_wait3A_42 = tpu.memref_squeeze %dma_wait3A_41 : memref<1x632x32xf32, #tpu.memory_space<hbm>> -> memref<632x32xf32, #tpu.memory_space<hbm>>
      %dma_wait3A_43 = arith.constant 0 : i32
      %dma_wait3A_44 = tpu.memref_slice %arg10[%mul3A_33, %dma_wait3A_43] : memref<10112x32xf32, #tpu.memory_space<vmem_shared>> -> memref<632x32xf32, #tpu.memory_space<vmem_shared>>
      tpu.wait_dma2 semaphore(%run_scoped3A : memref<!tpu.dma_semaphore, #tpu.memory_space<semaphore_mem>>) src(%dma_wait3A_44 : memref<632x32xf32, #tpu.memory_space<vmem_shared>>) dst(%dma_wait3A_42 : memref<632x32xf32, #tpu.memory_space<hbm>>)
      tpu.yield
    }) : () -> ()
    return
  }
}

#map = affine_map<(d0, d1) -> (0, 0)>
#map1 = affine_map<(d0, d1) -> (0, 0, 0, 0)>
#map2 = affine_map<(d0, d1) -> (0, 0, 0)>
module attributes {stable_mosaic.version = 14 : i64} {
  func.func @agg_kernel(%arg0: i32, %arg1: i32, %arg2: memref<20000x64xf32, #tpu.memory_space<hbm>>, %arg3: memref<2x16x160x125xi32, #tpu.memory_space<hbm>>, %arg4: memref<16x160x125xi32, #tpu.memory_space<hbm>>, %arg5: memref<632x64xf32, #tpu.memory_space<hbm>>, %arg6: memref<2x10112x64xf32, #tpu.memory_space<hbm>>, %arg7: memref<160x125xi32, #tpu.memory_space<vmem>>, %arg8: memref<160x125xi32, #tpu.memory_space<vmem>>, %arg9: memref<2x125x64xf32, #tpu.memory_space<vmem>>, %arg10: memref<10112x64xf32, #tpu.memory_space<vmem_shared>>, %arg11: memref<!tpu.dma_semaphore, #tpu.memory_space<semaphore_mem>>, %arg12: memref<!tpu.dma_semaphore, #tpu.memory_space<semaphore_mem>>) attributes {dimension_semantics = [#tpu.dimension_semantics<core_parallel>, #tpu.dimension_semantics<subcore_parallel>], iteration_bounds = array<i64: 2, 16>, scalar_prefetch = 0 : i64, scratch_operands = 6 : i64, tpu.core_type = #tpu.core_type<sc_vector_subcore>, window_params = [{transform_indices = #map}, {transform_indices = #map1}, {transform_indices = #map2}, {transform_indices = #map}, {transform_indices = #map2}]} {
    "tpu.region"() ({
      %run_scoped3A = tpu.sem_alloc : memref<!tpu.dma_semaphore, #tpu.memory_space<semaphore_mem>>
      %dma_start3A_34 = arith.constant 0 : i32
      %dma_start3A_35 = arith.constant 0 : i32
      %dma_start3A_36 = tpu.memref_slice %arg3[%arg0, %arg1, %dma_start3A_34, %dma_start3A_35] : memref<2x16x160x125xi32, #tpu.memory_space<hbm>> -> memref<1x1x160x125xi32, #tpu.memory_space<hbm>>
      %dma_start3A_37 = tpu.memref_squeeze %dma_start3A_36 : memref<1x1x160x125xi32, #tpu.memory_space<hbm>> -> memref<160x125xi32, #tpu.memory_space<hbm>>
      %dma_start3A_38 = arith.constant 0 : i32
      %dma_start3A_39 = arith.constant 0 : i32
      %dma_start3A_40 = tpu.memref_slice %arg3[%arg0, %arg1, %dma_start3A_38, %dma_start3A_39] : memref<2x16x160x125xi32, #tpu.memory_space<hbm>> -> memref<1x1x160x125xi32, #tpu.memory_space<hbm>>
      %dma_start3A_41 = tpu.memref_squeeze %dma_start3A_40 : memref<1x1x160x125xi32, #tpu.memory_space<hbm>> -> memref<160x125xi32, #tpu.memory_space<hbm>>
      tpu.enqueue_dma source(%dma_start3A_41 : memref<160x125xi32, #tpu.memory_space<hbm>>) target(%arg7 : memref<160x125xi32, #tpu.memory_space<vmem>>) target_semaphore(%run_scoped3A : memref<!tpu.dma_semaphore, #tpu.memory_space<semaphore_mem>>)
      %dma_wait3A = arith.constant 0 : i32
      %dma_wait3A_42 = arith.constant 0 : i32
      %dma_wait3A_43 = tpu.memref_slice %arg3[%arg0, %arg1, %dma_wait3A, %dma_wait3A_42] : memref<2x16x160x125xi32, #tpu.memory_space<hbm>> -> memref<1x1x160x125xi32, #tpu.memory_space<hbm>>
      %dma_wait3A_44 = tpu.memref_squeeze %dma_wait3A_43 : memref<1x1x160x125xi32, #tpu.memory_space<hbm>> -> memref<160x125xi32, #tpu.memory_space<hbm>>
      %dma_wait3A_45 = arith.constant 0 : i32
      %dma_wait3A_46 = arith.constant 0 : i32
      %dma_wait3A_47 = tpu.memref_slice %arg3[%arg0, %arg1, %dma_wait3A_45, %dma_wait3A_46] : memref<2x16x160x125xi32, #tpu.memory_space<hbm>> -> memref<1x1x160x125xi32, #tpu.memory_space<hbm>>
      %dma_wait3A_48 = tpu.memref_squeeze %dma_wait3A_47 : memref<1x1x160x125xi32, #tpu.memory_space<hbm>> -> memref<160x125xi32, #tpu.memory_space<hbm>>
      tpu.wait_dma2 semaphore(%run_scoped3A : memref<!tpu.dma_semaphore, #tpu.memory_space<semaphore_mem>>) src(%dma_wait3A_48 : memref<160x125xi32, #tpu.memory_space<hbm>>) dst(%arg7 : memref<160x125xi32, #tpu.memory_space<vmem>>)
      tpu.yield
    }) : () -> ()
    "tpu.region"() ({
      %run_scoped3A = tpu.sem_alloc : memref<!tpu.dma_semaphore, #tpu.memory_space<semaphore_mem>>
      %dma_start3A_34 = arith.constant 0 : i32
      %dma_start3A_35 = arith.constant 0 : i32
      %dma_start3A_36 = tpu.memref_slice %arg4[%arg1, %dma_start3A_34, %dma_start3A_35] : memref<16x160x125xi32, #tpu.memory_space<hbm>> -> memref<1x160x125xi32, #tpu.memory_space<hbm>>
      %dma_start3A_37 = tpu.memref_squeeze %dma_start3A_36 : memref<1x160x125xi32, #tpu.memory_space<hbm>> -> memref<160x125xi32, #tpu.memory_space<hbm>>
      %dma_start3A_38 = arith.constant 0 : i32
      %dma_start3A_39 = arith.constant 0 : i32
      %dma_start3A_40 = tpu.memref_slice %arg4[%arg1, %dma_start3A_38, %dma_start3A_39] : memref<16x160x125xi32, #tpu.memory_space<hbm>> -> memref<1x160x125xi32, #tpu.memory_space<hbm>>
      %dma_start3A_41 = tpu.memref_squeeze %dma_start3A_40 : memref<1x160x125xi32, #tpu.memory_space<hbm>> -> memref<160x125xi32, #tpu.memory_space<hbm>>
      tpu.enqueue_dma source(%dma_start3A_41 : memref<160x125xi32, #tpu.memory_space<hbm>>) target(%arg8 : memref<160x125xi32, #tpu.memory_space<vmem>>) target_semaphore(%run_scoped3A : memref<!tpu.dma_semaphore, #tpu.memory_space<semaphore_mem>>)
      %dma_wait3A = arith.constant 0 : i32
      %dma_wait3A_42 = arith.constant 0 : i32
      %dma_wait3A_43 = tpu.memref_slice %arg4[%arg1, %dma_wait3A, %dma_wait3A_42] : memref<16x160x125xi32, #tpu.memory_space<hbm>> -> memref<1x160x125xi32, #tpu.memory_space<hbm>>
      %dma_wait3A_44 = tpu.memref_squeeze %dma_wait3A_43 : memref<1x160x125xi32, #tpu.memory_space<hbm>> -> memref<160x125xi32, #tpu.memory_space<hbm>>
      %dma_wait3A_45 = arith.constant 0 : i32
      %dma_wait3A_46 = arith.constant 0 : i32
      %dma_wait3A_47 = tpu.memref_slice %arg4[%arg1, %dma_wait3A_45, %dma_wait3A_46] : memref<16x160x125xi32, #tpu.memory_space<hbm>> -> memref<1x160x125xi32, #tpu.memory_space<hbm>>
      %dma_wait3A_48 = tpu.memref_squeeze %dma_wait3A_47 : memref<1x160x125xi32, #tpu.memory_space<hbm>> -> memref<160x125xi32, #tpu.memory_space<hbm>>
      tpu.wait_dma2 semaphore(%run_scoped3A : memref<!tpu.dma_semaphore, #tpu.memory_space<semaphore_mem>>) src(%dma_wait3A_48 : memref<160x125xi32, #tpu.memory_space<hbm>>) dst(%arg8 : memref<160x125xi32, #tpu.memory_space<vmem>>)
      tpu.yield
    }) : () -> ()
    %mul3A = arith.constant 632 : i32
    %mul3A_0 = arith.muli %arg1, %mul3A : i32
    "tpu.region"() ({
      %run_scoped3A = tpu.sem_alloc : memref<!tpu.dma_semaphore, #tpu.memory_space<semaphore_mem>>
      %dma_start3A_34 = arith.constant 0 : i32
      %dma_start3A_35 = tpu.memref_slice %arg10[%mul3A_0, %dma_start3A_34] : memref<10112x64xf32, #tpu.memory_space<vmem_shared>> -> memref<632x64xf32, #tpu.memory_space<vmem_shared>>
      tpu.enqueue_dma source(%arg5 : memref<632x64xf32, #tpu.memory_space<hbm>>) target(%dma_start3A_35 : memref<632x64xf32, #tpu.memory_space<vmem_shared>>) target_semaphore(%run_scoped3A : memref<!tpu.dma_semaphore, #tpu.memory_space<semaphore_mem>>)
      %dma_wait3A = arith.constant 0 : i32
      %dma_wait3A_36 = tpu.memref_slice %arg10[%mul3A_0, %dma_wait3A] : memref<10112x64xf32, #tpu.memory_space<vmem_shared>> -> memref<632x64xf32, #tpu.memory_space<vmem_shared>>
      tpu.wait_dma2 semaphore(%run_scoped3A : memref<!tpu.dma_semaphore, #tpu.memory_space<semaphore_mem>>) src(%arg5 : memref<632x64xf32, #tpu.memory_space<hbm>>) dst(%dma_wait3A_36 : memref<632x64xf32, #tpu.memory_space<vmem_shared>>)
      tpu.yield
    }) : () -> ()
    %barrier3A = arith.constant 0 : index
    tpu.barrier barrier_id(%barrier3A)
    %dma_start3A = arith.constant 0 : i32
    %dma_start3A_1 = arith.constant 0 : i32
    %dma_start3A_2 = arith.constant 0 : i32
    %dma_start3A_3 = arith.constant 0 : i32
    %dma_start3A_4 = tpu.memref_slice %arg9[%dma_start3A_1, %dma_start3A_2, %dma_start3A_3] : memref<2x125x64xf32, #tpu.memory_space<vmem>> -> memref<1x125x64xf32, #tpu.memory_space<vmem>>
    %dma_start3A_5 = tpu.memref_squeeze %dma_start3A_4 : memref<1x125x64xf32, #tpu.memory_space<vmem>> -> memref<125x64xf32, #tpu.memory_space<vmem>>
    %dma_start3A_6 = arith.constant 0 : i32
    %dma_start3A_7 = tpu.memref_slice %arg7[%dma_start3A, %dma_start3A_6] : memref<160x125xi32, #tpu.memory_space<vmem>> -> memref<1x125xi32, #tpu.memory_space<vmem>>
    %dma_start3A_8 = tpu.memref_squeeze %dma_start3A_7 : memref<1x125xi32, #tpu.memory_space<vmem>> -> memref<125xi32, #tpu.memory_space<vmem>>
    %dma_start3A_9 = arith.constant 0 : i32
    %dma_start3A_10 = arith.constant 0 : i32
    %dma_start3A_11 = tpu.memref_slice %arg2[%dma_start3A_9, %dma_start3A_10] : memref<20000x64xf32, #tpu.memory_space<hbm>> -> memref<20000x64xf32, #tpu.memory_space<hbm>>
    tpu.enqueue_indirect_dma source(%dma_start3A_11 : memref<20000x64xf32, #tpu.memory_space<hbm>>) target(%dma_start3A_5 : memref<125x64xf32, #tpu.memory_space<vmem>>) offsets(%dma_start3A_8 : memref<125xi32, #tpu.memory_space<vmem>>) semaphore(%arg11 : memref<!tpu.dma_semaphore, #tpu.memory_space<semaphore_mem>>)
    %dma_start3A_12 = arith.constant 1 : i32
    %dma_start3A_13 = arith.constant 1 : i32
    %dma_start3A_14 = arith.constant 0 : i32
    %dma_start3A_15 = arith.constant 0 : i32
    %dma_start3A_16 = tpu.memref_slice %arg9[%dma_start3A_13, %dma_start3A_14, %dma_start3A_15] : memref<2x125x64xf32, #tpu.memory_space<vmem>> -> memref<1x125x64xf32, #tpu.memory_space<vmem>>
    %dma_start3A_17 = tpu.memref_squeeze %dma_start3A_16 : memref<1x125x64xf32, #tpu.memory_space<vmem>> -> memref<125x64xf32, #tpu.memory_space<vmem>>
    %dma_start3A_18 = arith.constant 0 : i32
    %dma_start3A_19 = tpu.memref_slice %arg7[%dma_start3A_12, %dma_start3A_18] : memref<160x125xi32, #tpu.memory_space<vmem>> -> memref<1x125xi32, #tpu.memory_space<vmem>>
    %dma_start3A_20 = tpu.memref_squeeze %dma_start3A_19 : memref<1x125xi32, #tpu.memory_space<vmem>> -> memref<125xi32, #tpu.memory_space<vmem>>
    %dma_start3A_21 = arith.constant 0 : i32
    %dma_start3A_22 = arith.constant 0 : i32
    %dma_start3A_23 = tpu.memref_slice %arg2[%dma_start3A_21, %dma_start3A_22] : memref<20000x64xf32, #tpu.memory_space<hbm>> -> memref<20000x64xf32, #tpu.memory_space<hbm>>
    tpu.enqueue_indirect_dma source(%dma_start3A_23 : memref<20000x64xf32, #tpu.memory_space<hbm>>) target(%dma_start3A_17 : memref<125x64xf32, #tpu.memory_space<vmem>>) offsets(%dma_start3A_20 : memref<125xi32, #tpu.memory_space<vmem>>) semaphore(%arg12 : memref<!tpu.dma_semaphore, #tpu.memory_space<semaphore_mem>>)
    %scan3A = arith.constant 0 : i32
    %scan3A_24 = arith.constant 0 : i32
    %scan3A_25 = arith.constant 80 : i32
    %scan3A_26 = arith.addi %scan3A_24, %scan3A_25 : i32
    %scan3A_27 = arith.constant 1 : i32
    scf.for %scan3A_34 = %scan3A_24 to %scan3A_26 step %scan3A_27  : i32 {
      %mul3A_35 = arith.constant 2 : i32
      %mul3A_36 = arith.muli %scan3A_34, %mul3A_35 : i32
      %add3A = arith.constant 0 : i32
      %add3A_37 = arith.addi %mul3A_36, %add3A : i32
      %dma_wait3A = arith.constant 0 : i32
      %dma_wait3A_38 = arith.constant 0 : i32
      %dma_wait3A_39 = arith.constant 0 : i32
      %dma_wait3A_40 = tpu.memref_slice %arg9[%dma_wait3A, %dma_wait3A_38, %dma_wait3A_39] : memref<2x125x64xf32, #tpu.memory_space<vmem>> -> memref<1x125x64xf32, #tpu.memory_space<vmem>>
      %dma_wait3A_41 = tpu.memref_squeeze %dma_wait3A_40 : memref<1x125x64xf32, #tpu.memory_space<vmem>> -> memref<125x64xf32, #tpu.memory_space<vmem>>
      %dma_wait3A_42 = arith.constant 0 : i32
      %dma_wait3A_43 = tpu.memref_slice %arg7[%add3A_37, %dma_wait3A_42] : memref<160x125xi32, #tpu.memory_space<vmem>> -> memref<1x125xi32, #tpu.memory_space<vmem>>
      %dma_wait3A_44 = tpu.memref_squeeze %dma_wait3A_43 : memref<1x125xi32, #tpu.memory_space<vmem>> -> memref<125xi32, #tpu.memory_space<vmem>>
      %dma_wait3A_45 = arith.constant 0 : i32
      %dma_wait3A_46 = arith.constant 0 : i32
      %dma_wait3A_47 = tpu.memref_slice %arg2[%dma_wait3A_45, %dma_wait3A_46] : memref<20000x64xf32, #tpu.memory_space<hbm>> -> memref<20000x64xf32, #tpu.memory_space<hbm>>
      tpu.wait_indirect_dma semaphore(%arg11 : memref<!tpu.dma_semaphore, #tpu.memory_space<semaphore_mem>>) src(%dma_wait3A_47 : memref<20000x64xf32, #tpu.memory_space<hbm>>) dst(%dma_wait3A_41 : memref<125x64xf32, #tpu.memory_space<vmem>>)
      %run_scoped3A = arith.constant 0 : i32
      "tpu.region"() ({
        %run_scoped3A_75 = tpu.sem_alloc : memref<!tpu.dma_semaphore, #tpu.memory_space<semaphore_mem>>
        %dma_start3A_76 = arith.constant 0 : i32
        %dma_start3A_77 = arith.constant 0 : i32
        %dma_start3A_78 = tpu.memref_slice %arg9[%run_scoped3A, %dma_start3A_76, %dma_start3A_77] : memref<2x125x64xf32, #tpu.memory_space<vmem>> -> memref<1x125x64xf32, #tpu.memory_space<vmem>>
        %dma_start3A_79 = tpu.memref_squeeze %dma_start3A_78 : memref<1x125x64xf32, #tpu.memory_space<vmem>> -> memref<125x64xf32, #tpu.memory_space<vmem>>
        %dma_start3A_80 = arith.constant 0 : i32
        %dma_start3A_81 = tpu.memref_slice %arg8[%add3A_37, %dma_start3A_80] : memref<160x125xi32, #tpu.memory_space<vmem>> -> memref<1x125xi32, #tpu.memory_space<vmem>>
        %dma_start3A_82 = tpu.memref_squeeze %dma_start3A_81 : memref<1x125xi32, #tpu.memory_space<vmem>> -> memref<125xi32, #tpu.memory_space<vmem>>
        %dma_start3A_83 = arith.constant 0 : i32
        %dma_start3A_84 = arith.constant 0 : i32
        %dma_start3A_85 = tpu.memref_slice %arg10[%dma_start3A_83, %dma_start3A_84] : memref<10112x64xf32, #tpu.memory_space<vmem_shared>> -> memref<10112x64xf32, #tpu.memory_space<vmem_shared>>
        tpu.enqueue_indirect_dma source(%dma_start3A_79 : memref<125x64xf32, #tpu.memory_space<vmem>>) target(%dma_start3A_85 : memref<10112x64xf32, #tpu.memory_space<vmem_shared>>) offsets(%dma_start3A_82 : memref<125xi32, #tpu.memory_space<vmem>>) semaphore(%run_scoped3A_75 : memref<!tpu.dma_semaphore, #tpu.memory_space<semaphore_mem>>) {add = true}
        %dma_wait3A_86 = arith.constant 0 : i32
        %dma_wait3A_87 = arith.constant 0 : i32
        %dma_wait3A_88 = tpu.memref_slice %arg9[%run_scoped3A, %dma_wait3A_86, %dma_wait3A_87] : memref<2x125x64xf32, #tpu.memory_space<vmem>> -> memref<1x125x64xf32, #tpu.memory_space<vmem>>
        %dma_wait3A_89 = tpu.memref_squeeze %dma_wait3A_88 : memref<1x125x64xf32, #tpu.memory_space<vmem>> -> memref<125x64xf32, #tpu.memory_space<vmem>>
        %dma_wait3A_90 = arith.constant 0 : i32
        %dma_wait3A_91 = tpu.memref_slice %arg8[%add3A_37, %dma_wait3A_90] : memref<160x125xi32, #tpu.memory_space<vmem>> -> memref<1x125xi32, #tpu.memory_space<vmem>>
        %dma_wait3A_92 = tpu.memref_squeeze %dma_wait3A_91 : memref<1x125xi32, #tpu.memory_space<vmem>> -> memref<125xi32, #tpu.memory_space<vmem>>
        %dma_wait3A_93 = arith.constant 0 : i32
        %dma_wait3A_94 = arith.constant 0 : i32
        %dma_wait3A_95 = tpu.memref_slice %arg10[%dma_wait3A_93, %dma_wait3A_94] : memref<10112x64xf32, #tpu.memory_space<vmem_shared>> -> memref<10112x64xf32, #tpu.memory_space<vmem_shared>>
        tpu.wait_indirect_dma semaphore(%run_scoped3A_75 : memref<!tpu.dma_semaphore, #tpu.memory_space<semaphore_mem>>) src(%dma_wait3A_89 : memref<125x64xf32, #tpu.memory_space<vmem>>) dst(%dma_wait3A_95 : memref<10112x64xf32, #tpu.memory_space<vmem_shared>>)
        tpu.yield
      }) : () -> ()
      %add3A_48 = arith.constant 2 : i32
      %add3A_49 = arith.addi %add3A_37, %add3A_48 : i32
      %lt3A = arith.constant 160 : i32
      %lt3A_50 = arith.cmpi slt, %add3A_49, %lt3A : i32
      %convert_element_type3A = arith.extui %lt3A_50 : i1 to i32
      %cond3A = arith.constant 0 : i32
      %cond3A_51 = arith.cmpi ne, %convert_element_type3A, %cond3A : i32
      scf.if %cond3A_51 {
        %add3A_75 = arith.constant 2 : i32
        %add3A_76 = arith.addi %add3A_37, %add3A_75 : i32
        %dma_start3A_77 = arith.constant 0 : i32
        %dma_start3A_78 = arith.constant 0 : i32
        %dma_start3A_79 = arith.constant 0 : i32
        %dma_start3A_80 = tpu.memref_slice %arg9[%dma_start3A_77, %dma_start3A_78, %dma_start3A_79] : memref<2x125x64xf32, #tpu.memory_space<vmem>> -> memref<1x125x64xf32, #tpu.memory_space<vmem>>
        %dma_start3A_81 = tpu.memref_squeeze %dma_start3A_80 : memref<1x125x64xf32, #tpu.memory_space<vmem>> -> memref<125x64xf32, #tpu.memory_space<vmem>>
        %dma_start3A_82 = arith.constant 0 : i32
        %dma_start3A_83 = tpu.memref_slice %arg7[%add3A_76, %dma_start3A_82] : memref<160x125xi32, #tpu.memory_space<vmem>> -> memref<1x125xi32, #tpu.memory_space<vmem>>
        %dma_start3A_84 = tpu.memref_squeeze %dma_start3A_83 : memref<1x125xi32, #tpu.memory_space<vmem>> -> memref<125xi32, #tpu.memory_space<vmem>>
        %dma_start3A_85 = arith.constant 0 : i32
        %dma_start3A_86 = arith.constant 0 : i32
        %dma_start3A_87 = tpu.memref_slice %arg2[%dma_start3A_85, %dma_start3A_86] : memref<20000x64xf32, #tpu.memory_space<hbm>> -> memref<20000x64xf32, #tpu.memory_space<hbm>>
        tpu.enqueue_indirect_dma source(%dma_start3A_87 : memref<20000x64xf32, #tpu.memory_space<hbm>>) target(%dma_start3A_81 : memref<125x64xf32, #tpu.memory_space<vmem>>) offsets(%dma_start3A_84 : memref<125xi32, #tpu.memory_space<vmem>>) semaphore(%arg11 : memref<!tpu.dma_semaphore, #tpu.memory_space<semaphore_mem>>)
      } else {
      }
      %mul3A_52 = arith.constant 2 : i32
      %mul3A_53 = arith.muli %scan3A_34, %mul3A_52 : i32
      %add3A_54 = arith.constant 1 : i32
      %add3A_55 = arith.addi %mul3A_53, %add3A_54 : i32
      %dma_wait3A_56 = arith.constant 1 : i32
      %dma_wait3A_57 = arith.constant 0 : i32
      %dma_wait3A_58 = arith.constant 0 : i32
      %dma_wait3A_59 = tpu.memref_slice %arg9[%dma_wait3A_56, %dma_wait3A_57, %dma_wait3A_58] : memref<2x125x64xf32, #tpu.memory_space<vmem>> -> memref<1x125x64xf32, #tpu.memory_space<vmem>>
      %dma_wait3A_60 = tpu.memref_squeeze %dma_wait3A_59 : memref<1x125x64xf32, #tpu.memory_space<vmem>> -> memref<125x64xf32, #tpu.memory_space<vmem>>
      %dma_wait3A_61 = arith.constant 0 : i32
      %dma_wait3A_62 = tpu.memref_slice %arg7[%add3A_55, %dma_wait3A_61] : memref<160x125xi32, #tpu.memory_space<vmem>> -> memref<1x125xi32, #tpu.memory_space<vmem>>
      %dma_wait3A_63 = tpu.memref_squeeze %dma_wait3A_62 : memref<1x125xi32, #tpu.memory_space<vmem>> -> memref<125xi32, #tpu.memory_space<vmem>>
      %dma_wait3A_64 = arith.constant 0 : i32
      %dma_wait3A_65 = arith.constant 0 : i32
      %dma_wait3A_66 = tpu.memref_slice %arg2[%dma_wait3A_64, %dma_wait3A_65] : memref<20000x64xf32, #tpu.memory_space<hbm>> -> memref<20000x64xf32, #tpu.memory_space<hbm>>
      tpu.wait_indirect_dma semaphore(%arg12 : memref<!tpu.dma_semaphore, #tpu.memory_space<semaphore_mem>>) src(%dma_wait3A_66 : memref<20000x64xf32, #tpu.memory_space<hbm>>) dst(%dma_wait3A_60 : memref<125x64xf32, #tpu.memory_space<vmem>>)
      %run_scoped3A_67 = arith.constant 1 : i32
      "tpu.region"() ({
        %run_scoped3A_75 = tpu.sem_alloc : memref<!tpu.dma_semaphore, #tpu.memory_space<semaphore_mem>>
        %dma_start3A_76 = arith.constant 0 : i32
        %dma_start3A_77 = arith.constant 0 : i32
        %dma_start3A_78 = tpu.memref_slice %arg9[%run_scoped3A_67, %dma_start3A_76, %dma_start3A_77] : memref<2x125x64xf32, #tpu.memory_space<vmem>> -> memref<1x125x64xf32, #tpu.memory_space<vmem>>
        %dma_start3A_79 = tpu.memref_squeeze %dma_start3A_78 : memref<1x125x64xf32, #tpu.memory_space<vmem>> -> memref<125x64xf32, #tpu.memory_space<vmem>>
        %dma_start3A_80 = arith.constant 0 : i32
        %dma_start3A_81 = tpu.memref_slice %arg8[%add3A_55, %dma_start3A_80] : memref<160x125xi32, #tpu.memory_space<vmem>> -> memref<1x125xi32, #tpu.memory_space<vmem>>
        %dma_start3A_82 = tpu.memref_squeeze %dma_start3A_81 : memref<1x125xi32, #tpu.memory_space<vmem>> -> memref<125xi32, #tpu.memory_space<vmem>>
        %dma_start3A_83 = arith.constant 0 : i32
        %dma_start3A_84 = arith.constant 0 : i32
        %dma_start3A_85 = tpu.memref_slice %arg10[%dma_start3A_83, %dma_start3A_84] : memref<10112x64xf32, #tpu.memory_space<vmem_shared>> -> memref<10112x64xf32, #tpu.memory_space<vmem_shared>>
        tpu.enqueue_indirect_dma source(%dma_start3A_79 : memref<125x64xf32, #tpu.memory_space<vmem>>) target(%dma_start3A_85 : memref<10112x64xf32, #tpu.memory_space<vmem_shared>>) offsets(%dma_start3A_82 : memref<125xi32, #tpu.memory_space<vmem>>) semaphore(%run_scoped3A_75 : memref<!tpu.dma_semaphore, #tpu.memory_space<semaphore_mem>>) {add = true}
        %dma_wait3A_86 = arith.constant 0 : i32
        %dma_wait3A_87 = arith.constant 0 : i32
        %dma_wait3A_88 = tpu.memref_slice %arg9[%run_scoped3A_67, %dma_wait3A_86, %dma_wait3A_87] : memref<2x125x64xf32, #tpu.memory_space<vmem>> -> memref<1x125x64xf32, #tpu.memory_space<vmem>>
        %dma_wait3A_89 = tpu.memref_squeeze %dma_wait3A_88 : memref<1x125x64xf32, #tpu.memory_space<vmem>> -> memref<125x64xf32, #tpu.memory_space<vmem>>
        %dma_wait3A_90 = arith.constant 0 : i32
        %dma_wait3A_91 = tpu.memref_slice %arg8[%add3A_55, %dma_wait3A_90] : memref<160x125xi32, #tpu.memory_space<vmem>> -> memref<1x125xi32, #tpu.memory_space<vmem>>
        %dma_wait3A_92 = tpu.memref_squeeze %dma_wait3A_91 : memref<1x125xi32, #tpu.memory_space<vmem>> -> memref<125xi32, #tpu.memory_space<vmem>>
        %dma_wait3A_93 = arith.constant 0 : i32
        %dma_wait3A_94 = arith.constant 0 : i32
        %dma_wait3A_95 = tpu.memref_slice %arg10[%dma_wait3A_93, %dma_wait3A_94] : memref<10112x64xf32, #tpu.memory_space<vmem_shared>> -> memref<10112x64xf32, #tpu.memory_space<vmem_shared>>
        tpu.wait_indirect_dma semaphore(%run_scoped3A_75 : memref<!tpu.dma_semaphore, #tpu.memory_space<semaphore_mem>>) src(%dma_wait3A_89 : memref<125x64xf32, #tpu.memory_space<vmem>>) dst(%dma_wait3A_95 : memref<10112x64xf32, #tpu.memory_space<vmem_shared>>)
        tpu.yield
      }) : () -> ()
      %add3A_68 = arith.constant 2 : i32
      %add3A_69 = arith.addi %add3A_55, %add3A_68 : i32
      %lt3A_70 = arith.constant 160 : i32
      %lt3A_71 = arith.cmpi slt, %add3A_69, %lt3A_70 : i32
      %convert_element_type3A_72 = arith.extui %lt3A_71 : i1 to i32
      %cond3A_73 = arith.constant 0 : i32
      %cond3A_74 = arith.cmpi ne, %convert_element_type3A_72, %cond3A_73 : i32
      scf.if %cond3A_74 {
        %add3A_75 = arith.constant 2 : i32
        %add3A_76 = arith.addi %add3A_55, %add3A_75 : i32
        %dma_start3A_77 = arith.constant 1 : i32
        %dma_start3A_78 = arith.constant 0 : i32
        %dma_start3A_79 = arith.constant 0 : i32
        %dma_start3A_80 = tpu.memref_slice %arg9[%dma_start3A_77, %dma_start3A_78, %dma_start3A_79] : memref<2x125x64xf32, #tpu.memory_space<vmem>> -> memref<1x125x64xf32, #tpu.memory_space<vmem>>
        %dma_start3A_81 = tpu.memref_squeeze %dma_start3A_80 : memref<1x125x64xf32, #tpu.memory_space<vmem>> -> memref<125x64xf32, #tpu.memory_space<vmem>>
        %dma_start3A_82 = arith.constant 0 : i32
        %dma_start3A_83 = tpu.memref_slice %arg7[%add3A_76, %dma_start3A_82] : memref<160x125xi32, #tpu.memory_space<vmem>> -> memref<1x125xi32, #tpu.memory_space<vmem>>
        %dma_start3A_84 = tpu.memref_squeeze %dma_start3A_83 : memref<1x125xi32, #tpu.memory_space<vmem>> -> memref<125xi32, #tpu.memory_space<vmem>>
        %dma_start3A_85 = arith.constant 0 : i32
        %dma_start3A_86 = arith.constant 0 : i32
        %dma_start3A_87 = tpu.memref_slice %arg2[%dma_start3A_85, %dma_start3A_86] : memref<20000x64xf32, #tpu.memory_space<hbm>> -> memref<20000x64xf32, #tpu.memory_space<hbm>>
        tpu.enqueue_indirect_dma source(%dma_start3A_87 : memref<20000x64xf32, #tpu.memory_space<hbm>>) target(%dma_start3A_81 : memref<125x64xf32, #tpu.memory_space<vmem>>) offsets(%dma_start3A_84 : memref<125xi32, #tpu.memory_space<vmem>>) semaphore(%arg12 : memref<!tpu.dma_semaphore, #tpu.memory_space<semaphore_mem>>)
      } else {
      }
    }
    %scan3A_28 = arith.constant 80 : i32
    %barrier3A_29 = arith.constant 0 : index
    tpu.barrier barrier_id(%barrier3A_29)
    %mul3A_30 = arith.constant 632 : i32
    %mul3A_31 = arith.muli %arg1, %mul3A_30 : i32
    %mul3A_32 = arith.constant 632 : i32
    %mul3A_33 = arith.muli %arg1, %mul3A_32 : i32
    "tpu.region"() ({
      %run_scoped3A = tpu.sem_alloc : memref<!tpu.dma_semaphore, #tpu.memory_space<semaphore_mem>>
      %dma_start3A_34 = arith.constant 0 : i32
      %dma_start3A_35 = tpu.memref_slice %arg6[%arg0, %mul3A_33, %dma_start3A_34] : memref<2x10112x64xf32, #tpu.memory_space<hbm>> -> memref<1x632x64xf32, #tpu.memory_space<hbm>>
      %dma_start3A_36 = tpu.memref_squeeze %dma_start3A_35 : memref<1x632x64xf32, #tpu.memory_space<hbm>> -> memref<632x64xf32, #tpu.memory_space<hbm>>
      %dma_start3A_37 = arith.constant 0 : i32
      %dma_start3A_38 = tpu.memref_slice %arg10[%mul3A_31, %dma_start3A_37] : memref<10112x64xf32, #tpu.memory_space<vmem_shared>> -> memref<632x64xf32, #tpu.memory_space<vmem_shared>>
      tpu.enqueue_dma source(%dma_start3A_38 : memref<632x64xf32, #tpu.memory_space<vmem_shared>>) target(%dma_start3A_36 : memref<632x64xf32, #tpu.memory_space<hbm>>) target_semaphore(%run_scoped3A : memref<!tpu.dma_semaphore, #tpu.memory_space<semaphore_mem>>)
      %dma_wait3A = arith.constant 0 : i32
      %dma_wait3A_39 = tpu.memref_slice %arg6[%arg0, %mul3A_33, %dma_wait3A] : memref<2x10112x64xf32, #tpu.memory_space<hbm>> -> memref<1x632x64xf32, #tpu.memory_space<hbm>>
      %dma_wait3A_40 = tpu.memref_squeeze %dma_wait3A_39 : memref<1x632x64xf32, #tpu.memory_space<hbm>> -> memref<632x64xf32, #tpu.memory_space<hbm>>
      %dma_wait3A_41 = arith.constant 0 : i32
      %dma_wait3A_42 = tpu.memref_slice %arg10[%mul3A_31, %dma_wait3A_41] : memref<10112x64xf32, #tpu.memory_space<vmem_shared>> -> memref<632x64xf32, #tpu.memory_space<vmem_shared>>
      tpu.wait_dma2 semaphore(%run_scoped3A : memref<!tpu.dma_semaphore, #tpu.memory_space<semaphore_mem>>) src(%dma_wait3A_42 : memref<632x64xf32, #tpu.memory_space<vmem_shared>>) dst(%dma_wait3A_40 : memref<632x64xf32, #tpu.memory_space<hbm>>)
      tpu.yield
    }) : () -> ()
    return
  }
}

#map = affine_map<(d0, d1) -> (0, 0)>
#map1 = affine_map<(d0, d1) -> (0, 0, 0)>
module attributes {stable_mosaic.version = 14 : i64} {
  func.func @agg_kernel(%arg0: i32, %arg1: i32, %arg2: memref<10000x32xf32, #tpu.memory_space<hbm>>, %arg3: memref<32x80x125xi32, #tpu.memory_space<hbm>>, %arg4: memref<32x80x125xi32, #tpu.memory_space<hbm>>, %arg5: memref<632x32xf32, #tpu.memory_space<hbm>>, %arg6: memref<2x10112x32xf32, #tpu.memory_space<hbm>>, %arg7: memref<80x125xi32, #tpu.memory_space<vmem>>, %arg8: memref<80x125xi32, #tpu.memory_space<vmem>>, %arg9: memref<2x125x32xf32, #tpu.memory_space<vmem>>, %arg10: memref<10112x32xf32, #tpu.memory_space<vmem_shared>>, %arg11: memref<!tpu.dma_semaphore, #tpu.memory_space<semaphore_mem>>, %arg12: memref<!tpu.dma_semaphore, #tpu.memory_space<semaphore_mem>>) attributes {dimension_semantics = [#tpu.dimension_semantics<core_parallel>, #tpu.dimension_semantics<subcore_parallel>], iteration_bounds = array<i64: 2, 16>, scalar_prefetch = 0 : i64, scratch_operands = 6 : i64, tpu.core_type = #tpu.core_type<sc_vector_subcore>, window_params = [{transform_indices = #map}, {transform_indices = #map1}, {transform_indices = #map1}, {transform_indices = #map}, {transform_indices = #map1}]} {
    %mul3A = arith.constant 16 : i32
    %mul3A_0 = arith.muli %arg0, %mul3A : i32
    %add3A = arith.addi %mul3A_0, %arg1 : i32
    "tpu.region"() ({
      %run_scoped3A = tpu.sem_alloc : memref<!tpu.dma_semaphore, #tpu.memory_space<semaphore_mem>>
      %dma_start3A_36 = arith.constant 0 : i32
      %dma_start3A_37 = arith.constant 0 : i32
      %dma_start3A_38 = tpu.memref_slice %arg3[%add3A, %dma_start3A_36, %dma_start3A_37] : memref<32x80x125xi32, #tpu.memory_space<hbm>> -> memref<1x80x125xi32, #tpu.memory_space<hbm>>
      %dma_start3A_39 = tpu.memref_squeeze %dma_start3A_38 : memref<1x80x125xi32, #tpu.memory_space<hbm>> -> memref<80x125xi32, #tpu.memory_space<hbm>>
      %dma_start3A_40 = arith.constant 0 : i32
      %dma_start3A_41 = arith.constant 0 : i32
      %dma_start3A_42 = tpu.memref_slice %arg3[%add3A, %dma_start3A_40, %dma_start3A_41] : memref<32x80x125xi32, #tpu.memory_space<hbm>> -> memref<1x80x125xi32, #tpu.memory_space<hbm>>
      %dma_start3A_43 = tpu.memref_squeeze %dma_start3A_42 : memref<1x80x125xi32, #tpu.memory_space<hbm>> -> memref<80x125xi32, #tpu.memory_space<hbm>>
      tpu.enqueue_dma source(%dma_start3A_43 : memref<80x125xi32, #tpu.memory_space<hbm>>) target(%arg7 : memref<80x125xi32, #tpu.memory_space<vmem>>) target_semaphore(%run_scoped3A : memref<!tpu.dma_semaphore, #tpu.memory_space<semaphore_mem>>)
      %dma_wait3A = arith.constant 0 : i32
      %dma_wait3A_44 = arith.constant 0 : i32
      %dma_wait3A_45 = tpu.memref_slice %arg3[%add3A, %dma_wait3A, %dma_wait3A_44] : memref<32x80x125xi32, #tpu.memory_space<hbm>> -> memref<1x80x125xi32, #tpu.memory_space<hbm>>
      %dma_wait3A_46 = tpu.memref_squeeze %dma_wait3A_45 : memref<1x80x125xi32, #tpu.memory_space<hbm>> -> memref<80x125xi32, #tpu.memory_space<hbm>>
      %dma_wait3A_47 = arith.constant 0 : i32
      %dma_wait3A_48 = arith.constant 0 : i32
      %dma_wait3A_49 = tpu.memref_slice %arg3[%add3A, %dma_wait3A_47, %dma_wait3A_48] : memref<32x80x125xi32, #tpu.memory_space<hbm>> -> memref<1x80x125xi32, #tpu.memory_space<hbm>>
      %dma_wait3A_50 = tpu.memref_squeeze %dma_wait3A_49 : memref<1x80x125xi32, #tpu.memory_space<hbm>> -> memref<80x125xi32, #tpu.memory_space<hbm>>
      tpu.wait_dma2 semaphore(%run_scoped3A : memref<!tpu.dma_semaphore, #tpu.memory_space<semaphore_mem>>) src(%dma_wait3A_50 : memref<80x125xi32, #tpu.memory_space<hbm>>) dst(%arg7 : memref<80x125xi32, #tpu.memory_space<vmem>>)
      tpu.yield
    }) : () -> ()
    "tpu.region"() ({
      %run_scoped3A = tpu.sem_alloc : memref<!tpu.dma_semaphore, #tpu.memory_space<semaphore_mem>>
      %dma_start3A_36 = arith.constant 0 : i32
      %dma_start3A_37 = arith.constant 0 : i32
      %dma_start3A_38 = tpu.memref_slice %arg4[%add3A, %dma_start3A_36, %dma_start3A_37] : memref<32x80x125xi32, #tpu.memory_space<hbm>> -> memref<1x80x125xi32, #tpu.memory_space<hbm>>
      %dma_start3A_39 = tpu.memref_squeeze %dma_start3A_38 : memref<1x80x125xi32, #tpu.memory_space<hbm>> -> memref<80x125xi32, #tpu.memory_space<hbm>>
      %dma_start3A_40 = arith.constant 0 : i32
      %dma_start3A_41 = arith.constant 0 : i32
      %dma_start3A_42 = tpu.memref_slice %arg4[%add3A, %dma_start3A_40, %dma_start3A_41] : memref<32x80x125xi32, #tpu.memory_space<hbm>> -> memref<1x80x125xi32, #tpu.memory_space<hbm>>
      %dma_start3A_43 = tpu.memref_squeeze %dma_start3A_42 : memref<1x80x125xi32, #tpu.memory_space<hbm>> -> memref<80x125xi32, #tpu.memory_space<hbm>>
      tpu.enqueue_dma source(%dma_start3A_43 : memref<80x125xi32, #tpu.memory_space<hbm>>) target(%arg8 : memref<80x125xi32, #tpu.memory_space<vmem>>) target_semaphore(%run_scoped3A : memref<!tpu.dma_semaphore, #tpu.memory_space<semaphore_mem>>)
      %dma_wait3A = arith.constant 0 : i32
      %dma_wait3A_44 = arith.constant 0 : i32
      %dma_wait3A_45 = tpu.memref_slice %arg4[%add3A, %dma_wait3A, %dma_wait3A_44] : memref<32x80x125xi32, #tpu.memory_space<hbm>> -> memref<1x80x125xi32, #tpu.memory_space<hbm>>
      %dma_wait3A_46 = tpu.memref_squeeze %dma_wait3A_45 : memref<1x80x125xi32, #tpu.memory_space<hbm>> -> memref<80x125xi32, #tpu.memory_space<hbm>>
      %dma_wait3A_47 = arith.constant 0 : i32
      %dma_wait3A_48 = arith.constant 0 : i32
      %dma_wait3A_49 = tpu.memref_slice %arg4[%add3A, %dma_wait3A_47, %dma_wait3A_48] : memref<32x80x125xi32, #tpu.memory_space<hbm>> -> memref<1x80x125xi32, #tpu.memory_space<hbm>>
      %dma_wait3A_50 = tpu.memref_squeeze %dma_wait3A_49 : memref<1x80x125xi32, #tpu.memory_space<hbm>> -> memref<80x125xi32, #tpu.memory_space<hbm>>
      tpu.wait_dma2 semaphore(%run_scoped3A : memref<!tpu.dma_semaphore, #tpu.memory_space<semaphore_mem>>) src(%dma_wait3A_50 : memref<80x125xi32, #tpu.memory_space<hbm>>) dst(%arg8 : memref<80x125xi32, #tpu.memory_space<vmem>>)
      tpu.yield
    }) : () -> ()
    %mul3A_1 = arith.constant 632 : i32
    %mul3A_2 = arith.muli %arg1, %mul3A_1 : i32
    "tpu.region"() ({
      %run_scoped3A = tpu.sem_alloc : memref<!tpu.dma_semaphore, #tpu.memory_space<semaphore_mem>>
      %dma_start3A_36 = arith.constant 0 : i32
      %dma_start3A_37 = tpu.memref_slice %arg10[%mul3A_2, %dma_start3A_36] : memref<10112x32xf32, #tpu.memory_space<vmem_shared>> -> memref<632x32xf32, #tpu.memory_space<vmem_shared>>
      tpu.enqueue_dma source(%arg5 : memref<632x32xf32, #tpu.memory_space<hbm>>) target(%dma_start3A_37 : memref<632x32xf32, #tpu.memory_space<vmem_shared>>) target_semaphore(%run_scoped3A : memref<!tpu.dma_semaphore, #tpu.memory_space<semaphore_mem>>)
      %dma_wait3A = arith.constant 0 : i32
      %dma_wait3A_38 = tpu.memref_slice %arg10[%mul3A_2, %dma_wait3A] : memref<10112x32xf32, #tpu.memory_space<vmem_shared>> -> memref<632x32xf32, #tpu.memory_space<vmem_shared>>
      tpu.wait_dma2 semaphore(%run_scoped3A : memref<!tpu.dma_semaphore, #tpu.memory_space<semaphore_mem>>) src(%arg5 : memref<632x32xf32, #tpu.memory_space<hbm>>) dst(%dma_wait3A_38 : memref<632x32xf32, #tpu.memory_space<vmem_shared>>)
      tpu.yield
    }) : () -> ()
    %barrier3A = arith.constant 0 : index
    tpu.barrier barrier_id(%barrier3A)
    %dma_start3A = arith.constant 0 : i32
    %dma_start3A_3 = arith.constant 0 : i32
    %dma_start3A_4 = arith.constant 0 : i32
    %dma_start3A_5 = arith.constant 0 : i32
    %dma_start3A_6 = tpu.memref_slice %arg9[%dma_start3A_3, %dma_start3A_4, %dma_start3A_5] : memref<2x125x32xf32, #tpu.memory_space<vmem>> -> memref<1x125x32xf32, #tpu.memory_space<vmem>>
    %dma_start3A_7 = tpu.memref_squeeze %dma_start3A_6 : memref<1x125x32xf32, #tpu.memory_space<vmem>> -> memref<125x32xf32, #tpu.memory_space<vmem>>
    %dma_start3A_8 = arith.constant 0 : i32
    %dma_start3A_9 = tpu.memref_slice %arg7[%dma_start3A, %dma_start3A_8] : memref<80x125xi32, #tpu.memory_space<vmem>> -> memref<1x125xi32, #tpu.memory_space<vmem>>
    %dma_start3A_10 = tpu.memref_squeeze %dma_start3A_9 : memref<1x125xi32, #tpu.memory_space<vmem>> -> memref<125xi32, #tpu.memory_space<vmem>>
    %dma_start3A_11 = arith.constant 0 : i32
    %dma_start3A_12 = arith.constant 0 : i32
    %dma_start3A_13 = tpu.memref_slice %arg2[%dma_start3A_11, %dma_start3A_12] : memref<10000x32xf32, #tpu.memory_space<hbm>> -> memref<10000x32xf32, #tpu.memory_space<hbm>>
    tpu.enqueue_indirect_dma source(%dma_start3A_13 : memref<10000x32xf32, #tpu.memory_space<hbm>>) target(%dma_start3A_7 : memref<125x32xf32, #tpu.memory_space<vmem>>) offsets(%dma_start3A_10 : memref<125xi32, #tpu.memory_space<vmem>>) semaphore(%arg11 : memref<!tpu.dma_semaphore, #tpu.memory_space<semaphore_mem>>)
    %dma_start3A_14 = arith.constant 1 : i32
    %dma_start3A_15 = arith.constant 1 : i32
    %dma_start3A_16 = arith.constant 0 : i32
    %dma_start3A_17 = arith.constant 0 : i32
    %dma_start3A_18 = tpu.memref_slice %arg9[%dma_start3A_15, %dma_start3A_16, %dma_start3A_17] : memref<2x125x32xf32, #tpu.memory_space<vmem>> -> memref<1x125x32xf32, #tpu.memory_space<vmem>>
    %dma_start3A_19 = tpu.memref_squeeze %dma_start3A_18 : memref<1x125x32xf32, #tpu.memory_space<vmem>> -> memref<125x32xf32, #tpu.memory_space<vmem>>
    %dma_start3A_20 = arith.constant 0 : i32
    %dma_start3A_21 = tpu.memref_slice %arg7[%dma_start3A_14, %dma_start3A_20] : memref<80x125xi32, #tpu.memory_space<vmem>> -> memref<1x125xi32, #tpu.memory_space<vmem>>
    %dma_start3A_22 = tpu.memref_squeeze %dma_start3A_21 : memref<1x125xi32, #tpu.memory_space<vmem>> -> memref<125xi32, #tpu.memory_space<vmem>>
    %dma_start3A_23 = arith.constant 0 : i32
    %dma_start3A_24 = arith.constant 0 : i32
    %dma_start3A_25 = tpu.memref_slice %arg2[%dma_start3A_23, %dma_start3A_24] : memref<10000x32xf32, #tpu.memory_space<hbm>> -> memref<10000x32xf32, #tpu.memory_space<hbm>>
    tpu.enqueue_indirect_dma source(%dma_start3A_25 : memref<10000x32xf32, #tpu.memory_space<hbm>>) target(%dma_start3A_19 : memref<125x32xf32, #tpu.memory_space<vmem>>) offsets(%dma_start3A_22 : memref<125xi32, #tpu.memory_space<vmem>>) semaphore(%arg12 : memref<!tpu.dma_semaphore, #tpu.memory_space<semaphore_mem>>)
    %scan3A = arith.constant 0 : i32
    %scan3A_26 = arith.constant 0 : i32
    %scan3A_27 = arith.constant 40 : i32
    %scan3A_28 = arith.addi %scan3A_26, %scan3A_27 : i32
    %scan3A_29 = arith.constant 1 : i32
    scf.for %scan3A_36 = %scan3A_26 to %scan3A_28 step %scan3A_29  : i32 {
      %mul3A_37 = arith.constant 2 : i32
      %mul3A_38 = arith.muli %scan3A_36, %mul3A_37 : i32
      %add3A_39 = arith.constant 0 : i32
      %add3A_40 = arith.addi %mul3A_38, %add3A_39 : i32
      %dma_wait3A = arith.constant 0 : i32
      %dma_wait3A_41 = arith.constant 0 : i32
      %dma_wait3A_42 = arith.constant 0 : i32
      %dma_wait3A_43 = tpu.memref_slice %arg9[%dma_wait3A, %dma_wait3A_41, %dma_wait3A_42] : memref<2x125x32xf32, #tpu.memory_space<vmem>> -> memref<1x125x32xf32, #tpu.memory_space<vmem>>
      %dma_wait3A_44 = tpu.memref_squeeze %dma_wait3A_43 : memref<1x125x32xf32, #tpu.memory_space<vmem>> -> memref<125x32xf32, #tpu.memory_space<vmem>>
      %dma_wait3A_45 = arith.constant 0 : i32
      %dma_wait3A_46 = tpu.memref_slice %arg7[%add3A_40, %dma_wait3A_45] : memref<80x125xi32, #tpu.memory_space<vmem>> -> memref<1x125xi32, #tpu.memory_space<vmem>>
      %dma_wait3A_47 = tpu.memref_squeeze %dma_wait3A_46 : memref<1x125xi32, #tpu.memory_space<vmem>> -> memref<125xi32, #tpu.memory_space<vmem>>
      %dma_wait3A_48 = arith.constant 0 : i32
      %dma_wait3A_49 = arith.constant 0 : i32
      %dma_wait3A_50 = tpu.memref_slice %arg2[%dma_wait3A_48, %dma_wait3A_49] : memref<10000x32xf32, #tpu.memory_space<hbm>> -> memref<10000x32xf32, #tpu.memory_space<hbm>>
      tpu.wait_indirect_dma semaphore(%arg11 : memref<!tpu.dma_semaphore, #tpu.memory_space<semaphore_mem>>) src(%dma_wait3A_50 : memref<10000x32xf32, #tpu.memory_space<hbm>>) dst(%dma_wait3A_44 : memref<125x32xf32, #tpu.memory_space<vmem>>)
      %run_scoped3A = arith.constant 0 : i32
      "tpu.region"() ({
        %run_scoped3A_78 = tpu.sem_alloc : memref<!tpu.dma_semaphore, #tpu.memory_space<semaphore_mem>>
        %dma_start3A_79 = arith.constant 0 : i32
        %dma_start3A_80 = arith.constant 0 : i32
        %dma_start3A_81 = tpu.memref_slice %arg9[%run_scoped3A, %dma_start3A_79, %dma_start3A_80] : memref<2x125x32xf32, #tpu.memory_space<vmem>> -> memref<1x125x32xf32, #tpu.memory_space<vmem>>
        %dma_start3A_82 = tpu.memref_squeeze %dma_start3A_81 : memref<1x125x32xf32, #tpu.memory_space<vmem>> -> memref<125x32xf32, #tpu.memory_space<vmem>>
        %dma_start3A_83 = arith.constant 0 : i32
        %dma_start3A_84 = tpu.memref_slice %arg8[%add3A_40, %dma_start3A_83] : memref<80x125xi32, #tpu.memory_space<vmem>> -> memref<1x125xi32, #tpu.memory_space<vmem>>
        %dma_start3A_85 = tpu.memref_squeeze %dma_start3A_84 : memref<1x125xi32, #tpu.memory_space<vmem>> -> memref<125xi32, #tpu.memory_space<vmem>>
        %dma_start3A_86 = arith.constant 0 : i32
        %dma_start3A_87 = arith.constant 0 : i32
        %dma_start3A_88 = tpu.memref_slice %arg10[%dma_start3A_86, %dma_start3A_87] : memref<10112x32xf32, #tpu.memory_space<vmem_shared>> -> memref<10112x32xf32, #tpu.memory_space<vmem_shared>>
        tpu.enqueue_indirect_dma source(%dma_start3A_82 : memref<125x32xf32, #tpu.memory_space<vmem>>) target(%dma_start3A_88 : memref<10112x32xf32, #tpu.memory_space<vmem_shared>>) offsets(%dma_start3A_85 : memref<125xi32, #tpu.memory_space<vmem>>) semaphore(%run_scoped3A_78 : memref<!tpu.dma_semaphore, #tpu.memory_space<semaphore_mem>>) {add = true}
        %dma_wait3A_89 = arith.constant 0 : i32
        %dma_wait3A_90 = arith.constant 0 : i32
        %dma_wait3A_91 = tpu.memref_slice %arg9[%run_scoped3A, %dma_wait3A_89, %dma_wait3A_90] : memref<2x125x32xf32, #tpu.memory_space<vmem>> -> memref<1x125x32xf32, #tpu.memory_space<vmem>>
        %dma_wait3A_92 = tpu.memref_squeeze %dma_wait3A_91 : memref<1x125x32xf32, #tpu.memory_space<vmem>> -> memref<125x32xf32, #tpu.memory_space<vmem>>
        %dma_wait3A_93 = arith.constant 0 : i32
        %dma_wait3A_94 = tpu.memref_slice %arg8[%add3A_40, %dma_wait3A_93] : memref<80x125xi32, #tpu.memory_space<vmem>> -> memref<1x125xi32, #tpu.memory_space<vmem>>
        %dma_wait3A_95 = tpu.memref_squeeze %dma_wait3A_94 : memref<1x125xi32, #tpu.memory_space<vmem>> -> memref<125xi32, #tpu.memory_space<vmem>>
        %dma_wait3A_96 = arith.constant 0 : i32
        %dma_wait3A_97 = arith.constant 0 : i32
        %dma_wait3A_98 = tpu.memref_slice %arg10[%dma_wait3A_96, %dma_wait3A_97] : memref<10112x32xf32, #tpu.memory_space<vmem_shared>> -> memref<10112x32xf32, #tpu.memory_space<vmem_shared>>
        tpu.wait_indirect_dma semaphore(%run_scoped3A_78 : memref<!tpu.dma_semaphore, #tpu.memory_space<semaphore_mem>>) src(%dma_wait3A_92 : memref<125x32xf32, #tpu.memory_space<vmem>>) dst(%dma_wait3A_98 : memref<10112x32xf32, #tpu.memory_space<vmem_shared>>)
        tpu.yield
      }) : () -> ()
      %add3A_51 = arith.constant 2 : i32
      %add3A_52 = arith.addi %add3A_40, %add3A_51 : i32
      %lt3A = arith.constant 80 : i32
      %lt3A_53 = arith.cmpi slt, %add3A_52, %lt3A : i32
      %convert_element_type3A = arith.extui %lt3A_53 : i1 to i32
      %cond3A = arith.constant 0 : i32
      %cond3A_54 = arith.cmpi ne, %convert_element_type3A, %cond3A : i32
      scf.if %cond3A_54 {
        %add3A_78 = arith.constant 2 : i32
        %add3A_79 = arith.addi %add3A_40, %add3A_78 : i32
        %dma_start3A_80 = arith.constant 0 : i32
        %dma_start3A_81 = arith.constant 0 : i32
        %dma_start3A_82 = arith.constant 0 : i32
        %dma_start3A_83 = tpu.memref_slice %arg9[%dma_start3A_80, %dma_start3A_81, %dma_start3A_82] : memref<2x125x32xf32, #tpu.memory_space<vmem>> -> memref<1x125x32xf32, #tpu.memory_space<vmem>>
        %dma_start3A_84 = tpu.memref_squeeze %dma_start3A_83 : memref<1x125x32xf32, #tpu.memory_space<vmem>> -> memref<125x32xf32, #tpu.memory_space<vmem>>
        %dma_start3A_85 = arith.constant 0 : i32
        %dma_start3A_86 = tpu.memref_slice %arg7[%add3A_79, %dma_start3A_85] : memref<80x125xi32, #tpu.memory_space<vmem>> -> memref<1x125xi32, #tpu.memory_space<vmem>>
        %dma_start3A_87 = tpu.memref_squeeze %dma_start3A_86 : memref<1x125xi32, #tpu.memory_space<vmem>> -> memref<125xi32, #tpu.memory_space<vmem>>
        %dma_start3A_88 = arith.constant 0 : i32
        %dma_start3A_89 = arith.constant 0 : i32
        %dma_start3A_90 = tpu.memref_slice %arg2[%dma_start3A_88, %dma_start3A_89] : memref<10000x32xf32, #tpu.memory_space<hbm>> -> memref<10000x32xf32, #tpu.memory_space<hbm>>
        tpu.enqueue_indirect_dma source(%dma_start3A_90 : memref<10000x32xf32, #tpu.memory_space<hbm>>) target(%dma_start3A_84 : memref<125x32xf32, #tpu.memory_space<vmem>>) offsets(%dma_start3A_87 : memref<125xi32, #tpu.memory_space<vmem>>) semaphore(%arg11 : memref<!tpu.dma_semaphore, #tpu.memory_space<semaphore_mem>>)
      } else {
      }
      %mul3A_55 = arith.constant 2 : i32
      %mul3A_56 = arith.muli %scan3A_36, %mul3A_55 : i32
      %add3A_57 = arith.constant 1 : i32
      %add3A_58 = arith.addi %mul3A_56, %add3A_57 : i32
      %dma_wait3A_59 = arith.constant 1 : i32
      %dma_wait3A_60 = arith.constant 0 : i32
      %dma_wait3A_61 = arith.constant 0 : i32
      %dma_wait3A_62 = tpu.memref_slice %arg9[%dma_wait3A_59, %dma_wait3A_60, %dma_wait3A_61] : memref<2x125x32xf32, #tpu.memory_space<vmem>> -> memref<1x125x32xf32, #tpu.memory_space<vmem>>
      %dma_wait3A_63 = tpu.memref_squeeze %dma_wait3A_62 : memref<1x125x32xf32, #tpu.memory_space<vmem>> -> memref<125x32xf32, #tpu.memory_space<vmem>>
      %dma_wait3A_64 = arith.constant 0 : i32
      %dma_wait3A_65 = tpu.memref_slice %arg7[%add3A_58, %dma_wait3A_64] : memref<80x125xi32, #tpu.memory_space<vmem>> -> memref<1x125xi32, #tpu.memory_space<vmem>>
      %dma_wait3A_66 = tpu.memref_squeeze %dma_wait3A_65 : memref<1x125xi32, #tpu.memory_space<vmem>> -> memref<125xi32, #tpu.memory_space<vmem>>
      %dma_wait3A_67 = arith.constant 0 : i32
      %dma_wait3A_68 = arith.constant 0 : i32
      %dma_wait3A_69 = tpu.memref_slice %arg2[%dma_wait3A_67, %dma_wait3A_68] : memref<10000x32xf32, #tpu.memory_space<hbm>> -> memref<10000x32xf32, #tpu.memory_space<hbm>>
      tpu.wait_indirect_dma semaphore(%arg12 : memref<!tpu.dma_semaphore, #tpu.memory_space<semaphore_mem>>) src(%dma_wait3A_69 : memref<10000x32xf32, #tpu.memory_space<hbm>>) dst(%dma_wait3A_63 : memref<125x32xf32, #tpu.memory_space<vmem>>)
      %run_scoped3A_70 = arith.constant 1 : i32
      "tpu.region"() ({
        %run_scoped3A_78 = tpu.sem_alloc : memref<!tpu.dma_semaphore, #tpu.memory_space<semaphore_mem>>
        %dma_start3A_79 = arith.constant 0 : i32
        %dma_start3A_80 = arith.constant 0 : i32
        %dma_start3A_81 = tpu.memref_slice %arg9[%run_scoped3A_70, %dma_start3A_79, %dma_start3A_80] : memref<2x125x32xf32, #tpu.memory_space<vmem>> -> memref<1x125x32xf32, #tpu.memory_space<vmem>>
        %dma_start3A_82 = tpu.memref_squeeze %dma_start3A_81 : memref<1x125x32xf32, #tpu.memory_space<vmem>> -> memref<125x32xf32, #tpu.memory_space<vmem>>
        %dma_start3A_83 = arith.constant 0 : i32
        %dma_start3A_84 = tpu.memref_slice %arg8[%add3A_58, %dma_start3A_83] : memref<80x125xi32, #tpu.memory_space<vmem>> -> memref<1x125xi32, #tpu.memory_space<vmem>>
        %dma_start3A_85 = tpu.memref_squeeze %dma_start3A_84 : memref<1x125xi32, #tpu.memory_space<vmem>> -> memref<125xi32, #tpu.memory_space<vmem>>
        %dma_start3A_86 = arith.constant 0 : i32
        %dma_start3A_87 = arith.constant 0 : i32
        %dma_start3A_88 = tpu.memref_slice %arg10[%dma_start3A_86, %dma_start3A_87] : memref<10112x32xf32, #tpu.memory_space<vmem_shared>> -> memref<10112x32xf32, #tpu.memory_space<vmem_shared>>
        tpu.enqueue_indirect_dma source(%dma_start3A_82 : memref<125x32xf32, #tpu.memory_space<vmem>>) target(%dma_start3A_88 : memref<10112x32xf32, #tpu.memory_space<vmem_shared>>) offsets(%dma_start3A_85 : memref<125xi32, #tpu.memory_space<vmem>>) semaphore(%run_scoped3A_78 : memref<!tpu.dma_semaphore, #tpu.memory_space<semaphore_mem>>) {add = true}
        %dma_wait3A_89 = arith.constant 0 : i32
        %dma_wait3A_90 = arith.constant 0 : i32
        %dma_wait3A_91 = tpu.memref_slice %arg9[%run_scoped3A_70, %dma_wait3A_89, %dma_wait3A_90] : memref<2x125x32xf32, #tpu.memory_space<vmem>> -> memref<1x125x32xf32, #tpu.memory_space<vmem>>
        %dma_wait3A_92 = tpu.memref_squeeze %dma_wait3A_91 : memref<1x125x32xf32, #tpu.memory_space<vmem>> -> memref<125x32xf32, #tpu.memory_space<vmem>>
        %dma_wait3A_93 = arith.constant 0 : i32
        %dma_wait3A_94 = tpu.memref_slice %arg8[%add3A_58, %dma_wait3A_93] : memref<80x125xi32, #tpu.memory_space<vmem>> -> memref<1x125xi32, #tpu.memory_space<vmem>>
        %dma_wait3A_95 = tpu.memref_squeeze %dma_wait3A_94 : memref<1x125xi32, #tpu.memory_space<vmem>> -> memref<125xi32, #tpu.memory_space<vmem>>
        %dma_wait3A_96 = arith.constant 0 : i32
        %dma_wait3A_97 = arith.constant 0 : i32
        %dma_wait3A_98 = tpu.memref_slice %arg10[%dma_wait3A_96, %dma_wait3A_97] : memref<10112x32xf32, #tpu.memory_space<vmem_shared>> -> memref<10112x32xf32, #tpu.memory_space<vmem_shared>>
        tpu.wait_indirect_dma semaphore(%run_scoped3A_78 : memref<!tpu.dma_semaphore, #tpu.memory_space<semaphore_mem>>) src(%dma_wait3A_92 : memref<125x32xf32, #tpu.memory_space<vmem>>) dst(%dma_wait3A_98 : memref<10112x32xf32, #tpu.memory_space<vmem_shared>>)
        tpu.yield
      }) : () -> ()
      %add3A_71 = arith.constant 2 : i32
      %add3A_72 = arith.addi %add3A_58, %add3A_71 : i32
      %lt3A_73 = arith.constant 80 : i32
      %lt3A_74 = arith.cmpi slt, %add3A_72, %lt3A_73 : i32
      %convert_element_type3A_75 = arith.extui %lt3A_74 : i1 to i32
      %cond3A_76 = arith.constant 0 : i32
      %cond3A_77 = arith.cmpi ne, %convert_element_type3A_75, %cond3A_76 : i32
      scf.if %cond3A_77 {
        %add3A_78 = arith.constant 2 : i32
        %add3A_79 = arith.addi %add3A_58, %add3A_78 : i32
        %dma_start3A_80 = arith.constant 1 : i32
        %dma_start3A_81 = arith.constant 0 : i32
        %dma_start3A_82 = arith.constant 0 : i32
        %dma_start3A_83 = tpu.memref_slice %arg9[%dma_start3A_80, %dma_start3A_81, %dma_start3A_82] : memref<2x125x32xf32, #tpu.memory_space<vmem>> -> memref<1x125x32xf32, #tpu.memory_space<vmem>>
        %dma_start3A_84 = tpu.memref_squeeze %dma_start3A_83 : memref<1x125x32xf32, #tpu.memory_space<vmem>> -> memref<125x32xf32, #tpu.memory_space<vmem>>
        %dma_start3A_85 = arith.constant 0 : i32
        %dma_start3A_86 = tpu.memref_slice %arg7[%add3A_79, %dma_start3A_85] : memref<80x125xi32, #tpu.memory_space<vmem>> -> memref<1x125xi32, #tpu.memory_space<vmem>>
        %dma_start3A_87 = tpu.memref_squeeze %dma_start3A_86 : memref<1x125xi32, #tpu.memory_space<vmem>> -> memref<125xi32, #tpu.memory_space<vmem>>
        %dma_start3A_88 = arith.constant 0 : i32
        %dma_start3A_89 = arith.constant 0 : i32
        %dma_start3A_90 = tpu.memref_slice %arg2[%dma_start3A_88, %dma_start3A_89] : memref<10000x32xf32, #tpu.memory_space<hbm>> -> memref<10000x32xf32, #tpu.memory_space<hbm>>
        tpu.enqueue_indirect_dma source(%dma_start3A_90 : memref<10000x32xf32, #tpu.memory_space<hbm>>) target(%dma_start3A_84 : memref<125x32xf32, #tpu.memory_space<vmem>>) offsets(%dma_start3A_87 : memref<125xi32, #tpu.memory_space<vmem>>) semaphore(%arg12 : memref<!tpu.dma_semaphore, #tpu.memory_space<semaphore_mem>>)
      } else {
      }
    }
    %scan3A_30 = arith.constant 40 : i32
    %barrier3A_31 = arith.constant 0 : index
    tpu.barrier barrier_id(%barrier3A_31)
    %mul3A_32 = arith.constant 632 : i32
    %mul3A_33 = arith.muli %arg1, %mul3A_32 : i32
    %mul3A_34 = arith.constant 632 : i32
    %mul3A_35 = arith.muli %arg1, %mul3A_34 : i32
    "tpu.region"() ({
      %run_scoped3A = tpu.sem_alloc : memref<!tpu.dma_semaphore, #tpu.memory_space<semaphore_mem>>
      %dma_start3A_36 = arith.constant 0 : i32
      %dma_start3A_37 = tpu.memref_slice %arg6[%arg0, %mul3A_35, %dma_start3A_36] : memref<2x10112x32xf32, #tpu.memory_space<hbm>> -> memref<1x632x32xf32, #tpu.memory_space<hbm>>
      %dma_start3A_38 = tpu.memref_squeeze %dma_start3A_37 : memref<1x632x32xf32, #tpu.memory_space<hbm>> -> memref<632x32xf32, #tpu.memory_space<hbm>>
      %dma_start3A_39 = arith.constant 0 : i32
      %dma_start3A_40 = tpu.memref_slice %arg10[%mul3A_33, %dma_start3A_39] : memref<10112x32xf32, #tpu.memory_space<vmem_shared>> -> memref<632x32xf32, #tpu.memory_space<vmem_shared>>
      tpu.enqueue_dma source(%dma_start3A_40 : memref<632x32xf32, #tpu.memory_space<vmem_shared>>) target(%dma_start3A_38 : memref<632x32xf32, #tpu.memory_space<hbm>>) target_semaphore(%run_scoped3A : memref<!tpu.dma_semaphore, #tpu.memory_space<semaphore_mem>>)
      %dma_wait3A = arith.constant 0 : i32
      %dma_wait3A_41 = tpu.memref_slice %arg6[%arg0, %mul3A_35, %dma_wait3A] : memref<2x10112x32xf32, #tpu.memory_space<hbm>> -> memref<1x632x32xf32, #tpu.memory_space<hbm>>
      %dma_wait3A_42 = tpu.memref_squeeze %dma_wait3A_41 : memref<1x632x32xf32, #tpu.memory_space<hbm>> -> memref<632x32xf32, #tpu.memory_space<hbm>>
      %dma_wait3A_43 = arith.constant 0 : i32
      %dma_wait3A_44 = tpu.memref_slice %arg10[%mul3A_33, %dma_wait3A_43] : memref<10112x32xf32, #tpu.memory_space<vmem_shared>> -> memref<632x32xf32, #tpu.memory_space<vmem_shared>>
      tpu.wait_dma2 semaphore(%run_scoped3A : memref<!tpu.dma_semaphore, #tpu.memory_space<semaphore_mem>>) src(%dma_wait3A_44 : memref<632x32xf32, #tpu.memory_space<vmem_shared>>) dst(%dma_wait3A_42 : memref<632x32xf32, #tpu.memory_space<hbm>>)
      tpu.yield
    }) : () -> ()
    return
  }
}

module attributes {stable_mosaic.version = 14 : i64} {
  func.func @body(%arg0: i32, %arg1: memref<1000x128xf32, #tpu.memory_space<vmem>>, %arg2: memref<128x512xf32, #tpu.memory_space<vmem>>, %arg3: memref<1x512xf32, #tpu.memory_space<vmem>>, %arg4: memref<512x128xf32, #tpu.memory_space<vmem>>, %arg5: memref<1x128xf32, #tpu.memory_space<vmem>>, %arg6: memref<1000x128xf32, #tpu.memory_space<vmem>>) attributes {dimension_semantics = [#tpu.dimension_semantics<arbitrary>], iteration_bounds = array<i64: 10>, scalar_prefetch = 0 : i64, scratch_operands = 0 : i64, tpu.core_type = #tpu.core_type<tc>, window_params = [{transform_indices = @transform_0, window_bounds = array<i64: 1000, 128>}, {pipeline_mode = #tpu.pipeline_mode<synchronous>, transform_indices = @transform_1, window_bounds = array<i64: 128, 512>}, {pipeline_mode = #tpu.pipeline_mode<synchronous>, transform_indices = @transform_2, window_bounds = array<i64: 1, 512>}, {pipeline_mode = #tpu.pipeline_mode<synchronous>, transform_indices = @transform_3, window_bounds = array<i64: 512, 128>}, {pipeline_mode = #tpu.pipeline_mode<synchronous>, transform_indices = @transform_4, window_bounds = array<i64: 1, 128>}, {transform_indices = @transform_5, window_bounds = array<i64: 1000, 128>}]} {
    %get3A = arith.constant 0 : index
    %get3A_0 = arith.constant 0 : index
    %get3A_1 = vector.load %arg1[%get3A, %get3A_0] : memref<1000x128xf32, #tpu.memory_space<vmem>>, vector<1000x128xf32>
    %get3A_2 = arith.constant 0 : index
    %get3A_3 = arith.constant 0 : index
    %get3A_4 = vector.load %arg2[%get3A_2, %get3A_3] : memref<128x512xf32, #tpu.memory_space<vmem>>, vector<128x512xf32>
    %get3A_5 = arith.constant 0 : index
    %get3A_6 = arith.constant 0 : index
    %get3A_7 = vector.load %arg3[%get3A_5, %get3A_6] : memref<1x512xf32, #tpu.memory_space<vmem>>, vector<1x512xf32>
    %dot_general3A = arith.constant dense<0.000000e+00> : vector<1000x512xf32>
    %dot_general3A_8 = tpu.matmul %get3A_1, %get3A_4, %dot_general3A {dimension_numbers = #tpu.dot_dimension_numbers<[1], [0], [0], [1], [0, 0, 1, 1], [], []>, transpose_lhs_hint = false} : vector<1000x128xf32>, vector<128x512xf32>, vector<1000x512xf32> -> vector<1000x512xf32>
    %add3A = vector.broadcast %get3A_7 : vector<1x512xf32> to vector<1000x512xf32>
    %add3A_9 = arith.addf %dot_general3A_8, %add3A : vector<1000x512xf32>
    %neg3A = arith.constant 0.000000e+00 : f32
    %neg3A_10 = vector.broadcast %neg3A : f32 to vector<1000x512xf32>
    %neg3A_11 = arith.subf %neg3A_10, %add3A_9 : vector<1000x512xf32>
    %exp3A = math.exp %neg3A_11 : vector<1000x512xf32>
    %add3A_12 = arith.constant 1.000000e+00 : f32
    %add3A_13 = vector.broadcast %add3A_12 : f32 to vector<1000x512xf32>
    %add3A_14 = arith.addf %add3A_13, %exp3A : vector<1000x512xf32>
    %div3A = arith.constant 1.000000e+00 : f32
    %div3A_15 = vector.broadcast %div3A : f32 to vector<1000x512xf32>
    %div3A_16 = arith.divf %div3A_15, %add3A_14 : vector<1000x512xf32>
    %get3A_17 = arith.constant 0 : index
    %get3A_18 = arith.constant 0 : index
    %get3A_19 = vector.load %arg4[%get3A_17, %get3A_18] : memref<512x128xf32, #tpu.memory_space<vmem>>, vector<512x128xf32>
    %get3A_20 = arith.constant 0 : index
    %get3A_21 = arith.constant 0 : index
    %get3A_22 = vector.load %arg5[%get3A_20, %get3A_21] : memref<1x128xf32, #tpu.memory_space<vmem>>, vector<1x128xf32>
    %dot_general3A_23 = arith.constant dense<0.000000e+00> : vector<1000x128xf32>
    %dot_general3A_24 = tpu.matmul %div3A_16, %get3A_19, %dot_general3A_23 {dimension_numbers = #tpu.dot_dimension_numbers<[1], [0], [0], [1], [0, 0, 1, 1], [], []>, transpose_lhs_hint = false} : vector<1000x512xf32>, vector<512x128xf32>, vector<1000x128xf32> -> vector<1000x128xf32>
    %add3A_25 = vector.broadcast %get3A_22 : vector<1x128xf32> to vector<1000x128xf32>
    %add3A_26 = arith.addf %dot_general3A_24, %add3A_25 : vector<1000x128xf32>
    %max3A = arith.constant 0.000000e+00 : f32
    %max3A_27 = vector.broadcast %max3A : f32 to vector<1000x128xf32>
    %max3A_28 = arith.maximumf %add3A_26, %max3A_27 : vector<1000x128xf32>
    %swap3A = arith.constant 0 : index
    %swap3A_29 = arith.constant 0 : index
    %swap3A_30 = vector.load %arg6[%swap3A, %swap3A_29] : memref<1000x128xf32, #tpu.memory_space<vmem>>, vector<1000x128xf32>
    tpu.vector_store %arg6[%swap3A, %swap3A_29], %max3A_28 {strides = array<i32>} : memref<1000x128xf32, #tpu.memory_space<vmem>>, vector<1000x128xf32>,
    return
  }
  func.func @transform_0(%arg0: i32) -> (i32, i32) {
    %c0_i32 = arith.constant 0 : i32
    %c0_i32_0 = arith.constant 0 : i32
    return %arg0, %c0_i32 : i32, i32
  }
  func.func @transform_1(%arg0: i32) -> (i32, i32) {
    %c0_i32 = arith.constant 0 : i32
    %c0_i32_0 = arith.constant 0 : i32
    %c0_i32_1 = arith.constant 0 : i32
    return %c0_i32, %c0_i32_0 : i32, i32
  }
  func.func @transform_2(%arg0: i32) -> (i32, i32) {
    %c0_i32 = arith.constant 0 : i32
    %c0_i32_0 = arith.constant 0 : i32
    %c0_i32_1 = arith.constant 0 : i32
    return %c0_i32, %c0_i32_0 : i32, i32
  }
  func.func @transform_3(%arg0: i32) -> (i32, i32) {
    %c0_i32 = arith.constant 0 : i32
    %c0_i32_0 = arith.constant 0 : i32
    %c0_i32_1 = arith.constant 0 : i32
    return %c0_i32, %c0_i32_0 : i32, i32
  }
  func.func @transform_4(%arg0: i32) -> (i32, i32) {
    %c0_i32 = arith.constant 0 : i32
    %c0_i32_0 = arith.constant 0 : i32
    %c0_i32_1 = arith.constant 0 : i32
    return %c0_i32, %c0_i32_0 : i32, i32
  }
  func.func @transform_5(%arg0: i32) -> (i32, i32) {
    %c0_i32 = arith.constant 0 : i32
    %c0_i32_0 = arith.constant 0 : i32
    return %arg0, %c0_i32 : i32, i32
  }
}

module attributes {stable_mosaic.version = 14 : i64} {
  func.func @body(%arg0: i32, %arg1: memref<1000x128xf32, #tpu.memory_space<vmem>>, %arg2: memref<2x1000x64xf32, #tpu.memory_space<vmem>>, %arg3: memref<128x512xf32, #tpu.memory_space<vmem>>, %arg4: memref<1x512xf32, #tpu.memory_space<vmem>>, %arg5: memref<512x256xf32, #tpu.memory_space<vmem>>, %arg6: memref<1x256xf32, #tpu.memory_space<vmem>>, %arg7: memref<256x64xf32, #tpu.memory_space<vmem>>, %arg8: memref<1x64xf32, #tpu.memory_space<vmem>>, %arg9: memref<64x64xf32, #tpu.memory_space<vmem>>, %arg10: memref<1x64xf32, #tpu.memory_space<vmem>>, %arg11: memref<64x32xf32, #tpu.memory_space<vmem>>, %arg12: memref<1x32xf32, #tpu.memory_space<vmem>>, %arg13: memref<1x32xf32, #tpu.memory_space<vmem>>, %arg14: memref<1x32xf32, #tpu.memory_space<vmem>>, %arg15: memref<1x32xf32, #tpu.memory_space<vmem>>, %arg16: memref<1x32xf32, #tpu.memory_space<vmem>>, %arg17: memref<1000x32xf32, #tpu.memory_space<vmem>>) attributes {dimension_semantics = [#tpu.dimension_semantics<arbitrary>], iteration_bounds = array<i64: 10>, scalar_prefetch = 0 : i64, scratch_operands = 0 : i64, tpu.core_type = #tpu.core_type<tc>, window_params = [{transform_indices = @transform_0, window_bounds = array<i64: 1000, 128>}, {transform_indices = @transform_1, window_bounds = array<i64: 2, 1000, 64>}, {pipeline_mode = #tpu.pipeline_mode<synchronous>, transform_indices = @transform_2, window_bounds = array<i64: 128, 512>}, {pipeline_mode = #tpu.pipeline_mode<synchronous>, transform_indices = @transform_3, window_bounds = array<i64: 1, 512>}, {pipeline_mode = #tpu.pipeline_mode<synchronous>, transform_indices = @transform_4, window_bounds = array<i64: 512, 256>}, {pipeline_mode = #tpu.pipeline_mode<synchronous>, transform_indices = @transform_5, window_bounds = array<i64: 1, 256>}, {pipeline_mode = #tpu.pipeline_mode<synchronous>, transform_indices = @transform_6, window_bounds = array<i64: 256, 64>}, {pipeline_mode = #tpu.pipeline_mode<synchronous>, transform_indices = @transform_7, window_bounds = array<i64: 1, 64>}, {pipeline_mode = #tpu.pipeline_mode<synchronous>, transform_indices = @transform_8, window_bounds = array<i64: 64, 64>}, {pipeline_mode = #tpu.pipeline_mode<synchronous>, transform_indices = @transform_9, window_bounds = array<i64: 1, 64>}, {pipeline_mode = #tpu.pipeline_mode<synchronous>, transform_indices = @transform_10, window_bounds = array<i64: 64, 32>}, {pipeline_mode = #tpu.pipeline_mode<synchronous>, transform_indices = @transform_11, window_bounds = array<i64: 1, 32>}, {pipeline_mode = #tpu.pipeline_mode<synchronous>, transform_indices = @transform_12, window_bounds = array<i64: 1, 32>}, {pipeline_mode = #tpu.pipeline_mode<synchronous>, transform_indices = @transform_13, window_bounds = array<i64: 1, 32>}, {pipeline_mode = #tpu.pipeline_mode<synchronous>, transform_indices = @transform_14, window_bounds = array<i64: 1, 32>}, {pipeline_mode = #tpu.pipeline_mode<synchronous>, transform_indices = @transform_15, window_bounds = array<i64: 1, 32>}, {transform_indices = @transform_16, window_bounds = array<i64: 1000, 32>}]} {
    %get3A = arith.constant 0 : index
    %get3A_0 = arith.constant 0 : index
    %get3A_1 = vector.load %arg1[%get3A, %get3A_0] : memref<1000x128xf32, #tpu.memory_space<vmem>>, vector<1000x128xf32>
    %get3A_2 = arith.constant 0 : index
    %get3A_3 = arith.constant 0 : index
    %get3A_4 = arith.constant 0 : index
    %get3A_5 = vector.load %arg2[%get3A_2, %get3A_3, %get3A_4] : memref<2x1000x64xf32, #tpu.memory_space<vmem>>, vector<2x1000x64xf32>
    %slice3A = vector.extract_strided_slice %get3A_5 {offsets = [0, 0, 0], sizes = [1, 1000, 64], strides = [1, 1, 1]} : vector<2x1000x64xf32> to vector<1x1000x64xf32>
    %squeeze3A = vector.shape_cast %slice3A : vector<1x1000x64xf32> to vector<1000x64xf32>
    %slice3A_6 = vector.extract_strided_slice %get3A_5 {offsets = [1, 0, 0], sizes = [1, 1000, 64], strides = [1, 1, 1]} : vector<2x1000x64xf32> to vector<1x1000x64xf32>
    %squeeze3A_7 = vector.shape_cast %slice3A_6 : vector<1x1000x64xf32> to vector<1000x64xf32>
    %concatenate3A = tpu.concatenate %squeeze3A, %squeeze3A_7 in 1 : vector<1000x64xf32>, vector<1000x64xf32> -> vector<1000x128xf32>
    %add3A = arith.addf %get3A_1, %concatenate3A : vector<1000x128xf32>
    %get3A_8 = arith.constant 0 : index
    %get3A_9 = arith.constant 0 : index
    %get3A_10 = vector.load %arg3[%get3A_8, %get3A_9] : memref<128x512xf32, #tpu.memory_space<vmem>>, vector<128x512xf32>
    %get3A_11 = arith.constant 0 : index
    %get3A_12 = arith.constant 0 : index
    %get3A_13 = vector.load %arg4[%get3A_11, %get3A_12] : memref<1x512xf32, #tpu.memory_space<vmem>>, vector<1x512xf32>
    %dot_general3A = arith.constant dense<0.000000e+00> : vector<1000x512xf32>
    %dot_general3A_14 = tpu.matmul %add3A, %get3A_10, %dot_general3A {dimension_numbers = #tpu.dot_dimension_numbers<[1], [0], [0], [1], [0, 0, 1, 1], [], []>, transpose_lhs_hint = false} : vector<1000x128xf32>, vector<128x512xf32>, vector<1000x512xf32> -> vector<1000x512xf32>
    %add3A_15 = vector.broadcast %get3A_13 : vector<1x512xf32> to vector<1000x512xf32>
    %add3A_16 = arith.addf %dot_general3A_14, %add3A_15 : vector<1000x512xf32>
    %neg3A = arith.constant 0.000000e+00 : f32
    %neg3A_17 = vector.broadcast %neg3A : f32 to vector<1000x512xf32>
    %neg3A_18 = arith.subf %neg3A_17, %add3A_16 : vector<1000x512xf32>
    %exp3A = math.exp %neg3A_18 : vector<1000x512xf32>
    %add3A_19 = arith.constant 1.000000e+00 : f32
    %add3A_20 = vector.broadcast %add3A_19 : f32 to vector<1000x512xf32>
    %add3A_21 = arith.addf %add3A_20, %exp3A : vector<1000x512xf32>
    %div3A = arith.constant 1.000000e+00 : f32
    %div3A_22 = vector.broadcast %div3A : f32 to vector<1000x512xf32>
    %div3A_23 = arith.divf %div3A_22, %add3A_21 : vector<1000x512xf32>
    %get3A_24 = arith.constant 0 : index
    %get3A_25 = arith.constant 0 : index
    %get3A_26 = vector.load %arg5[%get3A_24, %get3A_25] : memref<512x256xf32, #tpu.memory_space<vmem>>, vector<512x256xf32>
    %get3A_27 = arith.constant 0 : index
    %get3A_28 = arith.constant 0 : index
    %get3A_29 = vector.load %arg6[%get3A_27, %get3A_28] : memref<1x256xf32, #tpu.memory_space<vmem>>, vector<1x256xf32>
    %dot_general3A_30 = arith.constant dense<0.000000e+00> : vector<1000x256xf32>
    %dot_general3A_31 = tpu.matmul %div3A_23, %get3A_26, %dot_general3A_30 {dimension_numbers = #tpu.dot_dimension_numbers<[1], [0], [0], [1], [0, 0, 1, 1], [], []>, transpose_lhs_hint = false} : vector<1000x512xf32>, vector<512x256xf32>, vector<1000x256xf32> -> vector<1000x256xf32>
    %add3A_32 = vector.broadcast %get3A_29 : vector<1x256xf32> to vector<1000x256xf32>
    %add3A_33 = arith.addf %dot_general3A_31, %add3A_32 : vector<1000x256xf32>
    %max3A = arith.constant 0.000000e+00 : f32
    %max3A_34 = vector.broadcast %max3A : f32 to vector<1000x256xf32>
    %max3A_35 = arith.maximumf %add3A_33, %max3A_34 : vector<1000x256xf32>
    %get3A_36 = arith.constant 0 : index
    %get3A_37 = arith.constant 0 : index
    %get3A_38 = vector.load %arg7[%get3A_36, %get3A_37] : memref<256x64xf32, #tpu.memory_space<vmem>>, vector<256x64xf32>
    %get3A_39 = arith.constant 0 : index
    %get3A_40 = arith.constant 0 : index
    %get3A_41 = vector.load %arg8[%get3A_39, %get3A_40] : memref<1x64xf32, #tpu.memory_space<vmem>>, vector<1x64xf32>
    %dot_general3A_42 = arith.constant dense<0.000000e+00> : vector<1000x64xf32>
    %dot_general3A_43 = tpu.matmul %max3A_35, %get3A_38, %dot_general3A_42 {dimension_numbers = #tpu.dot_dimension_numbers<[1], [0], [0], [1], [0, 0, 1, 1], [], []>, transpose_lhs_hint = false} : vector<1000x256xf32>, vector<256x64xf32>, vector<1000x64xf32> -> vector<1000x64xf32>
    %add3A_44 = vector.broadcast %get3A_41 : vector<1x64xf32> to vector<1000x64xf32>
    %add3A_45 = arith.addf %dot_general3A_43, %add3A_44 : vector<1000x64xf32>
    %gt3A = arith.constant 0.000000e+00 : f32
    %gt3A_46 = vector.broadcast %gt3A : f32 to vector<1000x64xf32>
    %gt3A_47 = arith.cmpf ogt, %add3A_45, %gt3A_46 : vector<1000x64xf32>
    %gt3A_48 = arith.constant 0.000000e+00 : f32
    %gt3A_49 = vector.broadcast %gt3A_48 : f32 to vector<1000x64xf32>
    %gt3A_50 = arith.cmpf ogt, %add3A_45, %gt3A_49 : vector<1000x64xf32>
    %jit3A = arith.constant 0.000000e+00 : f32
    %broadcast_in_dim3A = vector.broadcast %jit3A : f32 to vector<1000x64xf32>
    %select_n3A = arith.select %gt3A_50, %broadcast_in_dim3A, %add3A_45 : vector<1000x64xi1>, vector<1000x64xf32>
    %mul3A = arith.constant 0.166666672 : f32
    %mul3A_51 = vector.broadcast %mul3A : f32 to vector<1000x64xf32>
    %mul3A_52 = arith.mulf %select_n3A, %mul3A_51 : vector<1000x64xf32>
    %add3A_53 = arith.constant 5.000000e-01 : f32
    %add3A_54 = vector.broadcast %add3A_53 : f32 to vector<1000x64xf32>
    %add3A_55 = arith.addf %add3A_54, %mul3A_52 : vector<1000x64xf32>
    %mul3A_56 = arith.mulf %select_n3A, %add3A_55 : vector<1000x64xf32>
    %add3A_57 = arith.constant 1.000000e+00 : f32
    %add3A_58 = vector.broadcast %add3A_57 : f32 to vector<1000x64xf32>
    %add3A_59 = arith.addf %add3A_58, %mul3A_56 : vector<1000x64xf32>
    %mul3A_60 = arith.mulf %select_n3A, %add3A_59 : vector<1000x64xf32>
    %gt3A_61 = arith.constant -0.00999999977 : f32
    %gt3A_62 = vector.broadcast %gt3A_61 : f32 to vector<1000x64xf32>
    %gt3A_63 = arith.cmpf ogt, %select_n3A, %gt3A_62 : vector<1000x64xf32>
    %exp3A_64 = math.exp %select_n3A : vector<1000x64xf32>
    %sub3A = arith.constant 1.000000e+00 : f32
    %sub3A_65 = vector.broadcast %sub3A : f32 to vector<1000x64xf32>
    %sub3A_66 = arith.subf %exp3A_64, %sub3A_65 : vector<1000x64xf32>
    %select_n3A_67 = arith.select %gt3A_63, %mul3A_60, %sub3A_66 : vector<1000x64xi1>, vector<1000x64xf32>
    %select_n3A_68 = arith.select %gt3A_47, %add3A_45, %select_n3A_67 : vector<1000x64xi1>, vector<1000x64xf32>
    %get3A_69 = arith.constant 0 : index
    %get3A_70 = arith.constant 0 : index
    %get3A_71 = vector.load %arg9[%get3A_69, %get3A_70] : memref<64x64xf32, #tpu.memory_space<vmem>>, vector<64x64xf32>
    %get3A_72 = arith.constant 0 : index
    %get3A_73 = arith.constant 0 : index
    %get3A_74 = vector.load %arg10[%get3A_72, %get3A_73] : memref<1x64xf32, #tpu.memory_space<vmem>>, vector<1x64xf32>
    %dot_general3A_75 = arith.constant dense<0.000000e+00> : vector<1000x64xf32>
    %dot_general3A_76 = tpu.matmul %select_n3A_68, %get3A_71, %dot_general3A_75 {dimension_numbers = #tpu.dot_dimension_numbers<[1], [0], [0], [1], [0, 0, 1, 1], [], []>, transpose_lhs_hint = false} : vector<1000x64xf32>, vector<64x64xf32>, vector<1000x64xf32> -> vector<1000x64xf32>
    %add3A_77 = vector.broadcast %get3A_74 : vector<1x64xf32> to vector<1000x64xf32>
    %add3A_78 = arith.addf %dot_general3A_76, %add3A_77 : vector<1000x64xf32>
    %gt3A_79 = arith.constant 0.000000e+00 : f32
    %gt3A_80 = vector.broadcast %gt3A_79 : f32 to vector<1000x64xf32>
    %gt3A_81 = arith.cmpf ogt, %add3A_78, %gt3A_80 : vector<1000x64xf32>
    %gt3A_82 = arith.constant 0.000000e+00 : f32
    %gt3A_83 = vector.broadcast %gt3A_82 : f32 to vector<1000x64xf32>
    %gt3A_84 = arith.cmpf ogt, %add3A_78, %gt3A_83 : vector<1000x64xf32>
    %jit3A_85 = arith.constant 0.000000e+00 : f32
    %broadcast_in_dim3A_86 = vector.broadcast %jit3A_85 : f32 to vector<1000x64xf32>
    %select_n3A_87 = arith.select %gt3A_84, %broadcast_in_dim3A_86, %add3A_78 : vector<1000x64xi1>, vector<1000x64xf32>
    %mul3A_88 = arith.constant 0.166666672 : f32
    %mul3A_89 = vector.broadcast %mul3A_88 : f32 to vector<1000x64xf32>
    %mul3A_90 = arith.mulf %select_n3A_87, %mul3A_89 : vector<1000x64xf32>
    %add3A_91 = arith.constant 5.000000e-01 : f32
    %add3A_92 = vector.broadcast %add3A_91 : f32 to vector<1000x64xf32>
    %add3A_93 = arith.addf %add3A_92, %mul3A_90 : vector<1000x64xf32>
    %mul3A_94 = arith.mulf %select_n3A_87, %add3A_93 : vector<1000x64xf32>
    %add3A_95 = arith.constant 1.000000e+00 : f32
    %add3A_96 = vector.broadcast %add3A_95 : f32 to vector<1000x64xf32>
    %add3A_97 = arith.addf %add3A_96, %mul3A_94 : vector<1000x64xf32>
    %mul3A_98 = arith.mulf %select_n3A_87, %add3A_97 : vector<1000x64xf32>
    %gt3A_99 = arith.constant -0.00999999977 : f32
    %gt3A_100 = vector.broadcast %gt3A_99 : f32 to vector<1000x64xf32>
    %gt3A_101 = arith.cmpf ogt, %select_n3A_87, %gt3A_100 : vector<1000x64xf32>
    %exp3A_102 = math.exp %select_n3A_87 : vector<1000x64xf32>
    %sub3A_103 = arith.constant 1.000000e+00 : f32
    %sub3A_104 = vector.broadcast %sub3A_103 : f32 to vector<1000x64xf32>
    %sub3A_105 = arith.subf %exp3A_102, %sub3A_104 : vector<1000x64xf32>
    %select_n3A_106 = arith.select %gt3A_101, %mul3A_98, %sub3A_105 : vector<1000x64xi1>, vector<1000x64xf32>
    %mul3A_107 = arith.constant 1.67326319 : f32
    %mul3A_108 = vector.broadcast %mul3A_107 : f32 to vector<1000x64xf32>
    %mul3A_109 = arith.mulf %mul3A_108, %select_n3A_106 : vector<1000x64xf32>
    %select_n3A_110 = arith.select %gt3A_81, %add3A_78, %mul3A_109 : vector<1000x64xi1>, vector<1000x64xf32>
    %mul3A_111 = arith.constant 1.05070102 : f32
    %mul3A_112 = vector.broadcast %mul3A_111 : f32 to vector<1000x64xf32>
    %mul3A_113 = arith.mulf %mul3A_112, %select_n3A_110 : vector<1000x64xf32>
    %get3A_114 = arith.constant 0 : index
    %get3A_115 = arith.constant 0 : index
    %get3A_116 = vector.load %arg11[%get3A_114, %get3A_115] : memref<64x32xf32, #tpu.memory_space<vmem>>, vector<64x32xf32>
    %get3A_117 = arith.constant 0 : index
    %get3A_118 = arith.constant 0 : index
    %get3A_119 = vector.load %arg12[%get3A_117, %get3A_118] : memref<1x32xf32, #tpu.memory_space<vmem>>, vector<1x32xf32>
    %dot_general3A_120 = arith.constant dense<0.000000e+00> : vector<1000x32xf32>
    %dot_general3A_121 = tpu.matmul %mul3A_113, %get3A_116, %dot_general3A_120 {dimension_numbers = #tpu.dot_dimension_numbers<[1], [0], [0], [1], [0, 0, 1, 1], [], []>, transpose_lhs_hint = false} : vector<1000x64xf32>, vector<64x32xf32>, vector<1000x32xf32> -> vector<1000x32xf32>
    %add3A_122 = vector.broadcast %get3A_119 : vector<1x32xf32> to vector<1000x32xf32>
    %add3A_123 = arith.addf %dot_general3A_121, %add3A_122 : vector<1000x32xf32>
    %get3A_124 = arith.constant 0 : index
    %get3A_125 = arith.constant 0 : index
    %get3A_126 = vector.load %arg15[%get3A_124, %get3A_125] : memref<1x32xf32, #tpu.memory_space<vmem>>, vector<1x32xf32>
    %sub3A_127 = vector.broadcast %get3A_126 : vector<1x32xf32> to vector<1000x32xf32>
    %sub3A_128 = arith.subf %add3A_123, %sub3A_127 : vector<1000x32xf32>
    %get3A_129 = arith.constant 0 : index
    %get3A_130 = arith.constant 0 : index
    %get3A_131 = vector.load %arg16[%get3A_129, %get3A_130] : memref<1x32xf32, #tpu.memory_space<vmem>>, vector<1x32xf32>
    %add3A_132 = arith.constant 9.99999974E-6 : f32
    %add3A_133 = vector.broadcast %add3A_132 : f32 to vector<1x32xf32>
    %add3A_134 = arith.addf %get3A_131, %add3A_133 : vector<1x32xf32>
    %sqrt3A = math.sqrt %add3A_134 : vector<1x32xf32>
    %div3A_135 = vector.broadcast %sqrt3A : vector<1x32xf32> to vector<1000x32xf32>
    %div3A_136 = arith.divf %sub3A_128, %div3A_135 : vector<1000x32xf32>
    %get3A_137 = arith.constant 0 : index
    %get3A_138 = arith.constant 0 : index
    %get3A_139 = vector.load %arg13[%get3A_137, %get3A_138] : memref<1x32xf32, #tpu.memory_space<vmem>>, vector<1x32xf32>
    %mul3A_140 = vector.broadcast %get3A_139 : vector<1x32xf32> to vector<1000x32xf32>
    %mul3A_141 = arith.mulf %div3A_136, %mul3A_140 : vector<1000x32xf32>
    %get3A_142 = arith.constant 0 : index
    %get3A_143 = arith.constant 0 : index
    %get3A_144 = vector.load %arg14[%get3A_142, %get3A_143] : memref<1x32xf32, #tpu.memory_space<vmem>>, vector<1x32xf32>
    %add3A_145 = vector.broadcast %get3A_144 : vector<1x32xf32> to vector<1000x32xf32>
    %add3A_146 = arith.addf %mul3A_141, %add3A_145 : vector<1000x32xf32>
    %neg3A_147 = arith.constant 0.000000e+00 : f32
    %neg3A_148 = vector.broadcast %neg3A_147 : f32 to vector<1000x32xf32>
    %neg3A_149 = arith.subf %neg3A_148, %add3A_146 : vector<1000x32xf32>
    %exp3A_150 = math.exp %neg3A_149 : vector<1000x32xf32>
    %add3A_151 = arith.constant 1.000000e+00 : f32
    %add3A_152 = vector.broadcast %add3A_151 : f32 to vector<1000x32xf32>
    %add3A_153 = arith.addf %add3A_152, %exp3A_150 : vector<1000x32xf32>
    %div3A_154 = arith.constant 1.000000e+00 : f32
    %div3A_155 = vector.broadcast %div3A_154 : f32 to vector<1000x32xf32>
    %div3A_156 = arith.divf %div3A_155, %add3A_153 : vector<1000x32xf32>
    %swap3A = arith.constant 0 : index
    %swap3A_157 = arith.constant 0 : index
    %swap3A_158 = vector.load %arg17[%swap3A, %swap3A_157] : memref<1000x32xf32, #tpu.memory_space<vmem>>, vector<1000x32xf32>
    tpu.vector_store %arg17[%swap3A, %swap3A_157], %div3A_156 {strides = array<i32>} : memref<1000x32xf32, #tpu.memory_space<vmem>>, vector<1000x32xf32>,
    return
  }
  func.func @transform_0(%arg0: i32) -> (i32, i32) {
    %c0_i32 = arith.constant 0 : i32
    %c0_i32_0 = arith.constant 0 : i32
    return %arg0, %c0_i32 : i32, i32
  }
  func.func @transform_1(%arg0: i32) -> (i32, i32, i32) {
    %c0_i32 = arith.constant 0 : i32
    %c0_i32_0 = arith.constant 0 : i32
    %c0_i32_1 = arith.constant 0 : i32
    return %c0_i32, %arg0, %c0_i32_0 : i32, i32, i32
  }
  func.func @transform_2(%arg0: i32) -> (i32, i32) {
    %c0_i32 = arith.constant 0 : i32
    %c0_i32_0 = arith.constant 0 : i32
    %c0_i32_1 = arith.constant 0 : i32
    return %c0_i32, %c0_i32_0 : i32, i32
  }
  func.func @transform_3(%arg0: i32) -> (i32, i32) {
    %c0_i32 = arith.constant 0 : i32
    %c0_i32_0 = arith.constant 0 : i32
    %c0_i32_1 = arith.constant 0 : i32
    return %c0_i32, %c0_i32_0 : i32, i32
  }
  func.func @transform_4(%arg0: i32) -> (i32, i32) {
    %c0_i32 = arith.constant 0 : i32
    %c0_i32_0 = arith.constant 0 : i32
    %c0_i32_1 = arith.constant 0 : i32
    return %c0_i32, %c0_i32_0 : i32, i32
  }
  func.func @transform_5(%arg0: i32) -> (i32, i32) {
    %c0_i32 = arith.constant 0 : i32
    %c0_i32_0 = arith.constant 0 : i32
    %c0_i32_1 = arith.constant 0 : i32
    return %c0_i32, %c0_i32_0 : i32, i32
  }
  func.func @transform_6(%arg0: i32) -> (i32, i32) {
    %c0_i32 = arith.constant 0 : i32
    %c0_i32_0 = arith.constant 0 : i32
    %c0_i32_1 = arith.constant 0 : i32
    return %c0_i32, %c0_i32_0 : i32, i32
  }
  func.func @transform_7(%arg0: i32) -> (i32, i32) {
    %c0_i32 = arith.constant 0 : i32
    %c0_i32_0 = arith.constant 0 : i32
    %c0_i32_1 = arith.constant 0 : i32
    return %c0_i32, %c0_i32_0 : i32, i32
  }
  func.func @transform_8(%arg0: i32) -> (i32, i32) {
    %c0_i32 = arith.constant 0 : i32
    %c0_i32_0 = arith.constant 0 : i32
    %c0_i32_1 = arith.constant 0 : i32
    return %c0_i32, %c0_i32_0 : i32, i32
  }
  func.func @transform_9(%arg0: i32) -> (i32, i32) {
    %c0_i32 = arith.constant 0 : i32
    %c0_i32_0 = arith.constant 0 : i32
    %c0_i32_1 = arith.constant 0 : i32
    return %c0_i32, %c0_i32_0 : i32, i32
  }
  func.func @transform_10(%arg0: i32) -> (i32, i32) {
    %c0_i32 = arith.constant 0 : i32
    %c0_i32_0 = arith.constant 0 : i32
    %c0_i32_1 = arith.constant 0 : i32
    return %c0_i32, %c0_i32_0 : i32, i32
  }
  func.func @transform_11(%arg0: i32) -> (i32, i32) {
    %c0_i32 = arith.constant 0 : i32
    %c0_i32_0 = arith.constant 0 : i32
    %c0_i32_1 = arith.constant 0 : i32
    return %c0_i32, %c0_i32_0 : i32, i32
  }
  func.func @transform_12(%arg0: i32) -> (i32, i32) {
    %c0_i32 = arith.constant 0 : i32
    %c0_i32_0 = arith.constant 0 : i32
    %c0_i32_1 = arith.constant 0 : i32
    return %c0_i32, %c0_i32_0 : i32, i32
  }
  func.func @transform_13(%arg0: i32) -> (i32, i32) {
    %c0_i32 = arith.constant 0 : i32
    %c0_i32_0 = arith.constant 0 : i32
    %c0_i32_1 = arith.constant 0 : i32
    return %c0_i32, %c0_i32_0 : i32, i32
  }
  func.func @transform_14(%arg0: i32) -> (i32, i32) {
    %c0_i32 = arith.constant 0 : i32
    %c0_i32_0 = arith.constant 0 : i32
    %c0_i32_1 = arith.constant 0 : i32
    return %c0_i32, %c0_i32_0 : i32, i32
  }
  func.func @transform_15(%arg0: i32) -> (i32, i32) {
    %c0_i32 = arith.constant 0 : i32
    %c0_i32_0 = arith.constant 0 : i32
    %c0_i32_1 = arith.constant 0 : i32
    return %c0_i32, %c0_i32_0 : i32, i32
  }
  func.func @transform_16(%arg0: i32) -> (i32, i32) {
    %c0_i32 = arith.constant 0 : i32
    %c0_i32_0 = arith.constant 0 : i32
    return %arg0, %c0_i32 : i32, i32
  }
}

module attributes {stable_mosaic.version = 14 : i64} {
  func.func @body(%arg0: i32, %arg1: memref<1000x32xf32, #tpu.memory_space<vmem>>, %arg2: memref<2x1000x32xf32, #tpu.memory_space<vmem>>, %arg3: memref<32x512xf32, #tpu.memory_space<vmem>>, %arg4: memref<1x512xf32, #tpu.memory_space<vmem>>, %arg5: memref<512x256xf32, #tpu.memory_space<vmem>>, %arg6: memref<1x256xf32, #tpu.memory_space<vmem>>, %arg7: memref<256x64xf32, #tpu.memory_space<vmem>>, %arg8: memref<1x64xf32, #tpu.memory_space<vmem>>, %arg9: memref<64x64xf32, #tpu.memory_space<vmem>>, %arg10: memref<1x64xf32, #tpu.memory_space<vmem>>, %arg11: memref<64x32xf32, #tpu.memory_space<vmem>>, %arg12: memref<1x32xf32, #tpu.memory_space<vmem>>, %arg13: memref<1x32xf32, #tpu.memory_space<vmem>>, %arg14: memref<1x32xf32, #tpu.memory_space<vmem>>, %arg15: memref<1x32xf32, #tpu.memory_space<vmem>>, %arg16: memref<1x32xf32, #tpu.memory_space<vmem>>, %arg17: memref<1000x32xf32, #tpu.memory_space<vmem>>) attributes {dimension_semantics = [#tpu.dimension_semantics<arbitrary>], iteration_bounds = array<i64: 10>, scalar_prefetch = 0 : i64, scratch_operands = 0 : i64, tpu.core_type = #tpu.core_type<tc>, window_params = [{transform_indices = @transform_0, window_bounds = array<i64: 1000, 32>}, {transform_indices = @transform_1, window_bounds = array<i64: 2, 1000, 32>}, {pipeline_mode = #tpu.pipeline_mode<synchronous>, transform_indices = @transform_2, window_bounds = array<i64: 32, 512>}, {pipeline_mode = #tpu.pipeline_mode<synchronous>, transform_indices = @transform_3, window_bounds = array<i64: 1, 512>}, {pipeline_mode = #tpu.pipeline_mode<synchronous>, transform_indices = @transform_4, window_bounds = array<i64: 512, 256>}, {pipeline_mode = #tpu.pipeline_mode<synchronous>, transform_indices = @transform_5, window_bounds = array<i64: 1, 256>}, {pipeline_mode = #tpu.pipeline_mode<synchronous>, transform_indices = @transform_6, window_bounds = array<i64: 256, 64>}, {pipeline_mode = #tpu.pipeline_mode<synchronous>, transform_indices = @transform_7, window_bounds = array<i64: 1, 64>}, {pipeline_mode = #tpu.pipeline_mode<synchronous>, transform_indices = @transform_8, window_bounds = array<i64: 64, 64>}, {pipeline_mode = #tpu.pipeline_mode<synchronous>, transform_indices = @transform_9, window_bounds = array<i64: 1, 64>}, {pipeline_mode = #tpu.pipeline_mode<synchronous>, transform_indices = @transform_10, window_bounds = array<i64: 64, 32>}, {pipeline_mode = #tpu.pipeline_mode<synchronous>, transform_indices = @transform_11, window_bounds = array<i64: 1, 32>}, {pipeline_mode = #tpu.pipeline_mode<synchronous>, transform_indices = @transform_12, window_bounds = array<i64: 1, 32>}, {pipeline_mode = #tpu.pipeline_mode<synchronous>, transform_indices = @transform_13, window_bounds = array<i64: 1, 32>}, {pipeline_mode = #tpu.pipeline_mode<synchronous>, transform_indices = @transform_14, window_bounds = array<i64: 1, 32>}, {pipeline_mode = #tpu.pipeline_mode<synchronous>, transform_indices = @transform_15, window_bounds = array<i64: 1, 32>}, {transform_indices = @transform_16, window_bounds = array<i64: 1000, 32>}]} {
    %get3A = arith.constant 0 : index
    %get3A_0 = arith.constant 0 : index
    %get3A_1 = vector.load %arg1[%get3A, %get3A_0] : memref<1000x32xf32, #tpu.memory_space<vmem>>, vector<1000x32xf32>
    %get3A_2 = arith.constant 0 : index
    %get3A_3 = arith.constant 0 : index
    %get3A_4 = arith.constant 0 : index
    %get3A_5 = vector.load %arg2[%get3A_2, %get3A_3, %get3A_4] : memref<2x1000x32xf32, #tpu.memory_space<vmem>>, vector<2x1000x32xf32>
    %slice3A = vector.extract_strided_slice %get3A_5 {offsets = [0, 0, 0], sizes = [1, 1000, 32], strides = [1, 1, 1]} : vector<2x1000x32xf32> to vector<1x1000x32xf32>
    %squeeze3A = vector.shape_cast %slice3A : vector<1x1000x32xf32> to vector<1000x32xf32>
    %slice3A_6 = vector.extract_strided_slice %get3A_5 {offsets = [1, 0, 0], sizes = [1, 1000, 32], strides = [1, 1, 1]} : vector<2x1000x32xf32> to vector<1x1000x32xf32>
    %squeeze3A_7 = vector.shape_cast %slice3A_6 : vector<1x1000x32xf32> to vector<1000x32xf32>
    %add3A = arith.addf %squeeze3A, %squeeze3A_7 : vector<1000x32xf32>
    %add3A_8 = arith.addf %get3A_1, %add3A : vector<1000x32xf32>
    %get3A_9 = arith.constant 0 : index
    %get3A_10 = arith.constant 0 : index
    %get3A_11 = vector.load %arg3[%get3A_9, %get3A_10] : memref<32x512xf32, #tpu.memory_space<vmem>>, vector<32x512xf32>
    %get3A_12 = arith.constant 0 : index
    %get3A_13 = arith.constant 0 : index
    %get3A_14 = vector.load %arg4[%get3A_12, %get3A_13] : memref<1x512xf32, #tpu.memory_space<vmem>>, vector<1x512xf32>
    %dot_general3A = arith.constant dense<0.000000e+00> : vector<1000x512xf32>
    %dot_general3A_15 = tpu.matmul %add3A_8, %get3A_11, %dot_general3A {dimension_numbers = #tpu.dot_dimension_numbers<[1], [0], [0], [1], [0, 0, 1, 1], [], []>, transpose_lhs_hint = false} : vector<1000x32xf32>, vector<32x512xf32>, vector<1000x512xf32> -> vector<1000x512xf32>
    %add3A_16 = vector.broadcast %get3A_14 : vector<1x512xf32> to vector<1000x512xf32>
    %add3A_17 = arith.addf %dot_general3A_15, %add3A_16 : vector<1000x512xf32>
    %neg3A = arith.constant 0.000000e+00 : f32
    %neg3A_18 = vector.broadcast %neg3A : f32 to vector<1000x512xf32>
    %neg3A_19 = arith.subf %neg3A_18, %add3A_17 : vector<1000x512xf32>
    %exp3A = math.exp %neg3A_19 : vector<1000x512xf32>
    %add3A_20 = arith.constant 1.000000e+00 : f32
    %add3A_21 = vector.broadcast %add3A_20 : f32 to vector<1000x512xf32>
    %add3A_22 = arith.addf %add3A_21, %exp3A : vector<1000x512xf32>
    %div3A = arith.constant 1.000000e+00 : f32
    %div3A_23 = vector.broadcast %div3A : f32 to vector<1000x512xf32>
    %div3A_24 = arith.divf %div3A_23, %add3A_22 : vector<1000x512xf32>
    %get3A_25 = arith.constant 0 : index
    %get3A_26 = arith.constant 0 : index
    %get3A_27 = vector.load %arg5[%get3A_25, %get3A_26] : memref<512x256xf32, #tpu.memory_space<vmem>>, vector<512x256xf32>
    %get3A_28 = arith.constant 0 : index
    %get3A_29 = arith.constant 0 : index
    %get3A_30 = vector.load %arg6[%get3A_28, %get3A_29] : memref<1x256xf32, #tpu.memory_space<vmem>>, vector<1x256xf32>
    %dot_general3A_31 = arith.constant dense<0.000000e+00> : vector<1000x256xf32>
    %dot_general3A_32 = tpu.matmul %div3A_24, %get3A_27, %dot_general3A_31 {dimension_numbers = #tpu.dot_dimension_numbers<[1], [0], [0], [1], [0, 0, 1, 1], [], []>, transpose_lhs_hint = false} : vector<1000x512xf32>, vector<512x256xf32>, vector<1000x256xf32> -> vector<1000x256xf32>
    %add3A_33 = vector.broadcast %get3A_30 : vector<1x256xf32> to vector<1000x256xf32>
    %add3A_34 = arith.addf %dot_general3A_32, %add3A_33 : vector<1000x256xf32>
    %max3A = arith.constant 0.000000e+00 : f32
    %max3A_35 = vector.broadcast %max3A : f32 to vector<1000x256xf32>
    %max3A_36 = arith.maximumf %add3A_34, %max3A_35 : vector<1000x256xf32>
    %get3A_37 = arith.constant 0 : index
    %get3A_38 = arith.constant 0 : index
    %get3A_39 = vector.load %arg7[%get3A_37, %get3A_38] : memref<256x64xf32, #tpu.memory_space<vmem>>, vector<256x64xf32>
    %get3A_40 = arith.constant 0 : index
    %get3A_41 = arith.constant 0 : index
    %get3A_42 = vector.load %arg8[%get3A_40, %get3A_41] : memref<1x64xf32, #tpu.memory_space<vmem>>, vector<1x64xf32>
    %dot_general3A_43 = arith.constant dense<0.000000e+00> : vector<1000x64xf32>
    %dot_general3A_44 = tpu.matmul %max3A_36, %get3A_39, %dot_general3A_43 {dimension_numbers = #tpu.dot_dimension_numbers<[1], [0], [0], [1], [0, 0, 1, 1], [], []>, transpose_lhs_hint = false} : vector<1000x256xf32>, vector<256x64xf32>, vector<1000x64xf32> -> vector<1000x64xf32>
    %add3A_45 = vector.broadcast %get3A_42 : vector<1x64xf32> to vector<1000x64xf32>
    %add3A_46 = arith.addf %dot_general3A_44, %add3A_45 : vector<1000x64xf32>
    %gt3A = arith.constant 0.000000e+00 : f32
    %gt3A_47 = vector.broadcast %gt3A : f32 to vector<1000x64xf32>
    %gt3A_48 = arith.cmpf ogt, %add3A_46, %gt3A_47 : vector<1000x64xf32>
    %gt3A_49 = arith.constant 0.000000e+00 : f32
    %gt3A_50 = vector.broadcast %gt3A_49 : f32 to vector<1000x64xf32>
    %gt3A_51 = arith.cmpf ogt, %add3A_46, %gt3A_50 : vector<1000x64xf32>
    %jit3A = arith.constant 0.000000e+00 : f32
    %broadcast_in_dim3A = vector.broadcast %jit3A : f32 to vector<1000x64xf32>
    %select_n3A = arith.select %gt3A_51, %broadcast_in_dim3A, %add3A_46 : vector<1000x64xi1>, vector<1000x64xf32>
    %mul3A = arith.constant 0.166666672 : f32
    %mul3A_52 = vector.broadcast %mul3A : f32 to vector<1000x64xf32>
    %mul3A_53 = arith.mulf %select_n3A, %mul3A_52 : vector<1000x64xf32>
    %add3A_54 = arith.constant 5.000000e-01 : f32
    %add3A_55 = vector.broadcast %add3A_54 : f32 to vector<1000x64xf32>
    %add3A_56 = arith.addf %add3A_55, %mul3A_53 : vector<1000x64xf32>
    %mul3A_57 = arith.mulf %select_n3A, %add3A_56 : vector<1000x64xf32>
    %add3A_58 = arith.constant 1.000000e+00 : f32
    %add3A_59 = vector.broadcast %add3A_58 : f32 to vector<1000x64xf32>
    %add3A_60 = arith.addf %add3A_59, %mul3A_57 : vector<1000x64xf32>
    %mul3A_61 = arith.mulf %select_n3A, %add3A_60 : vector<1000x64xf32>
    %gt3A_62 = arith.constant -0.00999999977 : f32
    %gt3A_63 = vector.broadcast %gt3A_62 : f32 to vector<1000x64xf32>
    %gt3A_64 = arith.cmpf ogt, %select_n3A, %gt3A_63 : vector<1000x64xf32>
    %exp3A_65 = math.exp %select_n3A : vector<1000x64xf32>
    %sub3A = arith.constant 1.000000e+00 : f32
    %sub3A_66 = vector.broadcast %sub3A : f32 to vector<1000x64xf32>
    %sub3A_67 = arith.subf %exp3A_65, %sub3A_66 : vector<1000x64xf32>
    %select_n3A_68 = arith.select %gt3A_64, %mul3A_61, %sub3A_67 : vector<1000x64xi1>, vector<1000x64xf32>
    %select_n3A_69 = arith.select %gt3A_48, %add3A_46, %select_n3A_68 : vector<1000x64xi1>, vector<1000x64xf32>
    %get3A_70 = arith.constant 0 : index
    %get3A_71 = arith.constant 0 : index
    %get3A_72 = vector.load %arg9[%get3A_70, %get3A_71] : memref<64x64xf32, #tpu.memory_space<vmem>>, vector<64x64xf32>
    %get3A_73 = arith.constant 0 : index
    %get3A_74 = arith.constant 0 : index
    %get3A_75 = vector.load %arg10[%get3A_73, %get3A_74] : memref<1x64xf32, #tpu.memory_space<vmem>>, vector<1x64xf32>
    %dot_general3A_76 = arith.constant dense<0.000000e+00> : vector<1000x64xf32>
    %dot_general3A_77 = tpu.matmul %select_n3A_69, %get3A_72, %dot_general3A_76 {dimension_numbers = #tpu.dot_dimension_numbers<[1], [0], [0], [1], [0, 0, 1, 1], [], []>, transpose_lhs_hint = false} : vector<1000x64xf32>, vector<64x64xf32>, vector<1000x64xf32> -> vector<1000x64xf32>
    %add3A_78 = vector.broadcast %get3A_75 : vector<1x64xf32> to vector<1000x64xf32>
    %add3A_79 = arith.addf %dot_general3A_77, %add3A_78 : vector<1000x64xf32>
    %gt3A_80 = arith.constant 0.000000e+00 : f32
    %gt3A_81 = vector.broadcast %gt3A_80 : f32 to vector<1000x64xf32>
    %gt3A_82 = arith.cmpf ogt, %add3A_79, %gt3A_81 : vector<1000x64xf32>
    %gt3A_83 = arith.constant 0.000000e+00 : f32
    %gt3A_84 = vector.broadcast %gt3A_83 : f32 to vector<1000x64xf32>
    %gt3A_85 = arith.cmpf ogt, %add3A_79, %gt3A_84 : vector<1000x64xf32>
    %jit3A_86 = arith.constant 0.000000e+00 : f32
    %broadcast_in_dim3A_87 = vector.broadcast %jit3A_86 : f32 to vector<1000x64xf32>
    %select_n3A_88 = arith.select %gt3A_85, %broadcast_in_dim3A_87, %add3A_79 : vector<1000x64xi1>, vector<1000x64xf32>
    %mul3A_89 = arith.constant 0.166666672 : f32
    %mul3A_90 = vector.broadcast %mul3A_89 : f32 to vector<1000x64xf32>
    %mul3A_91 = arith.mulf %select_n3A_88, %mul3A_90 : vector<1000x64xf32>
    %add3A_92 = arith.constant 5.000000e-01 : f32
    %add3A_93 = vector.broadcast %add3A_92 : f32 to vector<1000x64xf32>
    %add3A_94 = arith.addf %add3A_93, %mul3A_91 : vector<1000x64xf32>
    %mul3A_95 = arith.mulf %select_n3A_88, %add3A_94 : vector<1000x64xf32>
    %add3A_96 = arith.constant 1.000000e+00 : f32
    %add3A_97 = vector.broadcast %add3A_96 : f32 to vector<1000x64xf32>
    %add3A_98 = arith.addf %add3A_97, %mul3A_95 : vector<1000x64xf32>
    %mul3A_99 = arith.mulf %select_n3A_88, %add3A_98 : vector<1000x64xf32>
    %gt3A_100 = arith.constant -0.00999999977 : f32
    %gt3A_101 = vector.broadcast %gt3A_100 : f32 to vector<1000x64xf32>
    %gt3A_102 = arith.cmpf ogt, %select_n3A_88, %gt3A_101 : vector<1000x64xf32>
    %exp3A_103 = math.exp %select_n3A_88 : vector<1000x64xf32>
    %sub3A_104 = arith.constant 1.000000e+00 : f32
    %sub3A_105 = vector.broadcast %sub3A_104 : f32 to vector<1000x64xf32>
    %sub3A_106 = arith.subf %exp3A_103, %sub3A_105 : vector<1000x64xf32>
    %select_n3A_107 = arith.select %gt3A_102, %mul3A_99, %sub3A_106 : vector<1000x64xi1>, vector<1000x64xf32>
    %mul3A_108 = arith.constant 1.67326319 : f32
    %mul3A_109 = vector.broadcast %mul3A_108 : f32 to vector<1000x64xf32>
    %mul3A_110 = arith.mulf %mul3A_109, %select_n3A_107 : vector<1000x64xf32>
    %select_n3A_111 = arith.select %gt3A_82, %add3A_79, %mul3A_110 : vector<1000x64xi1>, vector<1000x64xf32>
    %mul3A_112 = arith.constant 1.05070102 : f32
    %mul3A_113 = vector.broadcast %mul3A_112 : f32 to vector<1000x64xf32>
    %mul3A_114 = arith.mulf %mul3A_113, %select_n3A_111 : vector<1000x64xf32>
    %get3A_115 = arith.constant 0 : index
    %get3A_116 = arith.constant 0 : index
    %get3A_117 = vector.load %arg11[%get3A_115, %get3A_116] : memref<64x32xf32, #tpu.memory_space<vmem>>, vector<64x32xf32>
    %get3A_118 = arith.constant 0 : index
    %get3A_119 = arith.constant 0 : index
    %get3A_120 = vector.load %arg12[%get3A_118, %get3A_119] : memref<1x32xf32, #tpu.memory_space<vmem>>, vector<1x32xf32>
    %dot_general3A_121 = arith.constant dense<0.000000e+00> : vector<1000x32xf32>
    %dot_general3A_122 = tpu.matmul %mul3A_114, %get3A_117, %dot_general3A_121 {dimension_numbers = #tpu.dot_dimension_numbers<[1], [0], [0], [1], [0, 0, 1, 1], [], []>, transpose_lhs_hint = false} : vector<1000x64xf32>, vector<64x32xf32>, vector<1000x32xf32> -> vector<1000x32xf32>
    %add3A_123 = vector.broadcast %get3A_120 : vector<1x32xf32> to vector<1000x32xf32>
    %add3A_124 = arith.addf %dot_general3A_122, %add3A_123 : vector<1000x32xf32>
    %get3A_125 = arith.constant 0 : index
    %get3A_126 = arith.constant 0 : index
    %get3A_127 = vector.load %arg15[%get3A_125, %get3A_126] : memref<1x32xf32, #tpu.memory_space<vmem>>, vector<1x32xf32>
    %sub3A_128 = vector.broadcast %get3A_127 : vector<1x32xf32> to vector<1000x32xf32>
    %sub3A_129 = arith.subf %add3A_124, %sub3A_128 : vector<1000x32xf32>
    %get3A_130 = arith.constant 0 : index
    %get3A_131 = arith.constant 0 : index
    %get3A_132 = vector.load %arg16[%get3A_130, %get3A_131] : memref<1x32xf32, #tpu.memory_space<vmem>>, vector<1x32xf32>
    %add3A_133 = arith.constant 9.99999974E-6 : f32
    %add3A_134 = vector.broadcast %add3A_133 : f32 to vector<1x32xf32>
    %add3A_135 = arith.addf %get3A_132, %add3A_134 : vector<1x32xf32>
    %sqrt3A = math.sqrt %add3A_135 : vector<1x32xf32>
    %div3A_136 = vector.broadcast %sqrt3A : vector<1x32xf32> to vector<1000x32xf32>
    %div3A_137 = arith.divf %sub3A_129, %div3A_136 : vector<1000x32xf32>
    %get3A_138 = arith.constant 0 : index
    %get3A_139 = arith.constant 0 : index
    %get3A_140 = vector.load %arg13[%get3A_138, %get3A_139] : memref<1x32xf32, #tpu.memory_space<vmem>>, vector<1x32xf32>
    %mul3A_141 = vector.broadcast %get3A_140 : vector<1x32xf32> to vector<1000x32xf32>
    %mul3A_142 = arith.mulf %div3A_137, %mul3A_141 : vector<1000x32xf32>
    %get3A_143 = arith.constant 0 : index
    %get3A_144 = arith.constant 0 : index
    %get3A_145 = vector.load %arg14[%get3A_143, %get3A_144] : memref<1x32xf32, #tpu.memory_space<vmem>>, vector<1x32xf32>
    %add3A_146 = vector.broadcast %get3A_145 : vector<1x32xf32> to vector<1000x32xf32>
    %add3A_147 = arith.addf %mul3A_142, %add3A_146 : vector<1000x32xf32>
    %max3A_148 = arith.constant 0.000000e+00 : f32
    %max3A_149 = vector.broadcast %max3A_148 : f32 to vector<1000x32xf32>
    %max3A_150 = arith.maximumf %add3A_147, %max3A_149 : vector<1000x32xf32>
    %swap3A = arith.constant 0 : index
    %swap3A_151 = arith.constant 0 : index
    %swap3A_152 = vector.load %arg17[%swap3A, %swap3A_151] : memref<1000x32xf32, #tpu.memory_space<vmem>>, vector<1000x32xf32>
    tpu.vector_store %arg17[%swap3A, %swap3A_151], %max3A_150 {strides = array<i32>} : memref<1000x32xf32, #tpu.memory_space<vmem>>, vector<1000x32xf32>,
    return
  }
  func.func @transform_0(%arg0: i32) -> (i32, i32) {
    %c0_i32 = arith.constant 0 : i32
    %c0_i32_0 = arith.constant 0 : i32
    return %arg0, %c0_i32 : i32, i32
  }
  func.func @transform_1(%arg0: i32) -> (i32, i32, i32) {
    %c0_i32 = arith.constant 0 : i32
    %c0_i32_0 = arith.constant 0 : i32
    %c0_i32_1 = arith.constant 0 : i32
    return %c0_i32, %arg0, %c0_i32_0 : i32, i32, i32
  }
  func.func @transform_2(%arg0: i32) -> (i32, i32) {
    %c0_i32 = arith.constant 0 : i32
    %c0_i32_0 = arith.constant 0 : i32
    %c0_i32_1 = arith.constant 0 : i32
    return %c0_i32, %c0_i32_0 : i32, i32
  }
  func.func @transform_3(%arg0: i32) -> (i32, i32) {
    %c0_i32 = arith.constant 0 : i32
    %c0_i32_0 = arith.constant 0 : i32
    %c0_i32_1 = arith.constant 0 : i32
    return %c0_i32, %c0_i32_0 : i32, i32
  }
  func.func @transform_4(%arg0: i32) -> (i32, i32) {
    %c0_i32 = arith.constant 0 : i32
    %c0_i32_0 = arith.constant 0 : i32
    %c0_i32_1 = arith.constant 0 : i32
    return %c0_i32, %c0_i32_0 : i32, i32
  }
  func.func @transform_5(%arg0: i32) -> (i32, i32) {
    %c0_i32 = arith.constant 0 : i32
    %c0_i32_0 = arith.constant 0 : i32
    %c0_i32_1 = arith.constant 0 : i32
    return %c0_i32, %c0_i32_0 : i32, i32
  }
  func.func @transform_6(%arg0: i32) -> (i32, i32) {
    %c0_i32 = arith.constant 0 : i32
    %c0_i32_0 = arith.constant 0 : i32
    %c0_i32_1 = arith.constant 0 : i32
    return %c0_i32, %c0_i32_0 : i32, i32
  }
  func.func @transform_7(%arg0: i32) -> (i32, i32) {
    %c0_i32 = arith.constant 0 : i32
    %c0_i32_0 = arith.constant 0 : i32
    %c0_i32_1 = arith.constant 0 : i32
    return %c0_i32, %c0_i32_0 : i32, i32
  }
  func.func @transform_8(%arg0: i32) -> (i32, i32) {
    %c0_i32 = arith.constant 0 : i32
    %c0_i32_0 = arith.constant 0 : i32
    %c0_i32_1 = arith.constant 0 : i32
    return %c0_i32, %c0_i32_0 : i32, i32
  }
  func.func @transform_9(%arg0: i32) -> (i32, i32) {
    %c0_i32 = arith.constant 0 : i32
    %c0_i32_0 = arith.constant 0 : i32
    %c0_i32_1 = arith.constant 0 : i32
    return %c0_i32, %c0_i32_0 : i32, i32
  }
  func.func @transform_10(%arg0: i32) -> (i32, i32) {
    %c0_i32 = arith.constant 0 : i32
    %c0_i32_0 = arith.constant 0 : i32
    %c0_i32_1 = arith.constant 0 : i32
    return %c0_i32, %c0_i32_0 : i32, i32
  }
  func.func @transform_11(%arg0: i32) -> (i32, i32) {
    %c0_i32 = arith.constant 0 : i32
    %c0_i32_0 = arith.constant 0 : i32
    %c0_i32_1 = arith.constant 0 : i32
    return %c0_i32, %c0_i32_0 : i32, i32
  }
  func.func @transform_12(%arg0: i32) -> (i32, i32) {
    %c0_i32 = arith.constant 0 : i32
    %c0_i32_0 = arith.constant 0 : i32
    %c0_i32_1 = arith.constant 0 : i32
    return %c0_i32, %c0_i32_0 : i32, i32
  }
  func.func @transform_13(%arg0: i32) -> (i32, i32) {
    %c0_i32 = arith.constant 0 : i32
    %c0_i32_0 = arith.constant 0 : i32
    %c0_i32_1 = arith.constant 0 : i32
    return %c0_i32, %c0_i32_0 : i32, i32
  }
  func.func @transform_14(%arg0: i32) -> (i32, i32) {
    %c0_i32 = arith.constant 0 : i32
    %c0_i32_0 = arith.constant 0 : i32
    %c0_i32_1 = arith.constant 0 : i32
    return %c0_i32, %c0_i32_0 : i32, i32
  }
  func.func @transform_15(%arg0: i32) -> (i32, i32) {
    %c0_i32 = arith.constant 0 : i32
    %c0_i32_0 = arith.constant 0 : i32
    %c0_i32_1 = arith.constant 0 : i32
    return %c0_i32, %c0_i32_0 : i32, i32
  }
  func.func @transform_16(%arg0: i32) -> (i32, i32) {
    %c0_i32 = arith.constant 0 : i32
    %c0_i32_0 = arith.constant 0 : i32
    return %arg0, %c0_i32 : i32, i32
  }
}

module attributes {stable_mosaic.version = 14 : i64} {
  func.func @kbody(%arg0: i32, %arg1: memref<1000x32xf32, #tpu.memory_space<vmem>>, %arg2: memref<1000x32xf32, #tpu.memory_space<vmem>>, %arg3: memref<1000x32xf32, #tpu.memory_space<vmem>>, %arg4: memref<1x1x1000xi32, #tpu.memory_space<vmem>>, %arg5: memref<96x512xf32, #tpu.memory_space<vmem>>, %arg6: memref<1x512xf32, #tpu.memory_space<vmem>>, %arg7: memref<512x256xf32, #tpu.memory_space<vmem>>, %arg8: memref<1x256xf32, #tpu.memory_space<vmem>>, %arg9: memref<256x64xf32, #tpu.memory_space<vmem>>, %arg10: memref<1x64xf32, #tpu.memory_space<vmem>>, %arg11: memref<64x16xf32, #tpu.memory_space<vmem>>, %arg12: memref<1x16xf32, #tpu.memory_space<vmem>>, %arg13: memref<16x16xf32, #tpu.memory_space<vmem>>, %arg14: memref<1x16xf32, #tpu.memory_space<vmem>>, %arg15: memref<16x1xf32, #tpu.memory_space<vmem>>, %arg16: memref<1x1xf32, #tpu.memory_space<vmem>>, %arg17: memref<128x1xf32, #tpu.memory_space<vmem>>, %arg18: memref<128x32xf32, #tpu.memory_space<vmem>>, %arg19: memref<128x32xf32, #tpu.memory_space<vmem>>, %arg20: memref<128x32xf32, #tpu.memory_space<vmem>>) attributes {dimension_semantics = [#tpu.dimension_semantics<arbitrary>], iteration_bounds = array<i64: 10>, scalar_prefetch = 0 : i64, scratch_operands = 3 : i64, tpu.core_type = #tpu.core_type<tc>, window_params = [{transform_indices = @transform_0, window_bounds = array<i64: 1000, 32>}, {transform_indices = @transform_1, window_bounds = array<i64: 1000, 32>}, {transform_indices = @transform_2, window_bounds = array<i64: 1000, 32>}, {transform_indices = @transform_3, window_bounds = array<i64: 1, 1, 1000>}, {pipeline_mode = #tpu.pipeline_mode<synchronous>, transform_indices = @transform_4, window_bounds = array<i64: 96, 512>}, {pipeline_mode = #tpu.pipeline_mode<synchronous>, transform_indices = @transform_5, window_bounds = array<i64: 1, 512>}, {pipeline_mode = #tpu.pipeline_mode<synchronous>, transform_indices = @transform_6, window_bounds = array<i64: 512, 256>}, {pipeline_mode = #tpu.pipeline_mode<synchronous>, transform_indices = @transform_7, window_bounds = array<i64: 1, 256>}, {pipeline_mode = #tpu.pipeline_mode<synchronous>, transform_indices = @transform_8, window_bounds = array<i64: 256, 64>}, {pipeline_mode = #tpu.pipeline_mode<synchronous>, transform_indices = @transform_9, window_bounds = array<i64: 1, 64>}, {pipeline_mode = #tpu.pipeline_mode<synchronous>, transform_indices = @transform_10, window_bounds = array<i64: 64, 16>}, {pipeline_mode = #tpu.pipeline_mode<synchronous>, transform_indices = @transform_11, window_bounds = array<i64: 1, 16>}, {pipeline_mode = #tpu.pipeline_mode<synchronous>, transform_indices = @transform_12, window_bounds = array<i64: 16, 16>}, {pipeline_mode = #tpu.pipeline_mode<synchronous>, transform_indices = @transform_13, window_bounds = array<i64: 1, 16>}, {pipeline_mode = #tpu.pipeline_mode<synchronous>, transform_indices = @transform_14, window_bounds = array<i64: 16, 1>}, {pipeline_mode = #tpu.pipeline_mode<synchronous>, transform_indices = @transform_15, window_bounds = array<i64: 1, 1>}, {pipeline_mode = #tpu.pipeline_mode<synchronous>, transform_indices = @transform_16, window_bounds = array<i64: 128, 1>}]} {
    %eq3A = arith.constant 0 : i32
    %eq3A_0 = arith.cmpi eq, %arg0, %eq3A : i32
    %convert_element_type3A = arith.extui %eq3A_0 : i1 to i32
    %cond3A = arith.constant 0 : i32
    %cond3A_1 = arith.cmpi ne, %convert_element_type3A, %cond3A : i32
    scf.if %cond3A_1 {
      %broadcast_in_dim3A_48 = arith.constant 0.000000e+00 : f32
      %broadcast_in_dim3A_49 = vector.broadcast %broadcast_in_dim3A_48 : f32 to vector<128x32xf32>
      %swap3A_50 = arith.constant 0 : index
      %swap3A_51 = arith.constant 0 : index
      %swap3A_52 = vector.load %arg18[%swap3A_50, %swap3A_51] : memref<128x32xf32, #tpu.memory_space<vmem>>, vector<128x32xf32>
      tpu.vector_store %arg18[%swap3A_50, %swap3A_51], %broadcast_in_dim3A_49 {strides = array<i32>} : memref<128x32xf32, #tpu.memory_space<vmem>>, vector<128x32xf32>,
      %broadcast_in_dim3A_53 = arith.constant 0.000000e+00 : f32
      %broadcast_in_dim3A_54 = vector.broadcast %broadcast_in_dim3A_53 : f32 to vector<128x32xf32>
      %swap3A_55 = arith.constant 0 : index
      %swap3A_56 = arith.constant 0 : index
      %swap3A_57 = vector.load %arg19[%swap3A_55, %swap3A_56] : memref<128x32xf32, #tpu.memory_space<vmem>>, vector<128x32xf32>
      tpu.vector_store %arg19[%swap3A_55, %swap3A_56], %broadcast_in_dim3A_54 {strides = array<i32>} : memref<128x32xf32, #tpu.memory_space<vmem>>, vector<128x32xf32>,
      %broadcast_in_dim3A_58 = arith.constant 0.000000e+00 : f32
      %broadcast_in_dim3A_59 = vector.broadcast %broadcast_in_dim3A_58 : f32 to vector<128x32xf32>
      %swap3A_60 = arith.constant 0 : index
      %swap3A_61 = arith.constant 0 : index
      %swap3A_62 = vector.load %arg20[%swap3A_60, %swap3A_61] : memref<128x32xf32, #tpu.memory_space<vmem>>, vector<128x32xf32>
      tpu.vector_store %arg20[%swap3A_60, %swap3A_61], %broadcast_in_dim3A_59 {strides = array<i32>} : memref<128x32xf32, #tpu.memory_space<vmem>>, vector<128x32xf32>,
    } else {
    }
    %get3A = arith.constant 0 : index
    %get3A_2 = arith.constant 0 : index
    %get3A_3 = arith.constant 0 : index
    %get3A_4 = vector.load %arg4[%get3A, %get3A_2, %get3A_3] : memref<1x1x1000xi32, #tpu.memory_space<vmem>>, vector<1x1x1000xi32>
    %get3A_5 = vector.shape_cast %get3A_4 : vector<1x1x1000xi32> to vector<1000xi32>
    %broadcast_in_dim3A = vector.shape_cast %get3A_5 : vector<1000xi32> to vector<1x1000xi32>
    %iota3A = tpu.iota {dimensions = array<i32: 0>} : vector<128x1000xi32>
    %eq3A_6 = vector.broadcast %broadcast_in_dim3A : vector<1x1000xi32> to vector<128x1000xi32>
    %eq3A_7 = arith.cmpi eq, %eq3A_6, %iota3A : vector<128x1000xi32>
    %convert_element_type3A_8 = arith.extui %eq3A_7 : vector<128x1000xi1> to vector<128x1000xi32>
    %convert_element_type3A_9 = arith.sitofp %convert_element_type3A_8 : vector<128x1000xi32> to vector<128x1000xf32>
    %get3A_10 = arith.constant 0 : index
    %get3A_11 = arith.constant 0 : index
    %get3A_12 = vector.load %arg18[%get3A_10, %get3A_11] : memref<128x32xf32, #tpu.memory_space<vmem>>, vector<128x32xf32>
    %get3A_13 = arith.constant 0 : index
    %get3A_14 = arith.constant 0 : index
    %get3A_15 = vector.load %arg1[%get3A_13, %get3A_14] : memref<1000x32xf32, #tpu.memory_space<vmem>>, vector<1000x32xf32>
    %dot_general3A = arith.constant dense<0.000000e+00> : vector<128x32xf32>
    %dot_general3A_16 = tpu.matmul %convert_element_type3A_9, %get3A_15, %dot_general3A {dimension_numbers = #tpu.dot_dimension_numbers<[1], [0], [0], [1], [0, 0, 1, 1], [], []>, precision = #tpu.contract_precision<fp32>, transpose_lhs_hint = false} : vector<128x1000xf32>, vector<1000x32xf32>, vector<128x32xf32> -> vector<128x32xf32>
    %add3A = arith.addf %get3A_12, %dot_general3A_16 : vector<128x32xf32>
    %swap3A = arith.constant 0 : index
    %swap3A_17 = arith.constant 0 : index
    %swap3A_18 = vector.load %arg18[%swap3A, %swap3A_17] : memref<128x32xf32, #tpu.memory_space<vmem>>, vector<128x32xf32>
    tpu.vector_store %arg18[%swap3A, %swap3A_17], %add3A {strides = array<i32>} : memref<128x32xf32, #tpu.memory_space<vmem>>, vector<128x32xf32>,
    %get3A_19 = arith.constant 0 : index
    %get3A_20 = arith.constant 0 : index
    %get3A_21 = vector.load %arg19[%get3A_19, %get3A_20] : memref<128x32xf32, #tpu.memory_space<vmem>>, vector<128x32xf32>
    %get3A_22 = arith.constant 0 : index
    %get3A_23 = arith.constant 0 : index
    %get3A_24 = vector.load %arg2[%get3A_22, %get3A_23] : memref<1000x32xf32, #tpu.memory_space<vmem>>, vector<1000x32xf32>
    %dot_general3A_25 = arith.constant dense<0.000000e+00> : vector<128x32xf32>
    %dot_general3A_26 = tpu.matmul %convert_element_type3A_9, %get3A_24, %dot_general3A_25 {dimension_numbers = #tpu.dot_dimension_numbers<[1], [0], [0], [1], [0, 0, 1, 1], [], []>, precision = #tpu.contract_precision<fp32>, transpose_lhs_hint = false} : vector<128x1000xf32>, vector<1000x32xf32>, vector<128x32xf32> -> vector<128x32xf32>
    %add3A_27 = arith.addf %get3A_21, %dot_general3A_26 : vector<128x32xf32>
    %swap3A_28 = arith.constant 0 : index
    %swap3A_29 = arith.constant 0 : index
    %swap3A_30 = vector.load %arg19[%swap3A_28, %swap3A_29] : memref<128x32xf32, #tpu.memory_space<vmem>>, vector<128x32xf32>
    tpu.vector_store %arg19[%swap3A_28, %swap3A_29], %add3A_27 {strides = array<i32>} : memref<128x32xf32, #tpu.memory_space<vmem>>, vector<128x32xf32>,
    %get3A_31 = arith.constant 0 : index
    %get3A_32 = arith.constant 0 : index
    %get3A_33 = vector.load %arg20[%get3A_31, %get3A_32] : memref<128x32xf32, #tpu.memory_space<vmem>>, vector<128x32xf32>
    %get3A_34 = arith.constant 0 : index
    %get3A_35 = arith.constant 0 : index
    %get3A_36 = vector.load %arg3[%get3A_34, %get3A_35] : memref<1000x32xf32, #tpu.memory_space<vmem>>, vector<1000x32xf32>
    %dot_general3A_37 = arith.constant dense<0.000000e+00> : vector<128x32xf32>
    %dot_general3A_38 = tpu.matmul %convert_element_type3A_9, %get3A_36, %dot_general3A_37 {dimension_numbers = #tpu.dot_dimension_numbers<[1], [0], [0], [1], [0, 0, 1, 1], [], []>, precision = #tpu.contract_precision<fp32>, transpose_lhs_hint = false} : vector<128x1000xf32>, vector<1000x32xf32>, vector<128x32xf32> -> vector<128x32xf32>
    %add3A_39 = arith.addf %get3A_33, %dot_general3A_38 : vector<128x32xf32>
    %swap3A_40 = arith.constant 0 : index
    %swap3A_41 = arith.constant 0 : index
    %swap3A_42 = vector.load %arg20[%swap3A_40, %swap3A_41] : memref<128x32xf32, #tpu.memory_space<vmem>>, vector<128x32xf32>
    tpu.vector_store %arg20[%swap3A_40, %swap3A_41], %add3A_39 {strides = array<i32>} : memref<128x32xf32, #tpu.memory_space<vmem>>, vector<128x32xf32>,
    %eq3A_43 = arith.constant 9 : i32
    %eq3A_44 = arith.cmpi eq, %arg0, %eq3A_43 : i32
    %convert_element_type3A_45 = arith.extui %eq3A_44 : i1 to i32
    %cond3A_46 = arith.constant 0 : i32
    %cond3A_47 = arith.cmpi ne, %convert_element_type3A_45, %cond3A_46 : i32
    scf.if %cond3A_47 {
      %get3A_48 = arith.constant 0 : index
      %get3A_49 = arith.constant 0 : index
      %get3A_50 = vector.load %arg18[%get3A_48, %get3A_49] : memref<128x32xf32, #tpu.memory_space<vmem>>, vector<128x32xf32>
      %get3A_51 = arith.constant 0 : index
      %get3A_52 = arith.constant 0 : index
      %get3A_53 = vector.load %arg19[%get3A_51, %get3A_52] : memref<128x32xf32, #tpu.memory_space<vmem>>, vector<128x32xf32>
      %get3A_54 = arith.constant 0 : index
      %get3A_55 = arith.constant 0 : index
      %get3A_56 = vector.load %arg20[%get3A_54, %get3A_55] : memref<128x32xf32, #tpu.memory_space<vmem>>, vector<128x32xf32>
      %concatenate3A = tpu.concatenate %get3A_50, %get3A_53, %get3A_56 in 1 : vector<128x32xf32>, vector<128x32xf32>, vector<128x32xf32> -> vector<128x96xf32>
      %get3A_57 = arith.constant 0 : index
      %get3A_58 = arith.constant 0 : index
      %get3A_59 = vector.load %arg5[%get3A_57, %get3A_58] : memref<96x512xf32, #tpu.memory_space<vmem>>, vector<96x512xf32>
      %get3A_60 = arith.constant 0 : index
      %get3A_61 = arith.constant 0 : index
      %get3A_62 = vector.load %arg6[%get3A_60, %get3A_61] : memref<1x512xf32, #tpu.memory_space<vmem>>, vector<1x512xf32>
      %dot_general3A_63 = arith.constant dense<0.000000e+00> : vector<128x512xf32>
      %dot_general3A_64 = tpu.matmul %concatenate3A, %get3A_59, %dot_general3A_63 {dimension_numbers = #tpu.dot_dimension_numbers<[1], [0], [0], [1], [0, 0, 1, 1], [], []>, transpose_lhs_hint = false} : vector<128x96xf32>, vector<96x512xf32>, vector<128x512xf32> -> vector<128x512xf32>
      %add3A_65 = vector.broadcast %get3A_62 : vector<1x512xf32> to vector<128x512xf32>
      %add3A_66 = arith.addf %dot_general3A_64, %add3A_65 : vector<128x512xf32>
      %neg3A = arith.constant 0.000000e+00 : f32
      %neg3A_67 = vector.broadcast %neg3A : f32 to vector<128x512xf32>
      %neg3A_68 = arith.subf %neg3A_67, %add3A_66 : vector<128x512xf32>
      %exp3A = math.exp %neg3A_68 : vector<128x512xf32>
      %add3A_69 = arith.constant 1.000000e+00 : f32
      %add3A_70 = vector.broadcast %add3A_69 : f32 to vector<128x512xf32>
      %add3A_71 = arith.addf %add3A_70, %exp3A : vector<128x512xf32>
      %div3A = arith.constant 1.000000e+00 : f32
      %div3A_72 = vector.broadcast %div3A : f32 to vector<128x512xf32>
      %div3A_73 = arith.divf %div3A_72, %add3A_71 : vector<128x512xf32>
      %get3A_74 = arith.constant 0 : index
      %get3A_75 = arith.constant 0 : index
      %get3A_76 = vector.load %arg7[%get3A_74, %get3A_75] : memref<512x256xf32, #tpu.memory_space<vmem>>, vector<512x256xf32>
      %get3A_77 = arith.constant 0 : index
      %get3A_78 = arith.constant 0 : index
      %get3A_79 = vector.load %arg8[%get3A_77, %get3A_78] : memref<1x256xf32, #tpu.memory_space<vmem>>, vector<1x256xf32>
      %dot_general3A_80 = arith.constant dense<0.000000e+00> : vector<128x256xf32>
      %dot_general3A_81 = tpu.matmul %div3A_73, %get3A_76, %dot_general3A_80 {dimension_numbers = #tpu.dot_dimension_numbers<[1], [0], [0], [1], [0, 0, 1, 1], [], []>, transpose_lhs_hint = false} : vector<128x512xf32>, vector<512x256xf32>, vector<128x256xf32> -> vector<128x256xf32>
      %add3A_82 = vector.broadcast %get3A_79 : vector<1x256xf32> to vector<128x256xf32>
      %add3A_83 = arith.addf %dot_general3A_81, %add3A_82 : vector<128x256xf32>
      %max3A = arith.constant 0.000000e+00 : f32
      %max3A_84 = vector.broadcast %max3A : f32 to vector<128x256xf32>
      %max3A_85 = arith.maximumf %add3A_83, %max3A_84 : vector<128x256xf32>
      %get3A_86 = arith.constant 0 : index
      %get3A_87 = arith.constant 0 : index
      %get3A_88 = vector.load %arg9[%get3A_86, %get3A_87] : memref<256x64xf32, #tpu.memory_space<vmem>>, vector<256x64xf32>
      %get3A_89 = arith.constant 0 : index
      %get3A_90 = arith.constant 0 : index
      %get3A_91 = vector.load %arg10[%get3A_89, %get3A_90] : memref<1x64xf32, #tpu.memory_space<vmem>>, vector<1x64xf32>
      %dot_general3A_92 = arith.constant dense<0.000000e+00> : vector<128x64xf32>
      %dot_general3A_93 = tpu.matmul %max3A_85, %get3A_88, %dot_general3A_92 {dimension_numbers = #tpu.dot_dimension_numbers<[1], [0], [0], [1], [0, 0, 1, 1], [], []>, transpose_lhs_hint = false} : vector<128x256xf32>, vector<256x64xf32>, vector<128x64xf32> -> vector<128x64xf32>
      %add3A_94 = vector.broadcast %get3A_91 : vector<1x64xf32> to vector<128x64xf32>
      %add3A_95 = arith.addf %dot_general3A_93, %add3A_94 : vector<128x64xf32>
      %gt3A = arith.constant 0.000000e+00 : f32
      %gt3A_96 = vector.broadcast %gt3A : f32 to vector<128x64xf32>
      %gt3A_97 = arith.cmpf ogt, %add3A_95, %gt3A_96 : vector<128x64xf32>
      %gt3A_98 = arith.constant 0.000000e+00 : f32
      %gt3A_99 = vector.broadcast %gt3A_98 : f32 to vector<128x64xf32>
      %gt3A_100 = arith.cmpf ogt, %add3A_95, %gt3A_99 : vector<128x64xf32>
      %jit3A = arith.constant 0.000000e+00 : f32
      %broadcast_in_dim3A_101 = vector.broadcast %jit3A : f32 to vector<128x64xf32>
      %select_n3A = arith.select %gt3A_100, %broadcast_in_dim3A_101, %add3A_95 : vector<128x64xi1>, vector<128x64xf32>
      %mul3A = arith.constant 0.166666672 : f32
      %mul3A_102 = vector.broadcast %mul3A : f32 to vector<128x64xf32>
      %mul3A_103 = arith.mulf %select_n3A, %mul3A_102 : vector<128x64xf32>
      %add3A_104 = arith.constant 5.000000e-01 : f32
      %add3A_105 = vector.broadcast %add3A_104 : f32 to vector<128x64xf32>
      %add3A_106 = arith.addf %add3A_105, %mul3A_103 : vector<128x64xf32>
      %mul3A_107 = arith.mulf %select_n3A, %add3A_106 : vector<128x64xf32>
      %add3A_108 = arith.constant 1.000000e+00 : f32
      %add3A_109 = vector.broadcast %add3A_108 : f32 to vector<128x64xf32>
      %add3A_110 = arith.addf %add3A_109, %mul3A_107 : vector<128x64xf32>
      %mul3A_111 = arith.mulf %select_n3A, %add3A_110 : vector<128x64xf32>
      %gt3A_112 = arith.constant -0.00999999977 : f32
      %gt3A_113 = vector.broadcast %gt3A_112 : f32 to vector<128x64xf32>
      %gt3A_114 = arith.cmpf ogt, %select_n3A, %gt3A_113 : vector<128x64xf32>
      %exp3A_115 = math.exp %select_n3A : vector<128x64xf32>
      %sub3A = arith.constant 1.000000e+00 : f32
      %sub3A_116 = vector.broadcast %sub3A : f32 to vector<128x64xf32>
      %sub3A_117 = arith.subf %exp3A_115, %sub3A_116 : vector<128x64xf32>
      %select_n3A_118 = arith.select %gt3A_114, %mul3A_111, %sub3A_117 : vector<128x64xi1>, vector<128x64xf32>
      %select_n3A_119 = arith.select %gt3A_97, %add3A_95, %select_n3A_118 : vector<128x64xi1>, vector<128x64xf32>
      %get3A_120 = arith.constant 0 : index
      %get3A_121 = arith.constant 0 : index
      %get3A_122 = vector.load %arg11[%get3A_120, %get3A_121] : memref<64x16xf32, #tpu.memory_space<vmem>>, vector<64x16xf32>
      %get3A_123 = arith.constant 0 : index
      %get3A_124 = arith.constant 0 : index
      %get3A_125 = vector.load %arg12[%get3A_123, %get3A_124] : memref<1x16xf32, #tpu.memory_space<vmem>>, vector<1x16xf32>
      %dot_general3A_126 = arith.constant dense<0.000000e+00> : vector<128x16xf32>
      %dot_general3A_127 = tpu.matmul %select_n3A_119, %get3A_122, %dot_general3A_126 {dimension_numbers = #tpu.dot_dimension_numbers<[1], [0], [0], [1], [0, 0, 1, 1], [], []>, transpose_lhs_hint = false} : vector<128x64xf32>, vector<64x16xf32>, vector<128x16xf32> -> vector<128x16xf32>
      %add3A_128 = vector.broadcast %get3A_125 : vector<1x16xf32> to vector<128x16xf32>
      %add3A_129 = arith.addf %dot_general3A_127, %add3A_128 : vector<128x16xf32>
      %gt3A_130 = arith.constant 0.000000e+00 : f32
      %gt3A_131 = vector.broadcast %gt3A_130 : f32 to vector<128x16xf32>
      %gt3A_132 = arith.cmpf ogt, %add3A_129, %gt3A_131 : vector<128x16xf32>
      %gt3A_133 = arith.constant 0.000000e+00 : f32
      %gt3A_134 = vector.broadcast %gt3A_133 : f32 to vector<128x16xf32>
      %gt3A_135 = arith.cmpf ogt, %add3A_129, %gt3A_134 : vector<128x16xf32>
      %jit3A_136 = arith.constant 0.000000e+00 : f32
      %broadcast_in_dim3A_137 = vector.broadcast %jit3A_136 : f32 to vector<128x16xf32>
      %select_n3A_138 = arith.select %gt3A_135, %broadcast_in_dim3A_137, %add3A_129 : vector<128x16xi1>, vector<128x16xf32>
      %mul3A_139 = arith.constant 0.166666672 : f32
      %mul3A_140 = vector.broadcast %mul3A_139 : f32 to vector<128x16xf32>
      %mul3A_141 = arith.mulf %select_n3A_138, %mul3A_140 : vector<128x16xf32>
      %add3A_142 = arith.constant 5.000000e-01 : f32
      %add3A_143 = vector.broadcast %add3A_142 : f32 to vector<128x16xf32>
      %add3A_144 = arith.addf %add3A_143, %mul3A_141 : vector<128x16xf32>
      %mul3A_145 = arith.mulf %select_n3A_138, %add3A_144 : vector<128x16xf32>
      %add3A_146 = arith.constant 1.000000e+00 : f32
      %add3A_147 = vector.broadcast %add3A_146 : f32 to vector<128x16xf32>
      %add3A_148 = arith.addf %add3A_147, %mul3A_145 : vector<128x16xf32>
      %mul3A_149 = arith.mulf %select_n3A_138, %add3A_148 : vector<128x16xf32>
      %gt3A_150 = arith.constant -0.00999999977 : f32
      %gt3A_151 = vector.broadcast %gt3A_150 : f32 to vector<128x16xf32>
      %gt3A_152 = arith.cmpf ogt, %select_n3A_138, %gt3A_151 : vector<128x16xf32>
      %exp3A_153 = math.exp %select_n3A_138 : vector<128x16xf32>
      %sub3A_154 = arith.constant 1.000000e+00 : f32
      %sub3A_155 = vector.broadcast %sub3A_154 : f32 to vector<128x16xf32>
      %sub3A_156 = arith.subf %exp3A_153, %sub3A_155 : vector<128x16xf32>
      %select_n3A_157 = arith.select %gt3A_152, %mul3A_149, %sub3A_156 : vector<128x16xi1>, vector<128x16xf32>
      %mul3A_158 = arith.constant 1.67326319 : f32
      %mul3A_159 = vector.broadcast %mul3A_158 : f32 to vector<128x16xf32>
      %mul3A_160 = arith.mulf %mul3A_159, %select_n3A_157 : vector<128x16xf32>
      %select_n3A_161 = arith.select %gt3A_132, %add3A_129, %mul3A_160 : vector<128x16xi1>, vector<128x16xf32>
      %mul3A_162 = arith.constant 1.05070102 : f32
      %mul3A_163 = vector.broadcast %mul3A_162 : f32 to vector<128x16xf32>
      %mul3A_164 = arith.mulf %mul3A_163, %select_n3A_161 : vector<128x16xf32>
      %get3A_165 = arith.constant 0 : index
      %get3A_166 = arith.constant 0 : index
      %get3A_167 = vector.load %arg13[%get3A_165, %get3A_166] : memref<16x16xf32, #tpu.memory_space<vmem>>, vector<16x16xf32>
      %get3A_168 = arith.constant 0 : index
      %get3A_169 = arith.constant 0 : index
      %get3A_170 = vector.load %arg14[%get3A_168, %get3A_169] : memref<1x16xf32, #tpu.memory_space<vmem>>, vector<1x16xf32>
      %dot_general3A_171 = arith.constant dense<0.000000e+00> : vector<128x16xf32>
      %dot_general3A_172 = tpu.matmul %mul3A_164, %get3A_167, %dot_general3A_171 {dimension_numbers = #tpu.dot_dimension_numbers<[1], [0], [0], [1], [0, 0, 1, 1], [], []>, transpose_lhs_hint = false} : vector<128x16xf32>, vector<16x16xf32>, vector<128x16xf32> -> vector<128x16xf32>
      %add3A_173 = vector.broadcast %get3A_170 : vector<1x16xf32> to vector<128x16xf32>
      %add3A_174 = arith.addf %dot_general3A_172, %add3A_173 : vector<128x16xf32>
      %mul3A_175 = arith.constant 5.000000e-01 : f32
      %mul3A_176 = vector.broadcast %mul3A_175 : f32 to vector<128x16xf32>
      %mul3A_177 = arith.mulf %mul3A_176, %add3A_174 : vector<128x16xf32>
      %mul3A_178 = arith.constant 0.707106769 : f32
      %mul3A_179 = vector.broadcast %mul3A_178 : f32 to vector<128x16xf32>
      %mul3A_180 = arith.mulf %add3A_174, %mul3A_179 : vector<128x16xf32>
      %erf3A = math.erf %mul3A_180 : vector<128x16xf32>
      %add3A_181 = arith.constant 1.000000e+00 : f32
      %add3A_182 = vector.broadcast %add3A_181 : f32 to vector<128x16xf32>
      %add3A_183 = arith.addf %add3A_182, %erf3A : vector<128x16xf32>
      %mul3A_184 = arith.mulf %mul3A_177, %add3A_183 : vector<128x16xf32>
      %get3A_185 = arith.constant 0 : index
      %get3A_186 = arith.constant 0 : index
      %get3A_187 = vector.load %arg15[%get3A_185, %get3A_186] : memref<16x1xf32, #tpu.memory_space<vmem>>, vector<16x1xf32>
      %get3A_188 = arith.constant 0 : index
      %get3A_189 = arith.constant 0 : index
      %get3A_190 = vector.load %arg16[%get3A_188, %get3A_189] : memref<1x1xf32, #tpu.memory_space<vmem>>, vector<1x1xf32>
      %dot_general3A_191 = arith.constant dense<0.000000e+00> : vector<128x1xf32>
      %dot_general3A_192 = tpu.matmul %mul3A_184, %get3A_187, %dot_general3A_191 {dimension_numbers = #tpu.dot_dimension_numbers<[1], [0], [0], [1], [0, 0, 1, 1], [], []>, transpose_lhs_hint = false} : vector<128x16xf32>, vector<16x1xf32>, vector<128x1xf32> -> vector<128x1xf32>
      %add3A_193 = vector.broadcast %get3A_190 : vector<1x1xf32> to vector<128x1xf32>
      %add3A_194 = arith.addf %dot_general3A_192, %add3A_193 : vector<128x1xf32>
      %swap3A_195 = arith.constant 0 : index
      %swap3A_196 = arith.constant 0 : index
      %swap3A_197 = vector.load %arg17[%swap3A_195, %swap3A_196] : memref<128x1xf32, #tpu.memory_space<vmem>>, vector<128x1xf32>
      tpu.vector_store %arg17[%swap3A_195, %swap3A_196], %add3A_194 {strides = array<i32>} : memref<128x1xf32, #tpu.memory_space<vmem>>, vector<128x1xf32>,
    } else {
    }
    return
  }
  func.func @transform_0(%arg0: i32) -> (i32, i32) {
    %c0_i32 = arith.constant 0 : i32
    %c0_i32_0 = arith.constant 0 : i32
    return %arg0, %c0_i32 : i32, i32
  }
  func.func @transform_1(%arg0: i32) -> (i32, i32) {
    %c0_i32 = arith.constant 0 : i32
    %c0_i32_0 = arith.constant 0 : i32
    return %arg0, %c0_i32 : i32, i32
  }
  func.func @transform_2(%arg0: i32) -> (i32, i32) {
    %c0_i32 = arith.constant 0 : i32
    %c0_i32_0 = arith.constant 0 : i32
    return %arg0, %c0_i32 : i32, i32
  }
  func.func @transform_3(%arg0: i32) -> (i32, i32, i32) {
    %c0_i32 = arith.constant 0 : i32
    %c0_i32_0 = arith.constant 0 : i32
    %c0_i32_1 = arith.constant 0 : i32
    return %arg0, %c0_i32, %c0_i32_0 : i32, i32, i32
  }
  func.func @transform_4(%arg0: i32) -> (i32, i32) {
    %c0_i32 = arith.constant 0 : i32
    %c0_i32_0 = arith.constant 0 : i32
    %c0_i32_1 = arith.constant 0 : i32
    return %c0_i32, %c0_i32_0 : i32, i32
  }
  func.func @transform_5(%arg0: i32) -> (i32, i32) {
    %c0_i32 = arith.constant 0 : i32
    %c0_i32_0 = arith.constant 0 : i32
    %c0_i32_1 = arith.constant 0 : i32
    return %c0_i32, %c0_i32_0 : i32, i32
  }
  func.func @transform_6(%arg0: i32) -> (i32, i32) {
    %c0_i32 = arith.constant 0 : i32
    %c0_i32_0 = arith.constant 0 : i32
    %c0_i32_1 = arith.constant 0 : i32
    return %c0_i32, %c0_i32_0 : i32, i32
  }
  func.func @transform_7(%arg0: i32) -> (i32, i32) {
    %c0_i32 = arith.constant 0 : i32
    %c0_i32_0 = arith.constant 0 : i32
    %c0_i32_1 = arith.constant 0 : i32
    return %c0_i32, %c0_i32_0 : i32, i32
  }
  func.func @transform_8(%arg0: i32) -> (i32, i32) {
    %c0_i32 = arith.constant 0 : i32
    %c0_i32_0 = arith.constant 0 : i32
    %c0_i32_1 = arith.constant 0 : i32
    return %c0_i32, %c0_i32_0 : i32, i32
  }
  func.func @transform_9(%arg0: i32) -> (i32, i32) {
    %c0_i32 = arith.constant 0 : i32
    %c0_i32_0 = arith.constant 0 : i32
    %c0_i32_1 = arith.constant 0 : i32
    return %c0_i32, %c0_i32_0 : i32, i32
  }
  func.func @transform_10(%arg0: i32) -> (i32, i32) {
    %c0_i32 = arith.constant 0 : i32
    %c0_i32_0 = arith.constant 0 : i32
    %c0_i32_1 = arith.constant 0 : i32
    return %c0_i32, %c0_i32_0 : i32, i32
  }
  func.func @transform_11(%arg0: i32) -> (i32, i32) {
    %c0_i32 = arith.constant 0 : i32
    %c0_i32_0 = arith.constant 0 : i32
    %c0_i32_1 = arith.constant 0 : i32
    return %c0_i32, %c0_i32_0 : i32, i32
  }
  func.func @transform_12(%arg0: i32) -> (i32, i32) {
    %c0_i32 = arith.constant 0 : i32
    %c0_i32_0 = arith.constant 0 : i32
    %c0_i32_1 = arith.constant 0 : i32
    return %c0_i32, %c0_i32_0 : i32, i32
  }
  func.func @transform_13(%arg0: i32) -> (i32, i32) {
    %c0_i32 = arith.constant 0 : i32
    %c0_i32_0 = arith.constant 0 : i32
    %c0_i32_1 = arith.constant 0 : i32
    return %c0_i32, %c0_i32_0 : i32, i32
  }
  func.func @transform_14(%arg0: i32) -> (i32, i32) {
    %c0_i32 = arith.constant 0 : i32
    %c0_i32_0 = arith.constant 0 : i32
    %c0_i32_1 = arith.constant 0 : i32
    return %c0_i32, %c0_i32_0 : i32, i32
  }
  func.func @transform_15(%arg0: i32) -> (i32, i32) {
    %c0_i32 = arith.constant 0 : i32
    %c0_i32_0 = arith.constant 0 : i32
    %c0_i32_1 = arith.constant 0 : i32
    return %c0_i32, %c0_i32_0 : i32, i32
  }
  func.func @transform_16(%arg0: i32) -> (i32, i32) {
    %c0_i32 = arith.constant 0 : i32
    %c0_i32_0 = arith.constant 0 : i32
    %c0_i32_1 = arith.constant 0 : i32
    return %c0_i32, %c0_i32_0 : i32, i32
  }
}

</mosaic_0001>

<sc_bundles>
// kernel: kernel.10.cloned.1.call-start
scs
__scs_entry_jumppad:
0x0: {  	(pc) =	sbr.rel $0x88, $3  }
0x1: {  	(tag) =	ssettag $0x0;
	lr =	simm.s32 $0x1  }
0x2: {  	[smem:$0x3F64] =	sst lr;
	_ =	strace $0xD0000000  }
0x3: {  	_ = 	snop  }
0x4: {  	_ = 	snop  }
0x5: {  	_ = 	snop  }
0x6: {  	_ = 	snop  }
0x7: {  	_ = 	snop  }
__scs_overlays_trampoline_lowered:
0x8: {  	[smem:$0x3F73] =	sst s0  }
0x9: {  	[smem:$0x3F74] =	sst s1  }
0xa: {  	[smem:$0x3F75] =	sst s2  }
0xb: {  	[smem:$0x3F76] =	sst s3  }
0xc: {  	[smem:$0x3F77] =	sst s4  }
0xd: {  	[smem:$0x3F78] =	sst s5  }
0xe: {  	[smem:$0x3F79] =	sst s6  }
0xf: {  	[smem:$0x3F7A] =	sst s7  }
0x10: {  	[smem:$0x3F7B] =	sst s8  }
0x11: {  	[smem:$0x3F7C] =	sst s9;
	s0 =	simm.s32 @!p0 $0x0  }
0x12: {  	s1 =	sld [smem:$0x3F62];
	s0 =	simm.s32 @p0 $0x1  }
0x13: {  	[smem:$0x3F7D] =	sst s0;
	s0 =	simm.s32 @!p1 $0x0  }
0x14: {  	s2 =	sld [smem:$0x3F61];
	s0 =	simm.s32 @p1 $0x1  }
0x15: {  	[smem:$0x3F7E] =	sst s0;
	s0 =	simm.s32 @!p2 $0x0  }
0x16: {  	s3 =	sld [smem:$0x3FDB];
	s0 =	simm.s32 @p2 $0x1  }
0x17: {  	s4 =	simm.s32 $0x1BF5;
	[smem:$0x3F80] =	sst s0  }
0x18: {  	s0 =	sld [smem:$0x3F63];
	_ =	swait.ge [sflag:s4], $0x0  }
0x19: {  	s7 =	sld [smem:$0x3F64]  }
0x1a: {  	s8 =	sadd.s32 $0xFFFFE003, lr  }
0x1b: {  	s9 =	sadd.s32 $0xFFFFFEF7, lr;
	s5 =	simm.s32 $0xFFFFFFFF;
	p2 =	slt.u32 s8, $0xFFFFF086  }
0x1c: {  	p1 =	slt.u32 s9, $0xF7A;
	s5 =	simm.s32 @!p2 $0x0  }
0x1d: {  	s5 =	simm.s32 @p1 $0x1;
	p0 =	seq.s32 s7, s2  }
0x1e: {  	s7 =	smul.u32 @!p0 $0xF7A, s2;
	p2 =	seq.s32 @!p0 s5, $0x0  }
0x1f: {  	s9 =	smul.u32 $0xF7A, s1;
	s8 =	simm.s32 @!p0 $0x1BF5;
	p2 =	por !p2, p0  }
0x20: {  	[sflag:s8] =	ssyncset.s32 @!p0 $0xFFFFF086;
	s6 =	sadd.s32 @!p0 s3, s7;
	s7 =	simm.s32 @!p0 $0x108  }
0x21: {  	s3 =	sadd.s32 s3, s9;
	s6 =	sadd.s32 @!p0 $0x88, s6;
	s7 =	simm.s32 @p2 $0x1082  }
0x22: {  	[simem:s7], [sflag:s8] =	dma.local @!p0 [hbm:s6], $0xF7A  }
0x23: {  	s9 =	sor.u32 $0xD0000000, s2;
	s6 =	simm.s32 $0x108;
	_ =	swait.ge @!p0 [sflag:s8], $0x0  }
0x24: {  	s3 =	sadd.s32 $0x88, s3;
	s6 =	simm.s32 @!p1 $0x1082;
	[sflag:s4] =	ssyncset.s32 $0xFFFFF086  }
0x25: {  	[simem:s6], [sflag:s4] =	dma.local [hbm:s3], $0xF7A  }
0x26: {  	[smem:$0x3F64] =	sst s1;
	(tag) =	ssettag s2;
	_ =	strace s9  }
0x27: {  	s1 =	sld [smem:$0x3F74]  }
0x28: {  	s2 =	sld [smem:$0x3F75]  }
0x29: {  	s4 =	sld [smem:$0x3F77]  }
0x2a: {  	p0 =	seq.s32 s5, $0x0;
	s5 =	sld [smem:$0x3F78]  }
0x2b: {  	s6 =	sld [smem:$0x3F79]  }
0x2c: {  	s7 =	sld [smem:$0x3F7A]  }
0x2d: {  	s3 =	simm.s32 $0x108;
	s8 =	sld [smem:$0x3F7B]  }
0x2e: {  	s3 =	simm.s32 @!p0 $0x1082;
	s9 =	sld [smem:$0x3F7C]  }
0x2f: {  	lr =	sadd.s32 s0, s3;
	s0 =	sld [smem:$0x3F73]  }
0x30: {  	s3 =	sld [smem:$0x3F76]  }
0x31: {  	[smem:$0x3F7F] =	sst s10  }
0x32: {  	s10 =	sld [smem:$0x3F7D];
	_ =	sdelay $0x3  }
0x33: {  	p0 =	seq.s32 s10, $0x1;
	s10 =	sld [smem:$0x3F7F];
	_ =	sdelay $0x3  }
0x34: {  	[smem:$0x3F7F] =	sst s10  }
0x35: {  	s10 =	sld [smem:$0x3F7E];
	_ =	sdelay $0x3  }
0x36: {  	p1 =	seq.s32 s10, $0x1;
	s10 =	sld [smem:$0x3F7F];
	_ =	sdelay $0x3  }
0x37: {  	[smem:$0x3F7F] =	sst s10  }
0x38: {  	s10 =	sld [smem:$0x3F80]  }
0x39: {  	_ = 	snop;
	(pc) =	sbr.ind lr, $3  }
0x3a: {  	_ = 	snop  }
0x3b: {  	_ = 	snop  }
0x3c: {  	p2 =	seq.s32 s10, $0x1;
	s10 =	sld [smem:$0x3F7F]  }
0x3d: {  	_ =	shalt  }
0x3e: {  	_ =	shalt  }
0x3f: {  	_ =	shalt  }
0x40: {  	_ =	shalt  }
0x41: {  	_ =	shalt  }
0x42: {  	_ =	shalt  }
0x43: {  	_ =	shalt  }
0x44: {  	_ =	shalt  }
0x45: {  	_ =	shalt  }
0x46: {  	_ =	shalt  }
0x47: {  	_ =	shalt  }
0x48: {  	_ =	shalt  }
0x49: {  	_ =	shalt  }
0x4a: {  	_ =	shalt  }
0x4b: {  	_ =	shalt  }
0x4c: {  	_ =	shalt  }
0x4d: {  	_ =	shalt  }
0x4e: {  	_ =	shalt  }
0x4f: {  	_ =	shalt  }
0x50: {  	_ =	shalt  }
0x51: {  	_ =	shalt  }
0x52: {  	_ =	shalt  }
0x53: {  	_ =	shalt  }
0x54: {  	_ =	shalt  }
0x55: {  	_ =	shalt  }
0x56: {  	_ =	shalt  }
0x57: {  	_ =	shalt  }
0x58: {  	_ =	shalt  }
0x59: {  	_ =	shalt  }
0x5a: {  	_ =	shalt  }
0x5b: {  	_ =	shalt  }
0x5c: {  	_ =	shalt  }
0x5d: {  	_ =	shalt  }
0x5e: {  	_ =	shalt  }
0x5f: {  	_ =	shalt  }
0x60: {  	_ =	shalt  }
0x61: {  	_ =	shalt  }
0x62: {  	_ =	shalt  }
0x63: {  	_ =	shalt  }
0x64: {  	_ =	shalt  }
0x65: {  	_ =	shalt  }
0x66: {  	_ =	shalt  }
0x67: {  	_ =	shalt  }
0x68: {  	_ =	shalt  }
0x69: {  	_ =	shalt  }
0x6a: {  	_ =	shalt  }
0x6b: {  	_ =	shalt  }
0x6c: {  	_ =	shalt  }
0x6d: {  	_ =	shalt  }
0x6e: {  	_ =	shalt  }
0x6f: {  	_ =	shalt  }
0x70: {  	_ =	shalt  }
0x71: {  	_ =	shalt  }
0x72: {  	_ =	shalt  }
0x73: {  	_ =	shalt  }
0x74: {  	_ =	shalt  }
0x75: {  	_ =	shalt  }
0x76: {  	_ =	shalt  }
0x77: {  	_ =	shalt  }
0x78: {  	_ =	shalt  }
0x79: {  	_ =	shalt  }
0x7a: {  	_ =	shalt  }
0x7b: {  	_ =	shalt  }
0x7c: {  	_ =	shalt  }
0x7d: {  	_ =	shalt  }
0x7e: {  	_ =	shalt  }
0x7f: {  	_ =	shalt  }
0x80: {  	_ =	shalt  }
0x81: {  	_ =	shalt  }
0x82: {  	_ =	shalt  }
0x83: {  	_ =	shalt  }
0x84: {  	_ =	shalt  }
0x85: {  	_ =	shalt  }
0x86: {  	_ =	shalt  }
0x87: {  	_ =	shalt  }
.Lfunc_end0:
.L_simem_size_0:
called_computation_lowered:
.L_overlay_start_0:
0x88: {  	s2 =	sld [smem:$0x3FD9]  }
0x89: {  	s3 =	sld [smem:$0x3FFE];
	_ =	sdelay $0x1  }
0x8a: {  	s1 =	srdreg.scid  }
0x8b: {  	s0 =	sand.u32 $0x1, s1  }
0x8c: {  	s16 =	sshll.u32 s0, $0xA;
	s2 =	sadd.s32 s3, s2  }
0x8d: {  	s2 =	sadd.s32 s2, s16  }
0x8e: {  	[smem:$0x3F8B] =	sst s2  }
0x8f: {  	_ = 	snop  }
0x90: {  	(tm) =	ssettm $0x1  }
0x91: {  	s17 =	sld [smem:$0x3FFB];
	_ =	sdelay $0x3  }
0x92: {  	_ =	strace s17  }
0x93: {  	s2 =	sld [smem:$0x3FFC];
	_ =	sdelay $0x3  }
0x94: {  	_ =	strace s2  }
0x95: {  	s2 =	sld [smem:$0x3FFD];
	_ =	sdelay $0x3  }
0x96: {  	_ =	strace s2  }
0x97: {  	_ =	strace $0x8FFFFFFF  }
0x98: {  	s18 =	sld [smem:$0x3FDB];
	_ =	sdelay $0x1  }
0x99: {  	s19 =	simm.s32 $_scs_section_size  }
0x9a: {  	s4 =	simm.s32 $_size__tile_overlayer_lowered;
	s5 =	simm.s32 $_tile_overlayer_lowered  }
0x9b: {  	s22 =	simm.s32 $0x1BFF;
	s21 =	sshll.u32 s5, $0x1;
	s2 =	sadd.s32 s19, s18  }
0x9c: {  	s6 =	simm.s32 $0x0;
	s20 =	sshll.u32 s4, $0x1;
	s4 =	sadd.s32 s21, s2  }
0x9d: {  	[timem:s6], [sflag:s22] =	dma.local [hbm:s4], s20  }
0x9e: {  	_ =	swait.ge [sflag:s22], s20  }
0x9f: {  	s3 =	ssub.s32 $0x0, s20;
	[sflag:s22] =	ssyncset.done $0x0  }
0xa0: {  	[sflag:s22] =	ssyncadd.s32 s3;
	_ =	sdelay $0x1  }
0xa1: {  	s23 =	simm.s32 $0x1B8B  }
0xa2: {  	_ =	swait.ge [sflag:s23], $0x1  }
0xa3: {  	[sflag:s23] =	ssyncset.done $0x0  }
0xa4: {  	s25 =	simm.s32 $0x1B8E;
	s24 =	sld [smem:$0x3FFE];
	[sflag:s23] =	ssyncadd.s32 $0xFFFFFFFF  }
0xa5: {  	s26 =	simm.s32 $execute0_lowered;
	[smem:$0x3FD2] =	sst s25  }
0xa6: {  	s4 =	sshll.u32 s26, $0x1;
	_ =	strace $0x80000046;
	[dreg:$0x1] =	wrdreg $0xFFFFFFFF  }
0xa7: {  	s28 =	simm.s32 $_size_execute0_lowered;
	s2 =	sadd.s32 s2, s4;
	[dreg:$0x0] =	wrdreg $0x0  }
0xa8: {  	s4 =	sshll.u32 s28, $0x1;
	[dreg:$0x2] =	wrdreg s2  }
0xa9: {  	[dreg:$0x3] =	wrdreg s4  }
0xaa: {  	[dreg:$0x4] =	wrdreg $0xC0  }
0xab: {  	_ =	task [dreg:s6], $0x5FFFF  }
0xac: {  	[dreg:$0x1] =	wrdreg $0xFFFFFFFF  }
0xad: {  	[dreg:$0x0] =	wrdreg $0x60  }
0xae: {  	[dreg:$0x2] =	wrdreg s24  }
0xaf: {  	[dreg:$0x3] =	wrdreg $0xDE800  }
0xb0: {  	[dreg:$0x4] =	wrdreg $0x9  }
0xb1: {  	_ =	task.clear_ibuf [dreg:s6], $0x5FFFF;
	_ =	strace $0x90000046  }
0xb2: {  	s29 =	simm.s32 $0x9;
	_ =	strace $0x80000048  }
0xb3: {  	_ =	swait.ge [sflag:s29], $0x1  }
0xb4: {  	[sflag:s29] =	ssyncadd.s32 $0xFFFFFFFF  }
0xb5: {  	_ =	strace $0x90000048  }
0xb6: {  	_ =	sfence  }
0xb7: {  	s30 =	sld [smem:$0x0];
	_ =	sdelay $0x2  }
0xb8: {  	s31 =	sshll.u32 s1, $0xD;
	s1 =	sshrl.u32 s1, $0x2  }
0xb9: {  	s3 =	sand.u32 $0x4000, s31;
	s1 =	sadd.s32 s1, s30  }
0xba: {  	s0 =	sor.u32 s3, s0;
	s1 =	sshll.u32 s1, $0x11  }
0xbb: {  	s0 =	sor.u32 s1, s0  }
0xbc: {  	s0 =	sadd.s32 $0x8F2B, s0  }
0xbd: {  	[sflag:s0] =	ssyncadd.remote.s32 $0x1  }
0xbe: {  	_ =	sfence.sel $0xFFFF  }
0xbf: {  	[dreg:$0x0] =	wrdreg $0xFFFFFFFF;
	(pc) =	sbr.abs _section_cstart, $3  }
0xc0: {  	[dreg:$0x1] =	wrdreg $0xFFFFFFFF  }
0xc1: {  	_ =	task.clear_ibuf [dreg:s6], $0x2FFFF;
	_ =	strace $0x9FFFFFFF  }
0xc2: {  	(tm) =	ssettm $0x7FFFFFFF  }
0xc3: {  	_ =	shalt  }
tec
execute0_lowered:
.L_overlay_start_1:
0x0: {  	(tag) =	ssettag $0x1  }
0x1: {  	s1 =	srdreg.scid  }
0x2: {  	s0 =	stileid.u32;
	s6 =	rddreg [dreg:$0x0]  }
0x3: {  	s2 =	rddreg [dreg:$0x1];
	s3 =	simm.s32 $0x0;
	s14 =	simm.s32 $0x7D  }
0x4: {  	s15 =	simm.s32 $0xA000;
	s16 =	simm.s32 $0x80;
	s17 =	simm.s32 $0xBF40  }
0x5: {  	s18 =	simm.s32 $0x1;
	s19 =	simm.s32 $0x2;
	s20 =	simm.s32 $0x9F00  }
0x6: {  	s21 =	simm.s32 $0x9F80;
	s22 =	simm.s32 $0x0;
	s7 =	smul.u32 $0x5000, s0  }
0x7: {  	s5 =	sand.u32 $0x1, s1;
	s1 =	rddreg [dreg:$0x2];
	s8 =	smul.u32 $0x9E00, s0  }
0x8: {  	[smem:$0x7FF] =	sst s3;
	s31 =	sshll.u32 s0, $0x6;
	s4 =	smul.u32 $0x50000, s5  }
0x9: {  	_ =	strace $0x80000047;
	s10 =	smul.u32 $0x9E000, s5;
	s11 =	ssub.s32 $0x2, s5  }
0xa: {  	s5 =	sadd.s32 $0x4CA00, s6;
	s12 =	sshrl.u32 s11, $0x1;
	s13 =	sadd.s32 s8, s2  }
0xb: {  	s4 =	sadd.s32 s7, s4;
	s7 =	sshrl.u32 s7, $0x3;
	s10 =	sadd.s32 s8, s10  }
0xc: {  	s11 =	ssub.s32 s11, s12;
	s12 =	sor.u32 $0x1C03, s31;
	s13 =	sshrl.u32 s13, $0x3  }
0xd: {  	s9 =	sshrl.u32 s4, $0x3;
	s4 =	sadd.s32 $0x7800, s6;
	s10 =	sshrl.u32 s10, $0x3  }
0xe: {  	s7 =	sadd.s32 s7, s6;
	s9 =	sadd.s32 s9, s6;
	s10 =	sadd.s32 s10, s6  }
0xf: {  	s7 =	sadd.s32 $0x42A00, s7;
	s6 =	sadd.s32 $0x2EA00, s9;
	s8 =	sadd.s32 $0x4DE00, s10  }
0x10: {  	s9 =	smax.u32 s11, $0x1;
	s10 =	simm.s32 $0x3;
	s11 =	simm.s32 $0x5000  }
.LBB2_1:
0x11: {  	[tilespmem:s3], [sflag:$0x3] =	stream.linear.gather [hbm4b:s6+s3], $0x5000, $0x38;
	[tilespmem:$0x17C80] =	vst v63  }
0x12: {  	_ =	swait.ge [sflag:s10], $0x5000  }
0x13: {  	[sflag:s10] =	ssyncset.done $0x0  }
0x14: {  	[sflag:s10] =	ssyncadd.s32 $0xFFFFB000  }
0x15: {  	[tilespmem:s11], [sflag:$0x3] =	stream.linear.gather [hbm4b:s7+s3], $0x5000, $0x38;
	[tilespmem:$0x17C80] =	vst v63  }
0x16: {  	_ =	swait.ge [sflag:s10], $0x5000  }
0x17: {  	[sflag:s10] =	ssyncset.done $0x0  }
0x18: {  	[sflag:s10] =	ssyncadd.s32 $0xFFFFB000  }
0x19: {  	[spmem:s13], [sflag:s12] =	dma.local [hbm:s5], $0x13C0  }
0x1a: {  	_ =	swait.ge [sflag:s10], $0x13C0  }
0x1b: {  	[sflag:s10] =	ssyncset.done $0x0  }
0x1c: {  	[sflag:s10] =	ssyncadd.s32 $0xFFFFEC40  }
0x1d: {  	[bflag:$0x0] =	sbarrier.arrive $0xFFFF  }
0x1e: {  	[tilespmem:s15], [sflag:$0x1] =	stream.indirect.gather [hbm4b:s4+s14], $0x40, s3, s14, $0xb8;
	[tilespmem:$0x17C80] =	vst v63  }
0x1f: {  	_ = 	snop  }
0x20: {  	[tilespmem:s17], [sflag:$0x2] =	stream.indirect.gather [hbm4b:s4+s14], $0x40, s16, s14, $0xb8;
	[tilespmem:$0x17C80] =	vst v63  }
0x21: {  	_ =	swait.ge [sflag:s18], $0x1F40  }
0x22: {  	[sflag:s18] =	ssyncset.done $0x0  }
0x23: {  	s23 =	simm.s32 $0x5000;
	[sflag:s18] =	ssyncadd.s32 $0xFFFFE0C0  }
0x24: {  	[spmem:s2] =	stream.indirect.scatter.add.f32 [tilespmem:s15], [sflag:$0x3], $0x40, s23, s14, $0xb8;
	[tilespmem:$0x17C80] =	vst v63  }
0x25: {  	_ =	swait.ge [sflag:s10], $0x1F40  }
0x26: {  	[sflag:s10] =	ssyncset.done $0x0  }
0x27: {  	s30 =	simm.s32 $0x100;
	[sflag:s10] =	ssyncadd.s32 $0xFFFFE0C0  }
0x28: {  	[tilespmem:s15], [sflag:$0x1] =	stream.indirect.gather [hbm4b:s4+s14], $0x40, s30, s14, $0xb8;
	[tilespmem:$0x17C80] =	vst v63  }
0x29: {  	_ =	swait.ge [sflag:s19], $0x1F40  }
0x2a: {  	[sflag:s19] =	ssyncset.done $0x0  }
0x2b: {  	s31 =	simm.s32 $0x5080;
	[sflag:s19] =	ssyncadd.s32 $0xFFFFE0C0  }
0x2c: {  	[spmem:s2] =	stream.indirect.scatter.add.f32 [tilespmem:s17], [sflag:$0x3], $0x40, s31, s14, $0xb8;
	[tilespmem:$0x17C80] =	vst v63  }
0x2d: {  	_ =	swait.ge [sflag:s10], $0x1F40  }
0x2e: {  	[sflag:s10] =	ssyncset.done $0x0  }
0x2f: {  	s24 =	simm.s32 $0x180;
	s23 =	simm.s32 $0x400;
	[sflag:s10] =	ssyncadd.s32 $0xFFFFE0C0  }
.LBB2_2:
0x30: {  	[tilespmem:s17], [sflag:$0x2] =	stream.indirect.gather [hbm4b:s4+s14], $0x40, s24, s14, $0xb8;
	[tilespmem:$0x17C80] =	vst v63  }
0x31: {  	s24 =	smov.u32 s23  }
0x32: {  	p0 =	sne.s32 s23, $0x13800;
	s23 =	sadd.s32 $0x400, s23;
	_ =	swait.ge [sflag:s18], $0x1F40  }
0x33: {  	s24 =	sshra.s32 s24, $0x2;
	[sflag:s18] =	ssyncset.done $0x0  }
0x34: {  	s25 =	sadd.s32 $0x5000, s24;
	[sflag:s18] =	ssyncadd.s32 $0xFFFFE0C0  }
0x35: {  	[spmem:s2] =	stream.indirect.scatter.add.f32 [tilespmem:s15], [sflag:$0x3], $0x40, s25, s14, $0xb8;
	[tilespmem:$0x17C80] =	vst v63  }
0x36: {  	_ =	swait.ge [sflag:s10], $0x1F40  }
0x37: {  	[sflag:s10] =	ssyncset.done $0x0  }
0x38: {  	s25 =	sadd.s32 $0x100, s24;
	[sflag:s10] =	ssyncadd.s32 $0xFFFFE0C0  }
0x39: {  	[tilespmem:s15], [sflag:$0x1] =	stream.indirect.gather [hbm4b:s4+s14], $0x40, s25, s14, $0xb8;
	[tilespmem:$0x17C80] =	vst v63  }
0x3a: {  	_ =	swait.ge [sflag:s19], $0x1F40  }
0x3b: {  	[sflag:s19] =	ssyncset.done $0x0  }
.Ltmp0:
0x3c: {  	s25 =	sadd.s32 $0x5080, s24;
	[sflag:s19] =	ssyncadd.s32 $0xFFFFE0C0;
	(pc) =	sbr.rel @p0 .LBB2_2-.Ltmp0, $4  }
0x3d: {  	[spmem:s2] =	stream.indirect.scatter.add.f32 [tilespmem:s17], [sflag:$0x3], $0x40, s25, s14, $0xb8;
	[tilespmem:$0x17C80] =	vst v63  }
0x3e: {  	_ =	swait.ge [sflag:s10], $0x1F40  }
0x3f: {  	[sflag:s10] =	ssyncset.done $0x0  }
0x40: {  	s24 =	sadd.s32 $0x180, s24;
	[sflag:s10] =	ssyncadd.s32 $0xFFFFE0C0  }
0x41: {  	[tilespmem:s17], [sflag:$0x2] =	stream.indirect.gather [hbm4b:s4+s14], $0x40, s24, s14, $0xb8;
	[tilespmem:$0x17C80] =	vst v63  }
0x42: {  	_ =	swait.ge [sflag:s18], $0x1F40  }
0x43: {  	[sflag:s18] =	ssyncset.done $0x0  }
0x44: {  	[sflag:s18] =	ssyncadd.s32 $0xFFFFE0C0  }
0x45: {  	[spmem:s2] =	stream.indirect.scatter.add.f32 [tilespmem:s15], [sflag:$0x3], $0x40, s20, s14, $0xb8;
	[tilespmem:$0x17C80] =	vst v63  }
0x46: {  	_ =	swait.ge [sflag:s10], $0x1F40  }
0x47: {  	[sflag:s10] =	ssyncset.done $0x0  }
0x48: {  	[sflag:s10] =	ssyncadd.s32 $0xFFFFE0C0  }
0x49: {  	_ =	swait.ge [sflag:s19], $0x1F40  }
0x4a: {  	[sflag:s19] =	ssyncset.done $0x0  }
0x4b: {  	[sflag:s19] =	ssyncadd.s32 $0xFFFFE0C0  }
0x4c: {  	[spmem:s2] =	stream.indirect.scatter.add.f32 [tilespmem:s17], [sflag:$0x3], $0x40, s21, s14, $0xb8;
	[tilespmem:$0x17C80] =	vst v63  }
0x4d: {  	_ =	swait.ge [sflag:s10], $0x1F40  }
0x4e: {  	s22 =	sadd.s32 $0x1, s22;
	[sflag:s10] =	ssyncset.done $0x0  }
0x4f: {  	p0 =	sne.s32 s22, s9;
	[sflag:s10] =	ssyncadd.s32 $0xFFFFE0C0  }
.Ltmp1:
0x50: {  	[bflag:$0x0] =	sbarrier.arrive $0xFFFF;
	(pc) =	sbr.rel @p0 .LBB2_1-.Ltmp1, $4  }
0x51: {  	[hbm:s8], [sflag:s12] =	dma.local [spmem:s13], $0x13C0  }
0x52: {  	_ =	swait.ge [sflag:s10], $0x13C0  }
0x53: {  	[sflag:s10] =	ssyncset.done $0x0  }
0x54: {  	[sflag:s10] =	ssyncadd.s32 $0xFFFFEC40  }
0x55: {  	_ =	sfence.sel $0x180000  }
0x56: {  	[bflag:$0x0] =	sbarrier.arrive $0xFFFF  }
0x57: {  	p0 =	sne.s32 s0, $0x0;
	_ =	strace $0x90000047  }
0x58: {  	s0 =	sadd.s32 @!p0 $0x100000, s1;
	[bflag:$0x2] =	sbarrier.arrive $0xFFFF  }
0x59: {  	[sflag:s0] =	ssyncadd.tile.s32 @!p0 $0x1;
	_ =	shalt  }
.Lfunc_end2:
_tile_overlayer_lowered:
.L_overlay_start_2:
0x5a: {  	(tag) =	ssettag $0x2  }
0x5b: {  	s0 =	rddreg [dreg:$0x0];
	s2 =	stileid.u32  }
0x5c: {  	s1 =	rddreg [dreg:$0x1];
	p0 =	sne.s32 s2, $0x0  }
0x5d: {  	s3 =	rddreg [dreg:$0x2];
	[bflag:$0x3] =	sbarrier.arrive $0xFFFF;
	s2 =	simm.s32 @!p0 $0x1C03  }
0x5e: {  	[timem:s3], [sflag:s2] =	dma.local @!p0 [hbm:s0], s1  }
0x5f: {  	s0 =	simm.s32 @!p0 $0x3  }
0x60: {  	_ =	swait.ge @!p0 [sflag:s0], s1  }
0x61: {  	s1 =	ssub.s32 @!p0 $0x0, s1;
	[sflag:s0] =	ssyncset.done @!p0 $0x0  }
0x62: {  	[sflag:s0] =	ssyncadd.s32 @!p0 s1  }
0x63: {  	[bflag:$0x3] =	sbarrier.arrive $0xFFFF  }
0x64: {  	_ =	shalt  }

// kernel: kernel.13.cloned.1.call-start
scs
__scs_entry_jumppad:
0x0: {  	(pc) =	sbr.rel $0x88, $3  }
0x1: {  	(tag) =	ssettag $0x0;
	lr =	simm.s32 $0x1  }
0x2: {  	[smem:$0x3F64] =	sst lr;
	_ =	strace $0xD0000000  }
0x3: {  	_ = 	snop  }
0x4: {  	_ = 	snop  }
0x5: {  	_ = 	snop  }
0x6: {  	_ = 	snop  }
0x7: {  	_ = 	snop  }
__scs_overlays_trampoline_lowered:
0x8: {  	[smem:$0x3F73] =	sst s0  }
0x9: {  	[smem:$0x3F74] =	sst s1  }
0xa: {  	[smem:$0x3F75] =	sst s2  }
0xb: {  	[smem:$0x3F76] =	sst s3  }
0xc: {  	[smem:$0x3F77] =	sst s4  }
0xd: {  	[smem:$0x3F78] =	sst s5  }
0xe: {  	[smem:$0x3F79] =	sst s6  }
0xf: {  	[smem:$0x3F7A] =	sst s7  }
0x10: {  	[smem:$0x3F7B] =	sst s8  }
0x11: {  	[smem:$0x3F7C] =	sst s9;
	s0 =	simm.s32 @!p0 $0x0  }
0x12: {  	s1 =	sld [smem:$0x3F62];
	s0 =	simm.s32 @p0 $0x1  }
0x13: {  	[smem:$0x3F7D] =	sst s0;
	s0 =	simm.s32 @!p1 $0x0  }
0x14: {  	s2 =	sld [smem:$0x3F61];
	s0 =	simm.s32 @p1 $0x1  }
0x15: {  	[smem:$0x3F7E] =	sst s0;
	s0 =	simm.s32 @!p2 $0x0  }
0x16: {  	s3 =	sld [smem:$0x3FDB];
	s0 =	simm.s32 @p2 $0x1  }
0x17: {  	s4 =	simm.s32 $0x1BF5;
	[smem:$0x3F80] =	sst s0  }
0x18: {  	s0 =	sld [smem:$0x3F63];
	_ =	swait.ge [sflag:s4], $0x0  }
0x19: {  	s7 =	sld [smem:$0x3F64]  }
0x1a: {  	s8 =	sadd.s32 $0xFFFFE003, lr  }
0x1b: {  	s9 =	sadd.s32 $0xFFFFFEF7, lr;
	s5 =	simm.s32 $0xFFFFFFFF;
	p2 =	slt.u32 s8, $0xFFFFF086  }
0x1c: {  	p1 =	slt.u32 s9, $0xF7A;
	s5 =	simm.s32 @!p2 $0x0  }
0x1d: {  	s5 =	simm.s32 @p1 $0x1;
	p0 =	seq.s32 s7, s2  }
0x1e: {  	s7 =	smul.u32 @!p0 $0xF7A, s2;
	p2 =	seq.s32 @!p0 s5, $0x0  }
0x1f: {  	s9 =	smul.u32 $0xF7A, s1;
	s8 =	simm.s32 @!p0 $0x1BF5;
	p2 =	por !p2, p0  }
0x20: {  	[sflag:s8] =	ssyncset.s32 @!p0 $0xFFFFF086;
	s6 =	sadd.s32 @!p0 s3, s7;
	s7 =	simm.s32 @!p0 $0x108  }
0x21: {  	s3 =	sadd.s32 s3, s9;
	s6 =	sadd.s32 @!p0 $0x88, s6;
	s7 =	simm.s32 @p2 $0x1082  }
0x22: {  	[simem:s7], [sflag:s8] =	dma.local @!p0 [hbm:s6], $0xF7A  }
0x23: {  	s9 =	sor.u32 $0xD0000000, s2;
	s6 =	simm.s32 $0x108;
	_ =	swait.ge @!p0 [sflag:s8], $0x0  }
0x24: {  	s3 =	sadd.s32 $0x88, s3;
	s6 =	simm.s32 @!p1 $0x1082;
	[sflag:s4] =	ssyncset.s32 $0xFFFFF086  }
0x25: {  	[simem:s6], [sflag:s4] =	dma.local [hbm:s3], $0xF7A  }
0x26: {  	[smem:$0x3F64] =	sst s1;
	(tag) =	ssettag s2;
	_ =	strace s9  }
0x27: {  	s1 =	sld [smem:$0x3F74]  }
0x28: {  	s2 =	sld [smem:$0x3F75]  }
0x29: {  	s4 =	sld [smem:$0x3F77]  }
0x2a: {  	p0 =	seq.s32 s5, $0x0;
	s5 =	sld [smem:$0x3F78]  }
0x2b: {  	s6 =	sld [smem:$0x3F79]  }
0x2c: {  	s7 =	sld [smem:$0x3F7A]  }
0x2d: {  	s3 =	simm.s32 $0x108;
	s8 =	sld [smem:$0x3F7B]  }
0x2e: {  	s3 =	simm.s32 @!p0 $0x1082;
	s9 =	sld [smem:$0x3F7C]  }
0x2f: {  	lr =	sadd.s32 s0, s3;
	s0 =	sld [smem:$0x3F73]  }
0x30: {  	s3 =	sld [smem:$0x3F76]  }
0x31: {  	[smem:$0x3F7F] =	sst s10  }
0x32: {  	s10 =	sld [smem:$0x3F7D];
	_ =	sdelay $0x3  }
0x33: {  	p0 =	seq.s32 s10, $0x1;
	s10 =	sld [smem:$0x3F7F];
	_ =	sdelay $0x3  }
0x34: {  	[smem:$0x3F7F] =	sst s10  }
0x35: {  	s10 =	sld [smem:$0x3F7E];
	_ =	sdelay $0x3  }
0x36: {  	p1 =	seq.s32 s10, $0x1;
	s10 =	sld [smem:$0x3F7F];
	_ =	sdelay $0x3  }
0x37: {  	[smem:$0x3F7F] =	sst s10  }
0x38: {  	s10 =	sld [smem:$0x3F80]  }
0x39: {  	_ = 	snop;
	(pc) =	sbr.ind lr, $3  }
0x3a: {  	_ = 	snop  }
0x3b: {  	_ = 	snop  }
0x3c: {  	p2 =	seq.s32 s10, $0x1;
	s10 =	sld [smem:$0x3F7F]  }
0x3d: {  	_ =	shalt  }
0x3e: {  	_ =	shalt  }
0x3f: {  	_ =	shalt  }
0x40: {  	_ =	shalt  }
0x41: {  	_ =	shalt  }
0x42: {  	_ =	shalt  }
0x43: {  	_ =	shalt  }
0x44: {  	_ =	shalt  }
0x45: {  	_ =	shalt  }
0x46: {  	_ =	shalt  }
0x47: {  	_ =	shalt  }
0x48: {  	_ =	shalt  }
0x49: {  	_ =	shalt  }
0x4a: {  	_ =	shalt  }
0x4b: {  	_ =	shalt  }
0x4c: {  	_ =	shalt  }
0x4d: {  	_ =	shalt  }
0x4e: {  	_ =	shalt  }
0x4f: {  	_ =	shalt  }
0x50: {  	_ =	shalt  }
0x51: {  	_ =	shalt  }
0x52: {  	_ =	shalt  }
0x53: {  	_ =	shalt  }
0x54: {  	_ =	shalt  }
0x55: {  	_ =	shalt  }
0x56: {  	_ =	shalt  }
0x57: {  	_ =	shalt  }
0x58: {  	_ =	shalt  }
0x59: {  	_ =	shalt  }
0x5a: {  	_ =	shalt  }
0x5b: {  	_ =	shalt  }
0x5c: {  	_ =	shalt  }
0x5d: {  	_ =	shalt  }
0x5e: {  	_ =	shalt  }
0x5f: {  	_ =	shalt  }
0x60: {  	_ =	shalt  }
0x61: {  	_ =	shalt  }
0x62: {  	_ =	shalt  }
0x63: {  	_ =	shalt  }
0x64: {  	_ =	shalt  }
0x65: {  	_ =	shalt  }
0x66: {  	_ =	shalt  }
0x67: {  	_ =	shalt  }
0x68: {  	_ =	shalt  }
0x69: {  	_ =	shalt  }
0x6a: {  	_ =	shalt  }
0x6b: {  	_ =	shalt  }
0x6c: {  	_ =	shalt  }
0x6d: {  	_ =	shalt  }
0x6e: {  	_ =	shalt  }
0x6f: {  	_ =	shalt  }
0x70: {  	_ =	shalt  }
0x71: {  	_ =	shalt  }
0x72: {  	_ =	shalt  }
0x73: {  	_ =	shalt  }
0x74: {  	_ =	shalt  }
0x75: {  	_ =	shalt  }
0x76: {  	_ =	shalt  }
0x77: {  	_ =	shalt  }
0x78: {  	_ =	shalt  }
0x79: {  	_ =	shalt  }
0x7a: {  	_ =	shalt  }
0x7b: {  	_ =	shalt  }
0x7c: {  	_ =	shalt  }
0x7d: {  	_ =	shalt  }
0x7e: {  	_ =	shalt  }
0x7f: {  	_ =	shalt  }
0x80: {  	_ =	shalt  }
0x81: {  	_ =	shalt  }
0x82: {  	_ =	shalt  }
0x83: {  	_ =	shalt  }
0x84: {  	_ =	shalt  }
0x85: {  	_ =	shalt  }
0x86: {  	_ =	shalt  }
0x87: {  	_ =	shalt  }
.Lfunc_end0:
.L_simem_size_0:
called_computation.1_lowered:
.L_overlay_start_0:
0x88: {  	s2 =	sld [smem:$0x3FD9]  }
0x89: {  	s3 =	sld [smem:$0x3FFE];
	_ =	sdelay $0x1  }
0x8a: {  	s1 =	srdreg.scid  }
0x8b: {  	s0 =	sand.u32 $0x1, s1  }
0x8c: {  	s16 =	sshll.u32 s0, $0xA;
	s2 =	sadd.s32 s3, s2  }
0x8d: {  	s2 =	sadd.s32 s2, s16  }
0x8e: {  	[smem:$0x3F8B] =	sst s2  }
0x8f: {  	_ = 	snop  }
0x90: {  	(tm) =	ssettm $0x1  }
0x91: {  	s17 =	sld [smem:$0x3FFB];
	_ =	sdelay $0x3  }
0x92: {  	_ =	strace s17  }
0x93: {  	s2 =	sld [smem:$0x3FFC];
	_ =	sdelay $0x3  }
0x94: {  	_ =	strace s2  }
0x95: {  	s2 =	sld [smem:$0x3FFD];
	_ =	sdelay $0x3  }
0x96: {  	_ =	strace s2  }
0x97: {  	_ =	strace $0x8FFFFFFF  }
0x98: {  	s18 =	sld [smem:$0x3FDB];
	_ =	sdelay $0x1  }
0x99: {  	s19 =	simm.s32 $_scs_section_size  }
0x9a: {  	s4 =	simm.s32 $_size__tile_overlayer_lowered;
	s5 =	simm.s32 $_tile_overlayer_lowered  }
0x9b: {  	s22 =	simm.s32 $0x1BFF;
	s21 =	sshll.u32 s5, $0x1;
	s2 =	sadd.s32 s19, s18  }
0x9c: {  	s6 =	simm.s32 $0x0;
	s20 =	sshll.u32 s4, $0x1;
	s4 =	sadd.s32 s21, s2  }
0x9d: {  	[timem:s6], [sflag:s22] =	dma.local [hbm:s4], s20  }
0x9e: {  	_ =	swait.ge [sflag:s22], s20  }
0x9f: {  	s3 =	ssub.s32 $0x0, s20;
	[sflag:s22] =	ssyncset.done $0x0  }
0xa0: {  	[sflag:s22] =	ssyncadd.s32 s3;
	_ =	sdelay $0x1  }
0xa1: {  	s23 =	simm.s32 $0x1B8B  }
0xa2: {  	_ =	swait.ge [sflag:s23], $0x1  }
0xa3: {  	[sflag:s23] =	ssyncset.done $0x0  }
0xa4: {  	s25 =	simm.s32 $0x1B8E;
	s24 =	sld [smem:$0x3FFE];
	[sflag:s23] =	ssyncadd.s32 $0xFFFFFFFF  }
0xa5: {  	s26 =	simm.s32 $execute0_lowered;
	[smem:$0x3FD2] =	sst s25  }
0xa6: {  	s4 =	sshll.u32 s26, $0x1;
	_ =	strace $0x80000049;
	[dreg:$0x1] =	wrdreg $0xFFFFFFFF  }
0xa7: {  	s28 =	simm.s32 $_size_execute0_lowered;
	s2 =	sadd.s32 s2, s4;
	[dreg:$0x0] =	wrdreg $0x0  }
0xa8: {  	s4 =	sshll.u32 s28, $0x1;
	[dreg:$0x2] =	wrdreg s2  }
0xa9: {  	[dreg:$0x3] =	wrdreg s4  }
0xaa: {  	[dreg:$0x4] =	wrdreg $0xC0  }
0xab: {  	_ =	task [dreg:s6], $0x5FFFF  }
0xac: {  	[dreg:$0x1] =	wrdreg $0xFFFFFFFF  }
0xad: {  	[dreg:$0x0] =	wrdreg $0x60  }
0xae: {  	[dreg:$0x2] =	wrdreg s24  }
0xaf: {  	[dreg:$0x3] =	wrdreg $0x6F400  }
0xb0: {  	[dreg:$0x4] =	wrdreg $0x9  }
0xb1: {  	_ =	task.clear_ibuf [dreg:s6], $0x5FFFF;
	_ =	strace $0x90000049  }
0xb2: {  	s29 =	simm.s32 $0x9;
	_ =	strace $0x8000004B  }
0xb3: {  	_ =	swait.ge [sflag:s29], $0x1  }
0xb4: {  	[sflag:s29] =	ssyncadd.s32 $0xFFFFFFFF  }
0xb5: {  	_ =	strace $0x9000004B  }
0xb6: {  	_ =	sfence  }
0xb7: {  	s30 =	sld [smem:$0x0];
	_ =	sdelay $0x2  }
0xb8: {  	s31 =	sshll.u32 s1, $0xD;
	s1 =	sshrl.u32 s1, $0x2  }
0xb9: {  	s3 =	sand.u32 $0x4000, s31;
	s1 =	sadd.s32 s1, s30  }
0xba: {  	s0 =	sor.u32 s3, s0;
	s1 =	sshll.u32 s1, $0x11  }
0xbb: {  	s0 =	sor.u32 s1, s0  }
0xbc: {  	s0 =	sadd.s32 $0x8F2B, s0  }
0xbd: {  	[sflag:s0] =	ssyncadd.remote.s32 $0x1  }
0xbe: {  	_ =	sfence.sel $0xFFFF  }
0xbf: {  	[dreg:$0x0] =	wrdreg $0xFFFFFFFF;
	(pc) =	sbr.abs _section_cstart, $3  }
0xc0: {  	[dreg:$0x1] =	wrdreg $0xFFFFFFFF  }
0xc1: {  	_ =	task.clear_ibuf [dreg:s6], $0x2FFFF;
	_ =	strace $0x9FFFFFFF  }
0xc2: {  	(tm) =	ssettm $0x7FFFFFFF  }
0xc3: {  	_ =	shalt  }
tec
execute0_lowered:
.L_overlay_start_1:
0x0: {  	(tag) =	ssettag $0x1  }
0x1: {  	s6 =	rddreg [dreg:$0x0]  }
0x2: {  	s0 =	srdreg.scid;
	s2 =	rddreg [dreg:$0x1]  }
0x3: {  	s3 =	simm.s32 $0x0;
	s14 =	simm.s32 $0x7D;
	s15 =	simm.s32 $0x5000  }
0x4: {  	s16 =	simm.s32 $0x80;
	s17 =	simm.s32 $0x5FA0;
	s18 =	simm.s32 $0x1  }
0x5: {  	s19 =	simm.s32 $0x2;
	s20 =	simm.s32 $0x4F00;
	s21 =	simm.s32 $0x4F80  }
0x6: {  	s22 =	simm.s32 $0x0;
	s5 =	sand.u32 $0x1, s0;
	s0 =	stileid.u32  }
0x7: {  	[smem:$0x7FF] =	sst s3;
	s4 =	sadd.s32 $0x7800, s6;
	s8 =	smul.u32 $0x4F00, s0  }
0x8: {  	s1 =	sshll.u32 s5, $0x4;
	s9 =	smul.u32 $0x4F000, s5;
	s10 =	ssub.s32 $0x2, s5  }
0x9: {  	s5 =	sadd.s32 $0x11600, s6;
	s12 =	sshll.u32 s0, $0x6;
	s1 =	sor.u32 s0, s1  }
0xa: {  	s11 =	sshrl.u32 s10, $0x1;
	s12 =	sor.u32 $0x1C03, s12;
	s7 =	smul.u32 $0x500, s1  }
0xb: {  	s1 =	rddreg [dreg:$0x2];
	_ =	strace $0x8000004A;
	s9 =	sadd.s32 s8, s9  }
0xc: {  	s10 =	ssub.s32 s10, s11;
	s13 =	sadd.s32 s8, s2;
	s11 =	simm.s32 $0x2800  }
0xd: {  	s9 =	sshrl.u32 s9, $0x3;
	s13 =	sshrl.u32 s13, $0x3;
	s7 =	sadd.s32 s7, s6  }
0xe: {  	s9 =	sadd.s32 s9, s6;
	s6 =	sadd.s32 $0x75600, s7;
	s7 =	sadd.s32 $0x7F600, s7  }
0xf: {  	s8 =	sadd.s32 $0x12000, s9;
	s9 =	smax.u32 s10, $0x1;
	s10 =	simm.s32 $0x3  }
.LBB2_1:
0x10: {  	[tilespmem:s3], [sflag:$0x3] =	stream.linear.gather [hbm4b:s6+s3], $0x2800, $0x38;
	[tilespmem:$0xBE40] =	vst v63  }
0x11: {  	_ =	swait.ge [sflag:s10], $0x2800  }
0x12: {  	[sflag:s10] =	ssyncset.done $0x0  }
0x13: {  	[sflag:s10] =	ssyncadd.s32 $0xFFFFD800  }
0x14: {  	[tilespmem:s11], [sflag:$0x3] =	stream.linear.gather [hbm4b:s7+s3], $0x2800, $0x38;
	[tilespmem:$0xBE40] =	vst v63  }
0x15: {  	_ =	swait.ge [sflag:s10], $0x2800  }
0x16: {  	[sflag:s10] =	ssyncset.done $0x0  }
0x17: {  	[sflag:s10] =	ssyncadd.s32 $0xFFFFD800  }
0x18: {  	[spmem:s13], [sflag:s12] =	dma.local [hbm:s5], $0x9E0  }
0x19: {  	_ =	swait.ge [sflag:s10], $0x9E0  }
0x1a: {  	[sflag:s10] =	ssyncset.done $0x0  }
0x1b: {  	[sflag:s10] =	ssyncadd.s32 $0xFFFFF620  }
0x1c: {  	[bflag:$0x0] =	sbarrier.arrive $0xFFFF  }
0x1d: {  	[tilespmem:s15], [sflag:$0x1] =	stream.indirect.gather [hbm4b:s4+s14], $0x20, s3, s14, $0xb8;
	[tilespmem:$0xBE40] =	vst v63  }
0x1e: {  	_ = 	snop  }
0x1f: {  	[tilespmem:s17], [sflag:$0x2] =	stream.indirect.gather [hbm4b:s4+s14], $0x20, s16, s14, $0xb8;
	[tilespmem:$0xBE40] =	vst v63  }
0x20: {  	_ =	swait.ge [sflag:s18], $0xFA0  }
0x21: {  	[sflag:s18] =	ssyncset.done $0x0  }
0x22: {  	s23 =	simm.s32 $0x2800;
	[sflag:s18] =	ssyncadd.s32 $0xFFFFF060  }
0x23: {  	[spmem:s2] =	stream.indirect.scatter.add.f32 [tilespmem:s15], [sflag:$0x3], $0x20, s23, s14, $0xb8;
	[tilespmem:$0xBE40] =	vst v63  }
0x24: {  	_ =	swait.ge [sflag:s10], $0xFA0  }
0x25: {  	[sflag:s10] =	ssyncset.done $0x0  }
0x26: {  	s30 =	simm.s32 $0x100;
	[sflag:s10] =	ssyncadd.s32 $0xFFFFF060  }
0x27: {  	[tilespmem:s15], [sflag:$0x1] =	stream.indirect.gather [hbm4b:s4+s14], $0x20, s30, s14, $0xb8;
	[tilespmem:$0xBE40] =	vst v63  }
0x28: {  	_ =	swait.ge [sflag:s19], $0xFA0  }
0x29: {  	[sflag:s19] =	ssyncset.done $0x0  }
0x2a: {  	s31 =	simm.s32 $0x2880;
	[sflag:s19] =	ssyncadd.s32 $0xFFFFF060  }
0x2b: {  	[spmem:s2] =	stream.indirect.scatter.add.f32 [tilespmem:s17], [sflag:$0x3], $0x20, s31, s14, $0xb8;
	[tilespmem:$0xBE40] =	vst v63  }
0x2c: {  	_ =	swait.ge [sflag:s10], $0xFA0  }
0x2d: {  	[sflag:s10] =	ssyncset.done $0x0  }
0x2e: {  	s24 =	simm.s32 $0x180;
	s23 =	simm.s32 $0x400;
	[sflag:s10] =	ssyncadd.s32 $0xFFFFF060  }
.LBB2_2:
0x2f: {  	[tilespmem:s17], [sflag:$0x2] =	stream.indirect.gather [hbm4b:s4+s14], $0x20, s24, s14, $0xb8;
	[tilespmem:$0xBE40] =	vst v63  }
0x30: {  	s24 =	smov.u32 s23  }
0x31: {  	p0 =	sne.s32 s23, $0x9800;
	s23 =	sadd.s32 $0x400, s23;
	_ =	swait.ge [sflag:s18], $0xFA0  }
0x32: {  	s24 =	sshra.s32 s24, $0x2;
	[sflag:s18] =	ssyncset.done $0x0  }
0x33: {  	s25 =	sadd.s32 $0x2800, s24;
	[sflag:s18] =	ssyncadd.s32 $0xFFFFF060  }
0x34: {  	[spmem:s2] =	stream.indirect.scatter.add.f32 [tilespmem:s15], [sflag:$0x3], $0x20, s25, s14, $0xb8;
	[tilespmem:$0xBE40] =	vst v63  }
0x35: {  	_ =	swait.ge [sflag:s10], $0xFA0  }
0x36: {  	[sflag:s10] =	ssyncset.done $0x0  }
0x37: {  	s25 =	sadd.s32 $0x100, s24;
	[sflag:s10] =	ssyncadd.s32 $0xFFFFF060  }
0x38: {  	[tilespmem:s15], [sflag:$0x1] =	stream.indirect.gather [hbm4b:s4+s14], $0x20, s25, s14, $0xb8;
	[tilespmem:$0xBE40] =	vst v63  }
0x39: {  	_ =	swait.ge [sflag:s19], $0xFA0  }
0x3a: {  	[sflag:s19] =	ssyncset.done $0x0  }
.Ltmp0:
0x3b: {  	s25 =	sadd.s32 $0x2880, s24;
	[sflag:s19] =	ssyncadd.s32 $0xFFFFF060;
	(pc) =	sbr.rel @p0 .LBB2_2-.Ltmp0, $4  }
0x3c: {  	[spmem:s2] =	stream.indirect.scatter.add.f32 [tilespmem:s17], [sflag:$0x3], $0x20, s25, s14, $0xb8;
	[tilespmem:$0xBE40] =	vst v63  }
0x3d: {  	_ =	swait.ge [sflag:s10], $0xFA0  }
0x3e: {  	[sflag:s10] =	ssyncset.done $0x0  }
0x3f: {  	s24 =	sadd.s32 $0x180, s24;
	[sflag:s10] =	ssyncadd.s32 $0xFFFFF060  }
0x40: {  	[tilespmem:s17], [sflag:$0x2] =	stream.indirect.gather [hbm4b:s4+s14], $0x20, s24, s14, $0xb8;
	[tilespmem:$0xBE40] =	vst v63  }
0x41: {  	_ =	swait.ge [sflag:s18], $0xFA0  }
0x42: {  	[sflag:s18] =	ssyncset.done $0x0  }
0x43: {  	[sflag:s18] =	ssyncadd.s32 $0xFFFFF060  }
0x44: {  	[spmem:s2] =	stream.indirect.scatter.add.f32 [tilespmem:s15], [sflag:$0x3], $0x20, s20, s14, $0xb8;
	[tilespmem:$0xBE40] =	vst v63  }
0x45: {  	_ =	swait.ge [sflag:s10], $0xFA0  }
0x46: {  	[sflag:s10] =	ssyncset.done $0x0  }
0x47: {  	[sflag:s10] =	ssyncadd.s32 $0xFFFFF060  }
0x48: {  	_ =	swait.ge [sflag:s19], $0xFA0  }
0x49: {  	[sflag:s19] =	ssyncset.done $0x0  }
0x4a: {  	[sflag:s19] =	ssyncadd.s32 $0xFFFFF060  }
0x4b: {  	[spmem:s2] =	stream.indirect.scatter.add.f32 [tilespmem:s17], [sflag:$0x3], $0x20, s21, s14, $0xb8;
	[tilespmem:$0xBE40] =	vst v63  }
0x4c: {  	_ =	swait.ge [sflag:s10], $0xFA0  }
0x4d: {  	s22 =	sadd.s32 $0x1, s22;
	[sflag:s10] =	ssyncset.done $0x0  }
0x4e: {  	p0 =	sne.s32 s22, s9;
	[sflag:s10] =	ssyncadd.s32 $0xFFFFF060  }
.Ltmp1:
0x4f: {  	[bflag:$0x0] =	sbarrier.arrive $0xFFFF;
	(pc) =	sbr.rel @p0 .LBB2_1-.Ltmp1, $4  }
0x50: {  	[hbm:s8], [sflag:s12] =	dma.local [spmem:s13], $0x9E0  }
0x51: {  	_ =	swait.ge [sflag:s10], $0x9E0  }
0x52: {  	[sflag:s10] =	ssyncset.done $0x0  }
0x53: {  	[sflag:s10] =	ssyncadd.s32 $0xFFFFF620  }
0x54: {  	_ =	sfence.sel $0x180000  }
0x55: {  	[bflag:$0x0] =	sbarrier.arrive $0xFFFF  }
0x56: {  	p0 =	sne.s32 s0, $0x0;
	_ =	strace $0x9000004A  }
0x57: {  	s0 =	sadd.s32 @!p0 $0x100000, s1;
	[bflag:$0x2] =	sbarrier.arrive $0xFFFF  }
0x58: {  	[sflag:s0] =	ssyncadd.tile.s32 @!p0 $0x1;
	_ =	shalt  }
.Lfunc_end2:
_tile_overlayer_lowered:
.L_overlay_start_2:
0x59: {  	(tag) =	ssettag $0x2  }
0x5a: {  	s0 =	rddreg [dreg:$0x0];
	s2 =	stileid.u32  }
0x5b: {  	s1 =	rddreg [dreg:$0x1];
	p0 =	sne.s32 s2, $0x0  }
0x5c: {  	s3 =	rddreg [dreg:$0x2];
	[bflag:$0x3] =	sbarrier.arrive $0xFFFF;
	s2 =	simm.s32 @!p0 $0x1C03  }
0x5d: {  	[timem:s3], [sflag:s2] =	dma.local @!p0 [hbm:s0], s1  }
0x5e: {  	s0 =	simm.s32 @!p0 $0x3  }
0x5f: {  	_ =	swait.ge @!p0 [sflag:s0], s1  }
0x60: {  	s1 =	ssub.s32 @!p0 $0x0, s1;
	[sflag:s0] =	ssyncset.done @!p0 $0x0  }
0x61: {  	[sflag:s0] =	ssyncadd.s32 @!p0 s1  }
0x62: {  	[bflag:$0x3] =	sbarrier.arrive $0xFFFF  }
0x63: {  	_ =	shalt  }

// kernel: kernel.16.cloned.1.call-start
scs
__scs_entry_jumppad:
0x0: {  	(pc) =	sbr.rel $0x88, $3  }
0x1: {  	(tag) =	ssettag $0x0;
	lr =	simm.s32 $0x1  }
0x2: {  	[smem:$0x3F64] =	sst lr;
	_ =	strace $0xD0000000  }
0x3: {  	_ = 	snop  }
0x4: {  	_ = 	snop  }
0x5: {  	_ = 	snop  }
0x6: {  	_ = 	snop  }
0x7: {  	_ = 	snop  }
__scs_overlays_trampoline_lowered:
0x8: {  	[smem:$0x3F73] =	sst s0  }
0x9: {  	[smem:$0x3F74] =	sst s1  }
0xa: {  	[smem:$0x3F75] =	sst s2  }
0xb: {  	[smem:$0x3F76] =	sst s3  }
0xc: {  	[smem:$0x3F77] =	sst s4  }
0xd: {  	[smem:$0x3F78] =	sst s5  }
0xe: {  	[smem:$0x3F79] =	sst s6  }
0xf: {  	[smem:$0x3F7A] =	sst s7  }
0x10: {  	[smem:$0x3F7B] =	sst s8  }
0x11: {  	[smem:$0x3F7C] =	sst s9;
	s0 =	simm.s32 @!p0 $0x0  }
0x12: {  	s1 =	sld [smem:$0x3F62];
	s0 =	simm.s32 @p0 $0x1  }
0x13: {  	[smem:$0x3F7D] =	sst s0;
	s0 =	simm.s32 @!p1 $0x0  }
0x14: {  	s2 =	sld [smem:$0x3F61];
	s0 =	simm.s32 @p1 $0x1  }
0x15: {  	[smem:$0x3F7E] =	sst s0;
	s0 =	simm.s32 @!p2 $0x0  }
0x16: {  	s3 =	sld [smem:$0x3FDB];
	s0 =	simm.s32 @p2 $0x1  }
0x17: {  	s4 =	simm.s32 $0x1BF5;
	[smem:$0x3F80] =	sst s0  }
0x18: {  	s0 =	sld [smem:$0x3F63];
	_ =	swait.ge [sflag:s4], $0x0  }
0x19: {  	s7 =	sld [smem:$0x3F64]  }
0x1a: {  	s8 =	sadd.s32 $0xFFFFE003, lr  }
0x1b: {  	s9 =	sadd.s32 $0xFFFFFEF7, lr;
	s5 =	simm.s32 $0xFFFFFFFF;
	p2 =	slt.u32 s8, $0xFFFFF086  }
0x1c: {  	p1 =	slt.u32 s9, $0xF7A;
	s5 =	simm.s32 @!p2 $0x0  }
0x1d: {  	s5 =	simm.s32 @p1 $0x1;
	p0 =	seq.s32 s7, s2  }
0x1e: {  	s7 =	smul.u32 @!p0 $0xF7A, s2;
	p2 =	seq.s32 @!p0 s5, $0x0  }
0x1f: {  	s9 =	smul.u32 $0xF7A, s1;
	s8 =	simm.s32 @!p0 $0x1BF5;
	p2 =	por !p2, p0  }
0x20: {  	[sflag:s8] =	ssyncset.s32 @!p0 $0xFFFFF086;
	s6 =	sadd.s32 @!p0 s3, s7;
	s7 =	simm.s32 @!p0 $0x108  }
0x21: {  	s3 =	sadd.s32 s3, s9;
	s6 =	sadd.s32 @!p0 $0x88, s6;
	s7 =	simm.s32 @p2 $0x1082  }
0x22: {  	[simem:s7], [sflag:s8] =	dma.local @!p0 [hbm:s6], $0xF7A  }
0x23: {  	s9 =	sor.u32 $0xD0000000, s2;
	s6 =	simm.s32 $0x108;
	_ =	swait.ge @!p0 [sflag:s8], $0x0  }
0x24: {  	s3 =	sadd.s32 $0x88, s3;
	s6 =	simm.s32 @!p1 $0x1082;
	[sflag:s4] =	ssyncset.s32 $0xFFFFF086  }
0x25: {  	[simem:s6], [sflag:s4] =	dma.local [hbm:s3], $0xF7A  }
0x26: {  	[smem:$0x3F64] =	sst s1;
	(tag) =	ssettag s2;
	_ =	strace s9  }
0x27: {  	s1 =	sld [smem:$0x3F74]  }
0x28: {  	s2 =	sld [smem:$0x3F75]  }
0x29: {  	s4 =	sld [smem:$0x3F77]  }
0x2a: {  	p0 =	seq.s32 s5, $0x0;
	s5 =	sld [smem:$0x3F78]  }
0x2b: {  	s6 =	sld [smem:$0x3F79]  }
0x2c: {  	s7 =	sld [smem:$0x3F7A]  }
0x2d: {  	s3 =	simm.s32 $0x108;
	s8 =	sld [smem:$0x3F7B]  }
0x2e: {  	s3 =	simm.s32 @!p0 $0x1082;
	s9 =	sld [smem:$0x3F7C]  }
0x2f: {  	lr =	sadd.s32 s0, s3;
	s0 =	sld [smem:$0x3F73]  }
0x30: {  	s3 =	sld [smem:$0x3F76]  }
0x31: {  	[smem:$0x3F7F] =	sst s10  }
0x32: {  	s10 =	sld [smem:$0x3F7D];
	_ =	sdelay $0x3  }
0x33: {  	p0 =	seq.s32 s10, $0x1;
	s10 =	sld [smem:$0x3F7F];
	_ =	sdelay $0x3  }
0x34: {  	[smem:$0x3F7F] =	sst s10  }
0x35: {  	s10 =	sld [smem:$0x3F7E];
	_ =	sdelay $0x3  }
0x36: {  	p1 =	seq.s32 s10, $0x1;
	s10 =	sld [smem:$0x3F7F];
	_ =	sdelay $0x3  }
0x37: {  	[smem:$0x3F7F] =	sst s10  }
0x38: {  	s10 =	sld [smem:$0x3F80]  }
0x39: {  	_ = 	snop;
	(pc) =	sbr.ind lr, $3  }
0x3a: {  	_ = 	snop  }
0x3b: {  	_ = 	snop  }
0x3c: {  	p2 =	seq.s32 s10, $0x1;
	s10 =	sld [smem:$0x3F7F]  }
0x3d: {  	_ =	shalt  }
0x3e: {  	_ =	shalt  }
0x3f: {  	_ =	shalt  }
0x40: {  	_ =	shalt  }
0x41: {  	_ =	shalt  }
0x42: {  	_ =	shalt  }
0x43: {  	_ =	shalt  }
0x44: {  	_ =	shalt  }
0x45: {  	_ =	shalt  }
0x46: {  	_ =	shalt  }
0x47: {  	_ =	shalt  }
0x48: {  	_ =	shalt  }
0x49: {  	_ =	shalt  }
0x4a: {  	_ =	shalt  }
0x4b: {  	_ =	shalt  }
0x4c: {  	_ =	shalt  }
0x4d: {  	_ =	shalt  }
0x4e: {  	_ =	shalt  }
0x4f: {  	_ =	shalt  }
0x50: {  	_ =	shalt  }
0x51: {  	_ =	shalt  }
0x52: {  	_ =	shalt  }
0x53: {  	_ =	shalt  }
0x54: {  	_ =	shalt  }
0x55: {  	_ =	shalt  }
0x56: {  	_ =	shalt  }
0x57: {  	_ =	shalt  }
0x58: {  	_ =	shalt  }
0x59: {  	_ =	shalt  }
0x5a: {  	_ =	shalt  }
0x5b: {  	_ =	shalt  }
0x5c: {  	_ =	shalt  }
0x5d: {  	_ =	shalt  }
0x5e: {  	_ =	shalt  }
0x5f: {  	_ =	shalt  }
0x60: {  	_ =	shalt  }
0x61: {  	_ =	shalt  }
0x62: {  	_ =	shalt  }
0x63: {  	_ =	shalt  }
0x64: {  	_ =	shalt  }
0x65: {  	_ =	shalt  }
0x66: {  	_ =	shalt  }
0x67: {  	_ =	shalt  }
0x68: {  	_ =	shalt  }
0x69: {  	_ =	shalt  }
0x6a: {  	_ =	shalt  }
0x6b: {  	_ =	shalt  }
0x6c: {  	_ =	shalt  }
0x6d: {  	_ =	shalt  }
0x6e: {  	_ =	shalt  }
0x6f: {  	_ =	shalt  }
0x70: {  	_ =	shalt  }
0x71: {  	_ =	shalt  }
0x72: {  	_ =	shalt  }
0x73: {  	_ =	shalt  }
0x74: {  	_ =	shalt  }
0x75: {  	_ =	shalt  }
0x76: {  	_ =	shalt  }
0x77: {  	_ =	shalt  }
0x78: {  	_ =	shalt  }
0x79: {  	_ =	shalt  }
0x7a: {  	_ =	shalt  }
0x7b: {  	_ =	shalt  }
0x7c: {  	_ =	shalt  }
0x7d: {  	_ =	shalt  }
0x7e: {  	_ =	shalt  }
0x7f: {  	_ =	shalt  }
0x80: {  	_ =	shalt  }
0x81: {  	_ =	shalt  }
0x82: {  	_ =	shalt  }
0x83: {  	_ =	shalt  }
0x84: {  	_ =	shalt  }
0x85: {  	_ =	shalt  }
0x86: {  	_ =	shalt  }
0x87: {  	_ =	shalt  }
.Lfunc_end0:
.L_simem_size_0:
called_computation.2_lowered:
.L_overlay_start_0:
0x88: {  	s2 =	sld [smem:$0x3FD9]  }
0x89: {  	s3 =	sld [smem:$0x3FFE];
	_ =	sdelay $0x1  }
0x8a: {  	s1 =	srdreg.scid  }
0x8b: {  	s0 =	sand.u32 $0x1, s1  }
0x8c: {  	s16 =	sshll.u32 s0, $0xA;
	s2 =	sadd.s32 s3, s2  }
0x8d: {  	s2 =	sadd.s32 s2, s16  }
0x8e: {  	[smem:$0x3F8B] =	sst s2  }
0x8f: {  	_ = 	snop  }
0x90: {  	(tm) =	ssettm $0x1  }
0x91: {  	s17 =	sld [smem:$0x3FFB];
	_ =	sdelay $0x3  }
0x92: {  	_ =	strace s17  }
0x93: {  	s2 =	sld [smem:$0x3FFC];
	_ =	sdelay $0x3  }
0x94: {  	_ =	strace s2  }
0x95: {  	s2 =	sld [smem:$0x3FFD];
	_ =	sdelay $0x3  }
0x96: {  	_ =	strace s2  }
0x97: {  	_ =	strace $0x8FFFFFFF  }
0x98: {  	s18 =	sld [smem:$0x3FDB];
	_ =	sdelay $0x1  }
0x99: {  	s19 =	simm.s32 $_scs_section_size  }
0x9a: {  	s4 =	simm.s32 $_size__tile_overlayer_lowered;
	s5 =	simm.s32 $_tile_overlayer_lowered  }
0x9b: {  	s22 =	simm.s32 $0x1BFF;
	s21 =	sshll.u32 s5, $0x1;
	s2 =	sadd.s32 s19, s18  }
0x9c: {  	s6 =	simm.s32 $0x0;
	s20 =	sshll.u32 s4, $0x1;
	s4 =	sadd.s32 s21, s2  }
0x9d: {  	[timem:s6], [sflag:s22] =	dma.local [hbm:s4], s20  }
0x9e: {  	_ =	swait.ge [sflag:s22], s20  }
0x9f: {  	s3 =	ssub.s32 $0x0, s20;
	[sflag:s22] =	ssyncset.done $0x0  }
0xa0: {  	[sflag:s22] =	ssyncadd.s32 s3;
	_ =	sdelay $0x1  }
0xa1: {  	s23 =	simm.s32 $0x1B8B  }
0xa2: {  	_ =	swait.ge [sflag:s23], $0x1  }
0xa3: {  	[sflag:s23] =	ssyncset.done $0x0  }
0xa4: {  	s25 =	simm.s32 $0x1B8E;
	s24 =	sld [smem:$0x3FFE];
	[sflag:s23] =	ssyncadd.s32 $0xFFFFFFFF  }
0xa5: {  	s26 =	simm.s32 $execute0_lowered;
	[smem:$0x3FD2] =	sst s25  }
0xa6: {  	s4 =	sshll.u32 s26, $0x1;
	_ =	strace $0x8000004C;
	[dreg:$0x1] =	wrdreg $0xFFFFFFFF  }
0xa7: {  	s28 =	simm.s32 $_size_execute0_lowered;
	s2 =	sadd.s32 s2, s4;
	[dreg:$0x0] =	wrdreg $0x0  }
0xa8: {  	s4 =	sshll.u32 s28, $0x1;
	[dreg:$0x2] =	wrdreg s2  }
0xa9: {  	[dreg:$0x3] =	wrdreg s4  }
0xaa: {  	[dreg:$0x4] =	wrdreg $0xC0  }
0xab: {  	_ =	task [dreg:s6], $0x5FFFF  }
0xac: {  	[dreg:$0x1] =	wrdreg $0xFFFFFFFF  }
0xad: {  	[dreg:$0x0] =	wrdreg $0x60  }
0xae: {  	[dreg:$0x2] =	wrdreg s24  }
0xaf: {  	[dreg:$0x3] =	wrdreg $0x6F400  }
0xb0: {  	[dreg:$0x4] =	wrdreg $0x9  }
0xb1: {  	_ =	task.clear_ibuf [dreg:s6], $0x5FFFF;
	_ =	strace $0x9000004C  }
0xb2: {  	s29 =	simm.s32 $0x9;
	_ =	strace $0x8000004E  }
0xb3: {  	_ =	swait.ge [sflag:s29], $0x1  }
0xb4: {  	[sflag:s29] =	ssyncadd.s32 $0xFFFFFFFF  }
0xb5: {  	_ =	strace $0x9000004E  }
0xb6: {  	_ =	sfence  }
0xb7: {  	s30 =	sld [smem:$0x0];
	_ =	sdelay $0x2  }
0xb8: {  	s31 =	sshll.u32 s1, $0xD;
	s1 =	sshrl.u32 s1, $0x2  }
0xb9: {  	s3 =	sand.u32 $0x4000, s31;
	s1 =	sadd.s32 s1, s30  }
0xba: {  	s0 =	sor.u32 s3, s0;
	s1 =	sshll.u32 s1, $0x11  }
0xbb: {  	s0 =	sor.u32 s1, s0  }
0xbc: {  	s0 =	sadd.s32 $0x8F2B, s0  }
0xbd: {  	[sflag:s0] =	ssyncadd.remote.s32 $0x1  }
0xbe: {  	_ =	sfence.sel $0xFFFF  }
0xbf: {  	[dreg:$0x0] =	wrdreg $0xFFFFFFFF;
	(pc) =	sbr.abs _section_cstart, $3  }
0xc0: {  	[dreg:$0x1] =	wrdreg $0xFFFFFFFF  }
0xc1: {  	_ =	task.clear_ibuf [dreg:s6], $0x2FFFF;
	_ =	strace $0x9FFFFFFF  }
0xc2: {  	(tm) =	ssettm $0x7FFFFFFF  }
0xc3: {  	_ =	shalt  }
tec
execute0_lowered:
.L_overlay_start_1:
0x0: {  	(tag) =	ssettag $0x1  }
0x1: {  	s6 =	rddreg [dreg:$0x0]  }
0x2: {  	s0 =	srdreg.scid;
	s2 =	rddreg [dreg:$0x1]  }
0x3: {  	s3 =	simm.s32 $0x0;
	s14 =	simm.s32 $0x7D;
	s15 =	simm.s32 $0x5000  }
0x4: {  	s16 =	simm.s32 $0x80;
	s17 =	simm.s32 $0x5FA0;
	s18 =	simm.s32 $0x1  }
0x5: {  	s19 =	simm.s32 $0x2;
	s20 =	simm.s32 $0x4F00;
	s21 =	simm.s32 $0x4F80  }
0x6: {  	s22 =	simm.s32 $0x0;
	s5 =	sand.u32 $0x1, s0;
	s0 =	stileid.u32  }
0x7: {  	[smem:$0x7FF] =	sst s3;
	s4 =	sadd.s32 $0x7800, s6;
	s8 =	smul.u32 $0x4F00, s0  }
0x8: {  	s1 =	sshll.u32 s5, $0x4;
	s9 =	smul.u32 $0x4F000, s5;
	s10 =	ssub.s32 $0x2, s5  }
0x9: {  	s5 =	sadd.s32 $0x11600, s6;
	s12 =	sshll.u32 s0, $0x6;
	s1 =	sor.u32 s0, s1  }
0xa: {  	s11 =	sshrl.u32 s10, $0x1;
	s12 =	sor.u32 $0x1C03, s12;
	s7 =	smul.u32 $0x500, s1  }
0xb: {  	s1 =	rddreg [dreg:$0x2];
	_ =	strace $0x8000004D;
	s9 =	sadd.s32 s8, s9  }
0xc: {  	s10 =	ssub.s32 s10, s11;
	s13 =	sadd.s32 s8, s2;
	s11 =	simm.s32 $0x2800  }
0xd: {  	s9 =	sshrl.u32 s9, $0x3;
	s13 =	sshrl.u32 s13, $0x3;
	s7 =	sadd.s32 s7, s6  }
0xe: {  	s9 =	sadd.s32 s9, s6;
	s6 =	sadd.s32 $0x75600, s7;
	s7 =	sadd.s32 $0x7F600, s7  }
0xf: {  	s8 =	sadd.s32 $0x12000, s9;
	s9 =	smax.u32 s10, $0x1;
	s10 =	simm.s32 $0x3  }
.LBB2_1:
0x10: {  	[tilespmem:s3], [sflag:$0x3] =	stream.linear.gather [hbm4b:s6+s3], $0x2800, $0x38;
	[tilespmem:$0xBE40] =	vst v63  }
0x11: {  	_ =	swait.ge [sflag:s10], $0x2800  }
0x12: {  	[sflag:s10] =	ssyncset.done $0x0  }
0x13: {  	[sflag:s10] =	ssyncadd.s32 $0xFFFFD800  }
0x14: {  	[tilespmem:s11], [sflag:$0x3] =	stream.linear.gather [hbm4b:s7+s3], $0x2800, $0x38;
	[tilespmem:$0xBE40] =	vst v63  }
0x15: {  	_ =	swait.ge [sflag:s10], $0x2800  }
0x16: {  	[sflag:s10] =	ssyncset.done $0x0  }
0x17: {  	[sflag:s10] =	ssyncadd.s32 $0xFFFFD800  }
0x18: {  	[spmem:s13], [sflag:s12] =	dma.local [hbm:s5], $0x9E0  }
0x19: {  	_ =	swait.ge [sflag:s10], $0x9E0  }
0x1a: {  	[sflag:s10] =	ssyncset.done $0x0  }
0x1b: {  	[sflag:s10] =	ssyncadd.s32 $0xFFFFF620  }
0x1c: {  	[bflag:$0x0] =	sbarrier.arrive $0xFFFF  }
0x1d: {  	[tilespmem:s15], [sflag:$0x1] =	stream.indirect.gather [hbm4b:s4+s14], $0x20, s3, s14, $0xb8;
	[tilespmem:$0xBE40] =	vst v63  }
0x1e: {  	_ = 	snop  }
0x1f: {  	[tilespmem:s17], [sflag:$0x2] =	stream.indirect.gather [hbm4b:s4+s14], $0x20, s16, s14, $0xb8;
	[tilespmem:$0xBE40] =	vst v63  }
0x20: {  	_ =	swait.ge [sflag:s18], $0xFA0  }
0x21: {  	[sflag:s18] =	ssyncset.done $0x0  }
0x22: {  	s23 =	simm.s32 $0x2800;
	[sflag:s18] =	ssyncadd.s32 $0xFFFFF060  }
0x23: {  	[spmem:s2] =	stream.indirect.scatter.add.f32 [tilespmem:s15], [sflag:$0x3], $0x20, s23, s14, $0xb8;
	[tilespmem:$0xBE40] =	vst v63  }
0x24: {  	_ =	swait.ge [sflag:s10], $0xFA0  }
0x25: {  	[sflag:s10] =	ssyncset.done $0x0  }
0x26: {  	s30 =	simm.s32 $0x100;
	[sflag:s10] =	ssyncadd.s32 $0xFFFFF060  }
0x27: {  	[tilespmem:s15], [sflag:$0x1] =	stream.indirect.gather [hbm4b:s4+s14], $0x20, s30, s14, $0xb8;
	[tilespmem:$0xBE40] =	vst v63  }
0x28: {  	_ =	swait.ge [sflag:s19], $0xFA0  }
0x29: {  	[sflag:s19] =	ssyncset.done $0x0  }
0x2a: {  	s31 =	simm.s32 $0x2880;
	[sflag:s19] =	ssyncadd.s32 $0xFFFFF060  }
0x2b: {  	[spmem:s2] =	stream.indirect.scatter.add.f32 [tilespmem:s17], [sflag:$0x3], $0x20, s31, s14, $0xb8;
	[tilespmem:$0xBE40] =	vst v63  }
0x2c: {  	_ =	swait.ge [sflag:s10], $0xFA0  }
0x2d: {  	[sflag:s10] =	ssyncset.done $0x0  }
0x2e: {  	s24 =	simm.s32 $0x180;
	s23 =	simm.s32 $0x400;
	[sflag:s10] =	ssyncadd.s32 $0xFFFFF060  }
.LBB2_2:
0x2f: {  	[tilespmem:s17], [sflag:$0x2] =	stream.indirect.gather [hbm4b:s4+s14], $0x20, s24, s14, $0xb8;
	[tilespmem:$0xBE40] =	vst v63  }
0x30: {  	s24 =	smov.u32 s23  }
0x31: {  	p0 =	sne.s32 s23, $0x9800;
	s23 =	sadd.s32 $0x400, s23;
	_ =	swait.ge [sflag:s18], $0xFA0  }
0x32: {  	s24 =	sshra.s32 s24, $0x2;
	[sflag:s18] =	ssyncset.done $0x0  }
0x33: {  	s25 =	sadd.s32 $0x2800, s24;
	[sflag:s18] =	ssyncadd.s32 $0xFFFFF060  }
0x34: {  	[spmem:s2] =	stream.indirect.scatter.add.f32 [tilespmem:s15], [sflag:$0x3], $0x20, s25, s14, $0xb8;
	[tilespmem:$0xBE40] =	vst v63  }
0x35: {  	_ =	swait.ge [sflag:s10], $0xFA0  }
0x36: {  	[sflag:s10] =	ssyncset.done $0x0  }
0x37: {  	s25 =	sadd.s32 $0x100, s24;
	[sflag:s10] =	ssyncadd.s32 $0xFFFFF060  }
0x38: {  	[tilespmem:s15], [sflag:$0x1] =	stream.indirect.gather [hbm4b:s4+s14], $0x20, s25, s14, $0xb8;
	[tilespmem:$0xBE40] =	vst v63  }
0x39: {  	_ =	swait.ge [sflag:s19], $0xFA0  }
0x3a: {  	[sflag:s19] =	ssyncset.done $0x0  }
.Ltmp0:
0x3b: {  	s25 =	sadd.s32 $0x2880, s24;
	[sflag:s19] =	ssyncadd.s32 $0xFFFFF060;
	(pc) =	sbr.rel @p0 .LBB2_2-.Ltmp0, $4  }
0x3c: {  	[spmem:s2] =	stream.indirect.scatter.add.f32 [tilespmem:s17], [sflag:$0x3], $0x20, s25, s14, $0xb8;
	[tilespmem:$0xBE40] =	vst v63  }
0x3d: {  	_ =	swait.ge [sflag:s10], $0xFA0  }
0x3e: {  	[sflag:s10] =	ssyncset.done $0x0  }
0x3f: {  	s24 =	sadd.s32 $0x180, s24;
	[sflag:s10] =	ssyncadd.s32 $0xFFFFF060  }
0x40: {  	[tilespmem:s17], [sflag:$0x2] =	stream.indirect.gather [hbm4b:s4+s14], $0x20, s24, s14, $0xb8;
	[tilespmem:$0xBE40] =	vst v63  }
0x41: {  	_ =	swait.ge [sflag:s18], $0xFA0  }
0x42: {  	[sflag:s18] =	ssyncset.done $0x0  }
0x43: {  	[sflag:s18] =	ssyncadd.s32 $0xFFFFF060  }
0x44: {  	[spmem:s2] =	stream.indirect.scatter.add.f32 [tilespmem:s15], [sflag:$0x3], $0x20, s20, s14, $0xb8;
	[tilespmem:$0xBE40] =	vst v63  }
0x45: {  	_ =	swait.ge [sflag:s10], $0xFA0  }
0x46: {  	[sflag:s10] =	ssyncset.done $0x0  }
0x47: {  	[sflag:s10] =	ssyncadd.s32 $0xFFFFF060  }
0x48: {  	_ =	swait.ge [sflag:s19], $0xFA0  }
0x49: {  	[sflag:s19] =	ssyncset.done $0x0  }
0x4a: {  	[sflag:s19] =	ssyncadd.s32 $0xFFFFF060  }
0x4b: {  	[spmem:s2] =	stream.indirect.scatter.add.f32 [tilespmem:s17], [sflag:$0x3], $0x20, s21, s14, $0xb8;
	[tilespmem:$0xBE40] =	vst v63  }
0x4c: {  	_ =	swait.ge [sflag:s10], $0xFA0  }
0x4d: {  	s22 =	sadd.s32 $0x1, s22;
	[sflag:s10] =	ssyncset.done $0x0  }
0x4e: {  	p0 =	sne.s32 s22, s9;
	[sflag:s10] =	ssyncadd.s32 $0xFFFFF060  }
.Ltmp1:
0x4f: {  	[bflag:$0x0] =	sbarrier.arrive $0xFFFF;
	(pc) =	sbr.rel @p0 .LBB2_1-.Ltmp1, $4  }
0x50: {  	[hbm:s8], [sflag:s12] =	dma.local [spmem:s13], $0x9E0  }
0x51: {  	_ =	swait.ge [sflag:s10], $0x9E0  }
0x52: {  	[sflag:s10] =	ssyncset.done $0x0  }
0x53: {  	[sflag:s10] =	ssyncadd.s32 $0xFFFFF620  }
0x54: {  	_ =	sfence.sel $0x180000  }
0x55: {  	[bflag:$0x0] =	sbarrier.arrive $0xFFFF  }
0x56: {  	p0 =	sne.s32 s0, $0x0;
	_ =	strace $0x9000004D  }
0x57: {  	s0 =	sadd.s32 @!p0 $0x100000, s1;
	[bflag:$0x2] =	sbarrier.arrive $0xFFFF  }
0x58: {  	[sflag:s0] =	ssyncadd.tile.s32 @!p0 $0x1;
	_ =	shalt  }
.Lfunc_end2:
_tile_overlayer_lowered:
.L_overlay_start_2:
0x59: {  	(tag) =	ssettag $0x2  }
0x5a: {  	s0 =	rddreg [dreg:$0x0];
	s2 =	stileid.u32  }
0x5b: {  	s1 =	rddreg [dreg:$0x1];
	p0 =	sne.s32 s2, $0x0  }
0x5c: {  	s3 =	rddreg [dreg:$0x2];
	[bflag:$0x3] =	sbarrier.arrive $0xFFFF;
	s2 =	simm.s32 @!p0 $0x1C03  }
0x5d: {  	[timem:s3], [sflag:s2] =	dma.local @!p0 [hbm:s0], s1  }
0x5e: {  	s0 =	simm.s32 @!p0 $0x3  }
0x5f: {  	_ =	swait.ge @!p0 [sflag:s0], s1  }
0x60: {  	s1 =	ssub.s32 @!p0 $0x0, s1;
	[sflag:s0] =	ssyncset.done @!p0 $0x0  }
0x61: {  	[sflag:s0] =	ssyncadd.s32 @!p0 s1  }
0x62: {  	[bflag:$0x3] =	sbarrier.arrive $0xFFFF  }
0x63: {  	_ =	shalt  }

</sc_bundles>
